<compile_context>
chip_gen: v7x
topology: tpu7x:2x2x1
jax: 0.10.2.dev20260603
libtpu: 0.0.44.dev20260713+nightly
codegen_flags: <defaults>
</compile_context>

<pallas_src>
import functools

import jax
import jax.numpy as jnp
from jax import lax
from jax.experimental import pallas as pl
from jax.experimental.pallas import tpu as pltpu
from jax.experimental.pallas import tpu_sc as plsc

N_NODES = 10000
D_IN = 128
H = 128
A_DIM = 32

P = 10240
DUMMY = 10016
NC = 2
NS = 16
NTILE = NC * NS

RANGE = P // NS
ACC_R = RANGE + 8
DROW = RANGE

CHUNK = 4096
BATCH = 128
PEND = CHUNK + BATCH

_SC_PARAMS = pltpu.CompilerParams(needs_layout_passes=False)


def _mesh():
    return plsc.VectorSubcoreMesh(core_axis_name="c", subcore_axis_name="s")


def _make_sc_deg(e_pad):
    per_tile = e_pad // NTILE
    dchunk = 2048
    n_chunks = per_tile // dchunk
    assert per_tile % dchunk == 0

    @functools.partial(
        pl.kernel,
        out_type=jax.ShapeDtypeStruct((NTILE, 2, P), jnp.float32),
        mesh=_mesh(),
        compiler_params=_SC_PARAMS,
        scratch_types=[
            pltpu.VMEM((2048,), jnp.int32),
            pltpu.VMEM((2048,), jnp.int32),
            pltpu.VMEM((P,), jnp.float32),
            pltpu.VMEM((P,), jnp.float32),
        ],
    )
    def deg_kernel(src_hbm, dst_hbm, out_hbm, sbuf, dbuf, hist_s, hist_d):
        c = lax.axis_index("c")
        s = lax.axis_index("s")
        w = c * NS + s
        zeros16 = jnp.zeros((16,), jnp.float32)
        ones16 = jnp.ones((16,), jnp.float32)

        @pl.loop(0, P // 16)
        def _(i):
            hist_s[pl.ds(i * 16, 16)] = zeros16
            hist_d[pl.ds(i * 16, 16)] = zeros16

        tile_base = w * per_tile

        @pl.loop(0, n_chunks)
        def _(ch):
            off = tile_base + ch * dchunk
            pltpu.sync_copy(src_hbm.at[pl.ds(off, dchunk)], sbuf)
            pltpu.sync_copy(dst_hbm.at[pl.ds(off, dchunk)], dbuf)

            @plsc.parallel_loop(0, dchunk // 16, unroll=4)
            def _(g):
                sv = sbuf[pl.ds(g * 16, 16)]
                dv = dbuf[pl.ds(g * 16, 16)]
                plsc.addupdate_scatter(hist_s, [sv], ones16)
                plsc.addupdate_scatter(hist_d, [dv], ones16)

        pltpu.sync_copy(hist_s, out_hbm.at[w, 0])
        pltpu.sync_copy(hist_d, out_hbm.at[w, 1])

    return deg_kernel


def _make_sc_agg(e_pad):
    half = e_pad // NC
    n_chunks = half // CHUNK
    assert half % CHUNK == 0

    @functools.partial(
        pl.kernel,
        out_type=jax.ShapeDtypeStruct((NC, P, H), jnp.float32),
        mesh=_mesh(),
        compiler_params=_SC_PARAMS,
        scratch_types=[
            pltpu.VMEM((CHUNK,), jnp.int32),
            pltpu.VMEM((CHUNK,), jnp.int32),
            pltpu.VMEM((PEND,), jnp.int32),
            pltpu.VMEM((PEND,), jnp.int32),
            pltpu.VMEM((BATCH,), jnp.int32),
            pltpu.VMEM((BATCH, H), jnp.float32),
            pltpu.VMEM((ACC_R, H), jnp.float32),
            pltpu.SemaphoreType.DMA,
            pltpu.SemaphoreType.DMA,
            pltpu.SemaphoreType.DMA,
            pltpu.SemaphoreType.DMA,
        ],
    )
    def agg_kernel(h_hbm, src_hbm, dst_hbm, out_hbm,
                   sbuf, dbuf, pend_s, pend_d, bidx, rows, acc, sem, sem2, sem3, sem4):
        c = lax.axis_index("c")
        s = lax.axis_index("s")
        lane = lax.iota(jnp.int32, 16)
        zrow16 = jnp.zeros((16,), jnp.float32)
        base = s * RANGE

        @pl.loop(0, ACC_R)
        def _(r):
            for j in range(H // 16):
                acc[r, pl.ds(j * 16, 16)] = zrow16

        @pl.loop(0, n_chunks)
        def _(ch):
            off = c * half + ch * CHUNK
            pltpu.sync_copy(src_hbm.at[pl.ds(off, CHUNK)], sbuf)
            pltpu.sync_copy(dst_hbm.at[pl.ds(off, CHUNK)], dbuf)

            def scan_body(g, ptr):
                sv = sbuf[pl.ds(g * 16, 16)]
                dv = dbuf[pl.ds(g * 16, 16)]
                dl = dv - base
                mask = (dl >= 0) & (dl < RANGE)
                plsc.store_compressed(pend_s.at[pl.ds(ptr, 16)], sv, mask=mask)
                plsc.store_compressed(pend_d.at[pl.ds(ptr, 16)], dl, mask=mask)
                return ptr + jnp.sum(mask.astype(jnp.int32))

            ptr = lax.fori_loop(0, CHUNK // 16, scan_body, 0)

            n_batches = (ptr + (BATCH - 1)) // BATCH

            def pad_body(g, _):
                pos = lane + g * 16
                cur_s = pend_s[pl.ds(g * 16, 16)]
                cur_d = pend_d[pl.ds(g * 16, 16)]
                pend_s[pl.ds(g * 16, 16)] = jnp.where(pos >= ptr, DUMMY, cur_s)
                pend_d[pl.ds(g * 16, 16)] = jnp.where(pos >= ptr, DROW, cur_d)
                return 0

            lax.fori_loop(ptr // 16, n_batches * (BATCH // 16), pad_body, 0)

            def batch_body(b, _):
                for k in range(BATCH // 16):
                    bidx[pl.ds(k * 16, 16)] = pend_s[
                        pl.ds(b * BATCH + k * 16, 16)]
                sems = [sem, sem2, sem3, sem4]
                copies = [
                    pltpu.async_copy(
                        h_hbm.at[bidx.at[pl.ds(q * 32, 32)]],
                        rows.at[pl.ds(q * 32, 32)], sems[q])
                    for q in range(4)
                ]
                for cp in copies:
                    cp.wait()

                @plsc.parallel_loop(0, BATCH, unroll=4)
                def _add(e):
                    drow = plsc.load_gather(
                        pend_d, [jnp.full((16,), b * BATCH, jnp.int32) + e])
                    for j in range(H // 16):
                        vals = rows[e, pl.ds(j * 16, 16)]
                        plsc.addupdate_scatter(
                            acc, [drow, lane + j * 16], vals)
                return 0

            lax.fori_loop(0, n_batches, batch_body, 0)

        pltpu.sync_copy(acc.at[pl.ds(0, RANGE)],
                        out_hbm.at[c, pl.ds(base, RANGE)])

    return agg_kernel


def _tc_prep_kernel(deg_ref, feat_ref, w1_ref, h1_ref, nsrc_ref, nin_ref):
    d = deg_ref[...]
    deg_s = jnp.sum(d[:, 0, :], axis=0)
    deg_d = jnp.sum(d[:, 1, :], axis=0)
    ns = lax.rsqrt(jnp.maximum(deg_s, 1.0))[:, None]
    ni = lax.rsqrt(jnp.maximum(deg_d, 1.0))[:, None]
    nsrc_ref[...] = ns
    nin_ref[...] = ni
    h1_ref[...] = jnp.dot(feat_ref[...] * ns, w1_ref[...],
                          preferred_element_type=jnp.float32)


def _bn_stats(y):
    rows = lax.broadcasted_iota(jnp.int32, y.shape, 0)
    valid = rows < N_NODES
    yv = jnp.where(valid, y, 0.0)
    mean = jnp.sum(yv, axis=0, keepdims=True) / N_NODES
    dv = jnp.where(valid, y - mean, 0.0)
    var = jnp.sum(dv * dv, axis=0, keepdims=True) / N_NODES
    return mean, lax.rsqrt(var + 1e-5)


def _tc_mid_kernel(p_ref, nsrc_ref, nin_ref, b1_ref, g1_ref, bt1_ref, w2_ref,
                   h2_ref):
    y = (p_ref[0] + p_ref[1]) * nin_ref[...] + b1_ref[...]
    mean, rstd = _bn_stats(y)
    x = jnp.maximum(g1_ref[...] * (y - mean) * rstd + bt1_ref[...], 0.0)
    h2_ref[...] = jnp.dot(x * nsrc_ref[...], w2_ref[...],
                          preferred_element_type=jnp.float32)


def _tc_head_kernel(p_ref, nin_ref, b2_ref, g2_ref, bt2_ref, wa_ref, ba_ref,
                    wv_ref, bv_ref, q_ref):
    y = (p_ref[0] + p_ref[1]) * nin_ref[...] + b2_ref[...]
    mean, rstd = _bn_stats(y)
    x = jnp.maximum(g2_ref[...] * (y - mean) * rstd + bt2_ref[...], 0.0)
    adv = jnp.dot(x, wa_ref[...], preferred_element_type=jnp.float32) + ba_ref[...]
    val = jnp.dot(x, wv_ref[...], preferred_element_type=jnp.float32) + bv_ref[...]
    q = val + adv - jnp.mean(adv, axis=1, keepdims=True)
    q_ref[...] = q[:N_NODES]


def kernel(edge_index, feat, W1, b1, g1, bt1, W2, b2, g2, bt2, Wa, ba, Wv, bv):
    n_edges = edge_index.shape[1]
    unit = NC * CHUNK
    e_pad = ((n_edges + unit - 1) // unit) * unit
    pad = e_pad - n_edges

    src = jnp.concatenate(
        [edge_index[0].astype(jnp.int32), jnp.full((pad,), DUMMY, jnp.int32)])
    dst = jnp.concatenate(
        [edge_index[1].astype(jnp.int32), jnp.full((pad,), DUMMY, jnp.int32)])
    feat_pad = jnp.pad(feat, ((0, P - N_NODES), (0, 0)))

    deg = _make_sc_deg(e_pad)(src, dst)
    agg = _make_sc_agg(e_pad)

    h1, nsrc, nin = pl.pallas_call(
        _tc_prep_kernel,
        out_shape=[jax.ShapeDtypeStruct((P, H), jnp.float32),
                   jax.ShapeDtypeStruct((P, 1), jnp.float32),
                   jax.ShapeDtypeStruct((P, 1), jnp.float32)],
    )(deg, feat_pad, W1)

    p1 = agg(h1, src, dst)

    h2 = pl.pallas_call(
        _tc_mid_kernel,
        out_shape=jax.ShapeDtypeStruct((P, H), jnp.float32),
    )(p1, nsrc, nin, b1.reshape(1, H), g1.reshape(1, H), bt1.reshape(1, H), W2)

    p2 = agg(h2, src, dst)

    q = pl.pallas_call(
        _tc_head_kernel,
        out_shape=jax.ShapeDtypeStruct((N_NODES, A_DIM), jnp.float32),
    )(p2, nin, b2.reshape(1, H), g2.reshape(1, H), bt2.reshape(1, H),
      Wa, ba.reshape(1, A_DIM), Wv, bv.reshape(1, 1))

    return q

# --- scband reference (transcript-rebuilt; emitter-appended) ---
"""Pipeline reference for scband-value-advantage-47656957116636 (READ-ONLY COPY).

The authoritative reference and input builder live on the scoring server;
editing this copy changes nothing except your own understanding.
"""

import jax, jax.numpy as jnp
import numpy as np

N_NODES = 10000
N_EDGES = 320000
D_IN = 128
H = 128
A_DIM = 32


def batchnorm(x, gamma, beta, eps=1e-5):
    mean = x.mean(axis=0)
    var = x.var(axis=0)  # biased variance, matches torch BN normalization in training mode
    return gamma * (x - mean) / jnp.sqrt(var + eps) + beta


def graph_conv(edge_index, x, W, b):
    # DGL GraphConv with norm='both', allow_zero_in_degree=True
    src = edge_index[0]
    dst = edge_index[1]
    n = x.shape[0]
    ones = jnp.ones((src.shape[0],), dtype=x.dtype)
    deg_out = jax.ops.segment_sum(ones, src, num_segments=n)
    deg_out = jnp.clip(deg_out, 1.0)
    norm_src = deg_out ** -0.5
    h = x * norm_src[:, None]
    h = h @ W
    agg = jax.ops.segment_sum(h[src], dst, num_segments=n)
    deg_in = jax.ops.segment_sum(ones, dst, num_segments=n)
    deg_in = jnp.clip(deg_in, 1.0)
    agg = agg * (deg_in ** -0.5)[:, None]
    return agg + b


def setup_inputs(seed: int = 0):
    key = jax.random.key(seed)
    ks = jax.random.split(key, 16)
    feat = jax.random.normal(ks[0], (N_NODES, D_IN), dtype=jnp.float32)
    edge_index = jax.random.randint(ks[1], (2, N_EDGES), 0, N_NODES, dtype=jnp.int32)
    s1 = 1.0 / np.sqrt(D_IN)
    s2 = 1.0 / np.sqrt(H)
    W1 = jax.random.uniform(ks[2], (D_IN, H), jnp.float32, -s1, s1)
    b1 = jax.random.uniform(ks[3], (H,), jnp.float32, -s1, s1)
    g1 = jnp.ones((H,), jnp.float32)
    bt1 = jnp.zeros((H,), jnp.float32)
    W2 = jax.random.uniform(ks[4], (H, H), jnp.float32, -s2, s2)
    b2 = jax.random.uniform(ks[5], (H,), jnp.float32, -s2, s2)
    g2 = jnp.ones((H,), jnp.float32)
    bt2 = jnp.zeros((H,), jnp.float32)
    Wa = jax.random.uniform(ks[6], (H, A_DIM), jnp.float32, -s2, s2)
    ba = jax.random.uniform(ks[7], (A_DIM,), jnp.float32, -s2, s2)
    Wv = jax.random.uniform(ks[8], (H, 1), jnp.float32, -s2, s2)
    bv = jax.random.uniform(ks[9], (1,), jnp.float32, -s2, s2)
    return {"edge_index": edge_index, "feat": feat, "W1": W1, "b1": b1, "g1": g1, "bt1": bt1,
            "W2": W2, "b2": b2, "g2": g2, "bt2": bt2, "Wa": Wa, "ba": ba, "Wv": Wv, "bv": bv}


def reference(edge_index, feat, W1, b1, g1, bt1, W2, b2, g2, bt2, Wa, ba, Wv, bv):
    X = graph_conv(edge_index, feat, W1, b1)
    X = jax.nn.relu(batchnorm(X, g1, bt1))  # dropout p=0.0 -> identity
    X = graph_conv(edge_index, X, W2, b2)
    X = jax.nn.relu(batchnorm(X, g2, bt2))
    adv = X @ Wa + ba
    val = X @ Wv + bv
    adv_agg = adv.mean(axis=1, keepdims=True)  # agg='mean'
    Q = val + (adv - adv_agg)
    return Q

if __name__ == "__main__":
    import jax
    _d = setup_inputs()
    print(jax.jit(kernel)(*tuple(_d.values())))

</pallas_src>

<mosaic_0001>
#map = affine_map<(d0, d1) -> (0, 0)>
#map1 = affine_map<(d0, d1) -> (0)>
#map2 = affine_map<(d0, d1) -> (0, 0, 0)>
module attributes {stable_mosaic.version = 14 : i64} {
  func.func @agg_kernel(%arg0: i32, %arg1: i32, %arg2: memref<10240x128xf32, #tpu.memory_space<hbm>>, %arg3: memref<327680xi32, #tpu.memory_space<hbm>>, %arg4: memref<327680xi32, #tpu.memory_space<hbm>>, %arg5: memref<2x10240x128xf32, #tpu.memory_space<hbm>>, %arg6: memref<4096xi32, #tpu.memory_space<vmem>>, %arg7: memref<4096xi32, #tpu.memory_space<vmem>>, %arg8: memref<4224xi32, #tpu.memory_space<vmem>>, %arg9: memref<4224xi32, #tpu.memory_space<vmem>>, %arg10: memref<128xi32, #tpu.memory_space<vmem>>, %arg11: memref<128x128xf32, #tpu.memory_space<vmem>>, %arg12: memref<648x128xf32, #tpu.memory_space<vmem>>, %arg13: memref<!tpu.dma_semaphore, #tpu.memory_space<semaphore_mem>>, %arg14: memref<!tpu.dma_semaphore, #tpu.memory_space<semaphore_mem>>, %arg15: memref<!tpu.dma_semaphore, #tpu.memory_space<semaphore_mem>>, %arg16: memref<!tpu.dma_semaphore, #tpu.memory_space<semaphore_mem>>) attributes {dimension_semantics = [#tpu.dimension_semantics<core_parallel>, #tpu.dimension_semantics<subcore_parallel>], iteration_bounds = array<i64: 2, 16>, scalar_prefetch = 0 : i64, scratch_operands = 11 : i64, tpu.core_type = #tpu.core_type<sc_vector_subcore>, window_params = [{transform_indices = #map}, {transform_indices = #map1}, {transform_indices = #map1}, {transform_indices = #map2}]} {
    %iota3A = tpu.iota {dimensions = array<i32: 0>} : vector<16xi32>
    %broadcast_in_dim3A = arith.constant 0.000000e+00 : f32
    %broadcast_in_dim3A_0 = vector.broadcast %broadcast_in_dim3A : f32 to vector<16xf32>
    %mul3A = arith.constant 640 : i32
    %mul3A_1 = arith.muli %arg1, %mul3A : i32
    %scan3A = arith.constant 0 : i32
    %scan3A_2 = arith.constant 648 : i32
    %scan3A_3 = arith.addi %scan3A, %scan3A_2 : i32
    %scan3A_4 = arith.constant 1 : i32
    scf.for %scan3A_11 = %scan3A to %scan3A_3 step %scan3A_4  : i32 {
      %mul3A_12 = arith.constant 1 : i32
      %mul3A_13 = arith.muli %scan3A_11, %mul3A_12 : i32
      %add3A = arith.constant 0 : i32
      %add3A_14 = arith.addi %add3A, %mul3A_13 : i32
      %swap3A = arith.index_cast %add3A_14 : i32 to index
      %swap3A_15 = arith.constant 0 : index
      %swap3A_16 = tpu.vector_load %arg12[%swap3A, %swap3A_15] {strides = array<i32>} : memref<648x128xf32, #tpu.memory_space<vmem>>, vector<16xf32>,
      tpu.vector_store %arg12[%swap3A, %swap3A_15], %broadcast_in_dim3A_0 {strides = array<i32>} : memref<648x128xf32, #tpu.memory_space<vmem>>, vector<16xf32>,
      %swap3A_17 = arith.index_cast %add3A_14 : i32 to index
      %swap3A_18 = arith.constant 16 : index
      %swap3A_19 = tpu.vector_load %arg12[%swap3A_17, %swap3A_18] {strides = array<i32>} : memref<648x128xf32, #tpu.memory_space<vmem>>, vector<16xf32>,
      tpu.vector_store %arg12[%swap3A_17, %swap3A_18], %broadcast_in_dim3A_0 {strides = array<i32>} : memref<648x128xf32, #tpu.memory_space<vmem>>, vector<16xf32>,
      %swap3A_20 = arith.index_cast %add3A_14 : i32 to index
      %swap3A_21 = arith.constant 32 : index
      %swap3A_22 = tpu.vector_load %arg12[%swap3A_20, %swap3A_21] {strides = array<i32>} : memref<648x128xf32, #tpu.memory_space<vmem>>, vector<16xf32>,
      tpu.vector_store %arg12[%swap3A_20, %swap3A_21], %broadcast_in_dim3A_0 {strides = array<i32>} : memref<648x128xf32, #tpu.memory_space<vmem>>, vector<16xf32>,
      %swap3A_23 = arith.index_cast %add3A_14 : i32 to index
      %swap3A_24 = arith.constant 48 : index
      %swap3A_25 = tpu.vector_load %arg12[%swap3A_23, %swap3A_24] {strides = array<i32>} : memref<648x128xf32, #tpu.memory_space<vmem>>, vector<16xf32>,
      tpu.vector_store %arg12[%swap3A_23, %swap3A_24], %broadcast_in_dim3A_0 {strides = array<i32>} : memref<648x128xf32, #tpu.memory_space<vmem>>, vector<16xf32>,
      %swap3A_26 = arith.index_cast %add3A_14 : i32 to index
      %swap3A_27 = arith.constant 64 : index
      %swap3A_28 = tpu.vector_load %arg12[%swap3A_26, %swap3A_27] {strides = array<i32>} : memref<648x128xf32, #tpu.memory_space<vmem>>, vector<16xf32>,
      tpu.vector_store %arg12[%swap3A_26, %swap3A_27], %broadcast_in_dim3A_0 {strides = array<i32>} : memref<648x128xf32, #tpu.memory_space<vmem>>, vector<16xf32>,
      %swap3A_29 = arith.index_cast %add3A_14 : i32 to index
      %swap3A_30 = arith.constant 80 : index
      %swap3A_31 = tpu.vector_load %arg12[%swap3A_29, %swap3A_30] {strides = array<i32>} : memref<648x128xf32, #tpu.memory_space<vmem>>, vector<16xf32>,
      tpu.vector_store %arg12[%swap3A_29, %swap3A_30], %broadcast_in_dim3A_0 {strides = array<i32>} : memref<648x128xf32, #tpu.memory_space<vmem>>, vector<16xf32>,
      %swap3A_32 = arith.index_cast %add3A_14 : i32 to index
      %swap3A_33 = arith.constant 96 : index
      %swap3A_34 = tpu.vector_load %arg12[%swap3A_32, %swap3A_33] {strides = array<i32>} : memref<648x128xf32, #tpu.memory_space<vmem>>, vector<16xf32>,
      tpu.vector_store %arg12[%swap3A_32, %swap3A_33], %broadcast_in_dim3A_0 {strides = array<i32>} : memref<648x128xf32, #tpu.memory_space<vmem>>, vector<16xf32>,
      %swap3A_35 = arith.index_cast %add3A_14 : i32 to index
      %swap3A_36 = arith.constant 112 : index
      %swap3A_37 = tpu.vector_load %arg12[%swap3A_35, %swap3A_36] {strides = array<i32>} : memref<648x128xf32, #tpu.memory_space<vmem>>, vector<16xf32>,
      tpu.vector_store %arg12[%swap3A_35, %swap3A_36], %broadcast_in_dim3A_0 {strides = array<i32>} : memref<648x128xf32, #tpu.memory_space<vmem>>, vector<16xf32>,
    }
    %scan3A_5 = arith.constant 648 : i32
    %scan3A_6 = arith.constant 0 : i32
    %scan3A_7 = arith.constant 40 : i32
    %scan3A_8 = arith.addi %scan3A_6, %scan3A_7 : i32
    %scan3A_9 = arith.constant 1 : i32
    scf.for %scan3A_11 = %scan3A_6 to %scan3A_8 step %scan3A_9  : i32 {
      %mul3A_12 = arith.constant 1 : i32
      %mul3A_13 = arith.muli %scan3A_11, %mul3A_12 : i32
      %add3A = arith.constant 0 : i32
      %add3A_14 = arith.addi %add3A, %mul3A_13 : i32
      %mul3A_15 = arith.constant 163840 : i32
      %mul3A_16 = arith.muli %arg0, %mul3A_15 : i32
      %mul3A_17 = arith.constant 4096 : i32
      %mul3A_18 = arith.muli %add3A_14, %mul3A_17 : i32
      %add3A_19 = arith.addi %mul3A_16, %mul3A_18 : i32
      "tpu.region"() ({
        %run_scoped3A = tpu.sem_alloc : memref<!tpu.dma_semaphore, #tpu.memory_space<semaphore_mem>>
        %dma_start3A = tpu.memref_slice %arg3[%add3A_19] : memref<327680xi32, #tpu.memory_space<hbm>> -> memref<4096xi32, #tpu.memory_space<hbm>>
        %dma_start3A_93 = tpu.memref_slice %arg3[%add3A_19] : memref<327680xi32, #tpu.memory_space<hbm>> -> memref<4096xi32, #tpu.memory_space<hbm>>
        tpu.enqueue_dma source(%dma_start3A_93 : memref<4096xi32, #tpu.memory_space<hbm>>) target(%arg6 : memref<4096xi32, #tpu.memory_space<vmem>>) target_semaphore(%run_scoped3A : memref<!tpu.dma_semaphore, #tpu.memory_space<semaphore_mem>>)
        %dma_wait3A = tpu.memref_slice %arg3[%add3A_19] : memref<327680xi32, #tpu.memory_space<hbm>> -> memref<4096xi32, #tpu.memory_space<hbm>>
        %dma_wait3A_94 = tpu.memref_slice %arg3[%add3A_19] : memref<327680xi32, #tpu.memory_space<hbm>> -> memref<4096xi32, #tpu.memory_space<hbm>>
        tpu.wait_dma2 semaphore(%run_scoped3A : memref<!tpu.dma_semaphore, #tpu.memory_space<semaphore_mem>>) src(%dma_wait3A_94 : memref<4096xi32, #tpu.memory_space<hbm>>) dst(%arg6 : memref<4096xi32, #tpu.memory_space<vmem>>)
        tpu.yield
      }) : () -> ()
      "tpu.region"() ({
        %run_scoped3A = tpu.sem_alloc : memref<!tpu.dma_semaphore, #tpu.memory_space<semaphore_mem>>
        %dma_start3A = tpu.memref_slice %arg4[%add3A_19] : memref<327680xi32, #tpu.memory_space<hbm>> -> memref<4096xi32, #tpu.memory_space<hbm>>
        %dma_start3A_93 = tpu.memref_slice %arg4[%add3A_19] : memref<327680xi32, #tpu.memory_space<hbm>> -> memref<4096xi32, #tpu.memory_space<hbm>>
        tpu.enqueue_dma source(%dma_start3A_93 : memref<4096xi32, #tpu.memory_space<hbm>>) target(%arg7 : memref<4096xi32, #tpu.memory_space<vmem>>) target_semaphore(%run_scoped3A : memref<!tpu.dma_semaphore, #tpu.memory_space<semaphore_mem>>)
        %dma_wait3A = tpu.memref_slice %arg4[%add3A_19] : memref<327680xi32, #tpu.memory_space<hbm>> -> memref<4096xi32, #tpu.memory_space<hbm>>
        %dma_wait3A_94 = tpu.memref_slice %arg4[%add3A_19] : memref<327680xi32, #tpu.memory_space<hbm>> -> memref<4096xi32, #tpu.memory_space<hbm>>
        tpu.wait_dma2 semaphore(%run_scoped3A : memref<!tpu.dma_semaphore, #tpu.memory_space<semaphore_mem>>) src(%dma_wait3A_94 : memref<4096xi32, #tpu.memory_space<hbm>>) dst(%arg7 : memref<4096xi32, #tpu.memory_space<vmem>>)
        tpu.yield
      }) : () -> ()
      %scan3A_20 = arith.constant 0 : i32
      %scan3A_21 = arith.constant 0 : i32
      %scan3A_22 = arith.constant 256 : i32
      %scan3A_23 = arith.addi %scan3A_21, %scan3A_22 : i32
      %scan3A_24 = arith.constant 1 : i32
      %scan3A_25 = scf.for %scan3A_93 = %scan3A_21 to %scan3A_23 step %scan3A_24 iter_args(%scan3A_94 = %scan3A_20) -> (i32)  : i32 {
        %mul3A_95 = arith.constant 16 : i32
        %mul3A_96 = arith.muli %scan3A_93, %mul3A_95 : i32
        %get3A = arith.index_cast %mul3A_96 : i32 to index
        %get3A_97 = tpu.vector_load %arg6[%get3A] {strides = array<i32>} : memref<4096xi32, #tpu.memory_space<vmem>>, vector<16xi32>,
        %mul3A_98 = arith.constant 16 : i32
        %mul3A_99 = arith.muli %scan3A_93, %mul3A_98 : i32
        %get3A_100 = arith.index_cast %mul3A_99 : i32 to index
        %get3A_101 = tpu.vector_load %arg7[%get3A_100] {strides = array<i32>} : memref<4096xi32, #tpu.memory_space<vmem>>, vector<16xi32>,
        %sub3A_102 = vector.broadcast %mul3A_1 : i32 to vector<16xi32>
        %sub3A_103 = arith.subi %get3A_101, %sub3A_102 : vector<16xi32>
        %ge3A = arith.constant 0 : i32
        %ge3A_104 = vector.broadcast %ge3A : i32 to vector<16xi32>
        %ge3A_105 = arith.cmpi sge, %sub3A_103, %ge3A_104 : vector<16xi32>
        %lt3A = arith.constant 640 : i32
        %lt3A_106 = vector.broadcast %lt3A : i32 to vector<16xi32>
        %lt3A_107 = arith.cmpi slt, %sub3A_103, %lt3A_106 : vector<16xi32>
        %and3A_108 = arith.andi %ge3A_105, %lt3A_107 : vector<16xi1>
        %swap3A = arith.index_cast %scan3A_94 : i32 to index
        %swap3A_109 = tpu.vector_load %arg8[%swap3A] masked %and3A_108 {strides = array<i32>} : memref<4224xi32, #tpu.memory_space<vmem>>, vector<16xi32>, vector<16xi1>
        tpu.vector_store %arg8[%swap3A], %get3A_97 masked %and3A_108 {strides = array<i32>} : memref<4224xi32, #tpu.memory_space<vmem>>, vector<16xi32>, vector<16xi1>
        %swap3A_110 = arith.index_cast %scan3A_94 : i32 to index
        %swap3A_111 = tpu.vector_load %arg9[%swap3A_110] masked %and3A_108 {strides = array<i32>} : memref<4224xi32, #tpu.memory_space<vmem>>, vector<16xi32>, vector<16xi1>
        tpu.vector_store %arg9[%swap3A_110], %sub3A_103 masked %and3A_108 {strides = array<i32>} : memref<4224xi32, #tpu.memory_space<vmem>>, vector<16xi32>, vector<16xi1>
        %convert_element_type3A = arith.extui %and3A_108 : vector<16xi1> to vector<16xi32>
        %reduce_sum3A = arith.constant true
        %reduce_sum3A_112 = vector.broadcast %reduce_sum3A : i1 to vector<16xi1>
        %reduce_sum3A_113 = tpu.scan <sum>, %convert_element_type3A masked %reduce_sum3A_112 : vector<16xi32>, vector<16xi1> -> vector<16xi32>
        %reduce_sum3A_114 = vector.extract %reduce_sum3A_113[15] : i32 from vector<16xi32>
        %add3A_115 = arith.addi %scan3A_94, %reduce_sum3A_114 : i32
        scf.yield %add3A_115 : i32
      }
      %scan3A_26 = arith.constant 256 : i32
      %add3A_27 = arith.constant 127 : i32
      %add3A_28 = arith.addi %scan3A_25, %add3A_27 : i32
      %jit3A = arith.constant 128 : i32
      %div3A = arith.divsi %add3A_28, %jit3A : i32
      %sign3A = arith.constant 0 : i32
      %sign3A_29 = arith.cmpi sgt, %add3A_28, %sign3A : i32
      %sign3A_30 = arith.extui %sign3A_29 : i1 to i32
      %sign3A_31 = arith.constant 0 : i32
      %sign3A_32 = arith.cmpi slt, %add3A_28, %sign3A_31 : i32
      %sign3A_33 = arith.extui %sign3A_32 : i1 to i32
      %sign3A_34 = arith.subi %sign3A_30, %sign3A_33 : i32
      %sign3A_35 = arith.constant 0 : i32
      %sign3A_36 = arith.cmpi sgt, %jit3A, %sign3A_35 : i32
      %sign3A_37 = arith.extui %sign3A_36 : i1 to i32
      %sign3A_38 = arith.constant 0 : i32
      %sign3A_39 = arith.cmpi slt, %jit3A, %sign3A_38 : i32
      %sign3A_40 = arith.extui %sign3A_39 : i1 to i32
      %sign3A_41 = arith.subi %sign3A_37, %sign3A_40 : i32
      %ne3A = arith.cmpi ne, %sign3A_34, %sign3A_41 : i32
      %rem3A = arith.remsi %add3A_28, %jit3A : i32
      %ne3A_42 = arith.constant 0 : i32
      %ne3A_43 = arith.cmpi ne, %rem3A, %ne3A_42 : i32
      %and3A = arith.andi %ne3A, %ne3A_43 : i1
      %sub3A = arith.constant 1 : i32
      %sub3A_44 = arith.subi %div3A, %sub3A : i32
      %select_n3A = arith.select %and3A, %sub3A_44, %div3A : i32
      %jit3A_45 = arith.constant 16 : i32
      %div3A_46 = arith.divsi %scan3A_25, %jit3A_45 : i32
      %sign3A_47 = arith.constant 0 : i32
      %sign3A_48 = arith.cmpi sgt, %scan3A_25, %sign3A_47 : i32
      %sign3A_49 = arith.extui %sign3A_48 : i1 to i32
      %sign3A_50 = arith.constant 0 : i32
      %sign3A_51 = arith.cmpi slt, %scan3A_25, %sign3A_50 : i32
      %sign3A_52 = arith.extui %sign3A_51 : i1 to i32
      %sign3A_53 = arith.subi %sign3A_49, %sign3A_52 : i32
      %sign3A_54 = arith.constant 0 : i32
      %sign3A_55 = arith.cmpi sgt, %jit3A_45, %sign3A_54 : i32
      %sign3A_56 = arith.extui %sign3A_55 : i1 to i32
      %sign3A_57 = arith.constant 0 : i32
      %sign3A_58 = arith.cmpi slt, %jit3A_45, %sign3A_57 : i32
      %sign3A_59 = arith.extui %sign3A_58 : i1 to i32
      %sign3A_60 = arith.subi %sign3A_56, %sign3A_59 : i32
      %ne3A_61 = arith.cmpi ne, %sign3A_53, %sign3A_60 : i32
      %rem3A_62 = arith.remsi %scan3A_25, %jit3A_45 : i32
      %ne3A_63 = arith.constant 0 : i32
      %ne3A_64 = arith.cmpi ne, %rem3A_62, %ne3A_63 : i32
      %and3A_65 = arith.andi %ne3A_61, %ne3A_64 : i1
      %sub3A_66 = arith.constant 1 : i32
      %sub3A_67 = arith.subi %div3A_46, %sub3A_66 : i32
      %select_n3A_68 = arith.select %and3A_65, %sub3A_67, %div3A_46 : i32
      %mul3A_69 = arith.constant 8 : i32
      %mul3A_70 = arith.muli %select_n3A, %mul3A_69 : i32
      %while3A = arith.constant 0 : i32
      %while3A_71 = arith.subi %mul3A_70, %select_n3A_68 : i32
      %while3A_72 = arith.addi %select_n3A_68, %while3A_71 : i32
      %while3A_73 = arith.constant 1 : i32
      %while3A_74 = arith.divsi %while3A_71, %while3A_73 : i32
      %while3A_75 = arith.muli %while3A_74, %while3A_73 : i32
      %while3A_76 = arith.addi %select_n3A_68, %while3A_75 : i32
      %while3A_77 = arith.constant 1 : i32
      %while3A_78 = scf.for %while3A_93 = %select_n3A_68 to %while3A_76 step %while3A_77 iter_args(%while3A_94 = %while3A) -> (i32)  : i32 {
        %mul3A_95 = arith.constant 16 : i32
        %mul3A_96 = arith.muli %while3A_93, %mul3A_95 : i32
        %add3A_97 = vector.broadcast %mul3A_96 : i32 to vector<16xi32>
        %add3A_98 = arith.addi %iota3A, %add3A_97 : vector<16xi32>
        %mul3A_99 = arith.constant 16 : i32
        %mul3A_100 = arith.muli %while3A_93, %mul3A_99 : i32
        %get3A = arith.index_cast %mul3A_100 : i32 to index
        %get3A_101 = tpu.vector_load %arg8[%get3A] {strides = array<i32>} : memref<4224xi32, #tpu.memory_space<vmem>>, vector<16xi32>,
        %mul3A_102 = arith.constant 16 : i32
        %mul3A_103 = arith.muli %while3A_93, %mul3A_102 : i32
        %get3A_104 = arith.index_cast %mul3A_103 : i32 to index
        %get3A_105 = tpu.vector_load %arg9[%get3A_104] {strides = array<i32>} : memref<4224xi32, #tpu.memory_space<vmem>>, vector<16xi32>,
        %ge3A = vector.broadcast %scan3A_25 : i32 to vector<16xi32>
        %ge3A_106 = arith.cmpi sge, %add3A_98, %ge3A : vector<16xi32>
        %jit3A_107 = arith.constant 10016 : i32
        %broadcast_in_dim3A_108 = vector.broadcast %jit3A_107 : i32 to vector<16xi32>
        %select_n3A_109 = arith.select %ge3A_106, %broadcast_in_dim3A_108, %get3A_101 : vector<16xi1>, vector<16xi32>
        %mul3A_110 = arith.constant 16 : i32
        %mul3A_111 = arith.muli %while3A_93, %mul3A_110 : i32
        %swap3A = arith.index_cast %mul3A_111 : i32 to index
        %swap3A_112 = tpu.vector_load %arg8[%swap3A] {strides = array<i32>} : memref<4224xi32, #tpu.memory_space<vmem>>, vector<16xi32>,
        tpu.vector_store %arg8[%swap3A], %select_n3A_109 {strides = array<i32>} : memref<4224xi32, #tpu.memory_space<vmem>>, vector<16xi32>,
        %ge3A_113 = vector.broadcast %scan3A_25 : i32 to vector<16xi32>
        %ge3A_114 = arith.cmpi sge, %add3A_98, %ge3A_113 : vector<16xi32>
        %jit3A_115 = arith.constant 640 : i32
        %broadcast_in_dim3A_116 = vector.broadcast %jit3A_115 : i32 to vector<16xi32>
        %select_n3A_117 = arith.select %ge3A_114, %broadcast_in_dim3A_116, %get3A_105 : vector<16xi1>, vector<16xi32>
        %mul3A_118 = arith.constant 16 : i32
        %mul3A_119 = arith.muli %while3A_93, %mul3A_118 : i32
        %swap3A_120 = arith.index_cast %mul3A_119 : i32 to index
        %swap3A_121 = tpu.vector_load %arg9[%swap3A_120] {strides = array<i32>} : memref<4224xi32, #tpu.memory_space<vmem>>, vector<16xi32>,
        tpu.vector_store %arg9[%swap3A_120], %select_n3A_117 {strides = array<i32>} : memref<4224xi32, #tpu.memory_space<vmem>>, vector<16xi32>,
        %while3A_122 = arith.constant 0 : i32
        scf.yield %while3A_122 : i32
      }
      %while3A_79 = arith.constant 1 : i32
      %while3A_80 = scf.for %while3A_93 = %while3A_76 to %while3A_72 step %while3A_79 iter_args(%while3A_94 = %while3A_78) -> (i32)  : i32 {
        %mul3A_95 = arith.constant 16 : i32
        %mul3A_96 = arith.muli %while3A_93, %mul3A_95 : i32
        %add3A_97 = vector.broadcast %mul3A_96 : i32 to vector<16xi32>
        %add3A_98 = arith.addi %iota3A, %add3A_97 : vector<16xi32>
        %mul3A_99 = arith.constant 16 : i32
        %mul3A_100 = arith.muli %while3A_93, %mul3A_99 : i32
        %get3A = arith.index_cast %mul3A_100 : i32 to index
        %get3A_101 = tpu.vector_load %arg8[%get3A] {strides = array<i32>} : memref<4224xi32, #tpu.memory_space<vmem>>, vector<16xi32>,
        %mul3A_102 = arith.constant 16 : i32
        %mul3A_103 = arith.muli %while3A_93, %mul3A_102 : i32
        %get3A_104 = arith.index_cast %mul3A_103 : i32 to index
        %get3A_105 = tpu.vector_load %arg9[%get3A_104] {strides = array<i32>} : memref<4224xi32, #tpu.memory_space<vmem>>, vector<16xi32>,
        %ge3A = vector.broadcast %scan3A_25 : i32 to vector<16xi32>
        %ge3A_106 = arith.cmpi sge, %add3A_98, %ge3A : vector<16xi32>
        %jit3A_107 = arith.constant 10016 : i32
        %broadcast_in_dim3A_108 = vector.broadcast %jit3A_107 : i32 to vector<16xi32>
        %select_n3A_109 = arith.select %ge3A_106, %broadcast_in_dim3A_108, %get3A_101 : vector<16xi1>, vector<16xi32>
        %mul3A_110 = arith.constant 16 : i32
        %mul3A_111 = arith.muli %while3A_93, %mul3A_110 : i32
        %swap3A = arith.index_cast %mul3A_111 : i32 to index
        %swap3A_112 = tpu.vector_load %arg8[%swap3A] {strides = array<i32>} : memref<4224xi32, #tpu.memory_space<vmem>>, vector<16xi32>,
        tpu.vector_store %arg8[%swap3A], %select_n3A_109 {strides = array<i32>} : memref<4224xi32, #tpu.memory_space<vmem>>, vector<16xi32>,
        %ge3A_113 = vector.broadcast %scan3A_25 : i32 to vector<16xi32>
        %ge3A_114 = arith.cmpi sge, %add3A_98, %ge3A_113 : vector<16xi32>
        %jit3A_115 = arith.constant 640 : i32
        %broadcast_in_dim3A_116 = vector.broadcast %jit3A_115 : i32 to vector<16xi32>
        %select_n3A_117 = arith.select %ge3A_114, %broadcast_in_dim3A_116, %get3A_105 : vector<16xi1>, vector<16xi32>
        %mul3A_118 = arith.constant 16 : i32
        %mul3A_119 = arith.muli %while3A_93, %mul3A_118 : i32
        %swap3A_120 = arith.index_cast %mul3A_119 : i32 to index
        %swap3A_121 = tpu.vector_load %arg9[%swap3A_120] {strides = array<i32>} : memref<4224xi32, #tpu.memory_space<vmem>>, vector<16xi32>,
        tpu.vector_store %arg9[%swap3A_120], %select_n3A_117 {strides = array<i32>} : memref<4224xi32, #tpu.memory_space<vmem>>, vector<16xi32>,
        %while3A_122 = arith.constant 0 : i32
        scf.yield %while3A_122 : i32
      }
      %while3A_81 = arith.constant 0 : i32
      %while3A_82 = arith.constant 0 : i32
      %while3A_83 = arith.subi %select_n3A, %while3A_81 : i32
      %while3A_84 = arith.addi %while3A_81, %while3A_83 : i32
      %while3A_85 = arith.constant 1 : i32
      %while3A_86 = arith.divsi %while3A_83, %while3A_85 : i32
      %while3A_87 = arith.muli %while3A_86, %while3A_85 : i32
      %while3A_88 = arith.addi %while3A_81, %while3A_87 : i32
      %while3A_89 = arith.constant 1 : i32
      %while3A_90 = scf.for %while3A_93 = %while3A_81 to %while3A_88 step %while3A_89 iter_args(%while3A_94 = %while3A_82) -> (i32)  : i32 {
        %mul3A_95 = arith.constant 128 : i32
        %mul3A_96 = arith.muli %while3A_93, %mul3A_95 : i32
        %add3A_97 = arith.constant 0 : i32
        %add3A_98 = arith.addi %mul3A_96, %add3A_97 : i32
        %get3A = arith.index_cast %add3A_98 : i32 to index
        %get3A_99 = tpu.vector_load %arg8[%get3A] {strides = array<i32>} : memref<4224xi32, #tpu.memory_space<vmem>>, vector<16xi32>,
        %swap3A = arith.constant 0 : index
        %swap3A_100 = tpu.vector_load %arg10[%swap3A] {strides = array<i32>} : memref<128xi32, #tpu.memory_space<vmem>>, vector<16xi32>,
        tpu.vector_store %arg10[%swap3A], %get3A_99 {strides = array<i32>} : memref<128xi32, #tpu.memory_space<vmem>>, vector<16xi32>,
        %mul3A_101 = arith.constant 128 : i32
        %mul3A_102 = arith.muli %while3A_93, %mul3A_101 : i32
        %add3A_103 = arith.constant 16 : i32
        %add3A_104 = arith.addi %mul3A_102, %add3A_103 : i32
        %get3A_105 = arith.index_cast %add3A_104 : i32 to index
        %get3A_106 = tpu.vector_load %arg8[%get3A_105] {strides = array<i32>} : memref<4224xi32, #tpu.memory_space<vmem>>, vector<16xi32>,
        %swap3A_107 = arith.constant 16 : index
        %swap3A_108 = tpu.vector_load %arg10[%swap3A_107] {strides = array<i32>} : memref<128xi32, #tpu.memory_space<vmem>>, vector<16xi32>,
        tpu.vector_store %arg10[%swap3A_107], %get3A_106 {strides = array<i32>} : memref<128xi32, #tpu.memory_space<vmem>>, vector<16xi32>,
        %mul3A_109 = arith.constant 128 : i32
        %mul3A_110 = arith.muli %while3A_93, %mul3A_109 : i32
        %add3A_111 = arith.constant 32 : i32
        %add3A_112 = arith.addi %mul3A_110, %add3A_111 : i32
        %get3A_113 = arith.index_cast %add3A_112 : i32 to index
        %get3A_114 = tpu.vector_load %arg8[%get3A_113] {strides = array<i32>} : memref<4224xi32, #tpu.memory_space<vmem>>, vector<16xi32>,
        %swap3A_115 = arith.constant 32 : index
        %swap3A_116 = tpu.vector_load %arg10[%swap3A_115] {strides = array<i32>} : memref<128xi32, #tpu.memory_space<vmem>>, vector<16xi32>,
        tpu.vector_store %arg10[%swap3A_115], %get3A_114 {strides = array<i32>} : memref<128xi32, #tpu.memory_space<vmem>>, vector<16xi32>,
        %mul3A_117 = arith.constant 128 : i32
        %mul3A_118 = arith.muli %while3A_93, %mul3A_117 : i32
        %add3A_119 = arith.constant 48 : i32
        %add3A_120 = arith.addi %mul3A_118, %add3A_119 : i32
        %get3A_121 = arith.index_cast %add3A_120 : i32 to index
        %get3A_122 = tpu.vector_load %arg8[%get3A_121] {strides = array<i32>} : memref<4224xi32, #tpu.memory_space<vmem>>, vector<16xi32>,
        %swap3A_123 = arith.constant 48 : index
        %swap3A_124 = tpu.vector_load %arg10[%swap3A_123] {strides = array<i32>} : memref<128xi32, #tpu.memory_space<vmem>>, vector<16xi32>,
        tpu.vector_store %arg10[%swap3A_123], %get3A_122 {strides = array<i32>} : memref<128xi32, #tpu.memory_space<vmem>>, vector<16xi32>,
        %mul3A_125 = arith.constant 128 : i32
        %mul3A_126 = arith.muli %while3A_93, %mul3A_125 : i32
        %add3A_127 = arith.constant 64 : i32
        %add3A_128 = arith.addi %mul3A_126, %add3A_127 : i32
        %get3A_129 = arith.index_cast %add3A_128 : i32 to index
        %get3A_130 = tpu.vector_load %arg8[%get3A_129] {strides = array<i32>} : memref<4224xi32, #tpu.memory_space<vmem>>, vector<16xi32>,
        %swap3A_131 = arith.constant 64 : index
        %swap3A_132 = tpu.vector_load %arg10[%swap3A_131] {strides = array<i32>} : memref<128xi32, #tpu.memory_space<vmem>>, vector<16xi32>,
        tpu.vector_store %arg10[%swap3A_131], %get3A_130 {strides = array<i32>} : memref<128xi32, #tpu.memory_space<vmem>>, vector<16xi32>,
        %mul3A_133 = arith.constant 128 : i32
        %mul3A_134 = arith.muli %while3A_93, %mul3A_133 : i32
        %add3A_135 = arith.constant 80 : i32
        %add3A_136 = arith.addi %mul3A_134, %add3A_135 : i32
        %get3A_137 = arith.index_cast %add3A_136 : i32 to index
        %get3A_138 = tpu.vector_load %arg8[%get3A_137] {strides = array<i32>} : memref<4224xi32, #tpu.memory_space<vmem>>, vector<16xi32>,
        %swap3A_139 = arith.constant 80 : index
        %swap3A_140 = tpu.vector_load %arg10[%swap3A_139] {strides = array<i32>} : memref<128xi32, #tpu.memory_space<vmem>>, vector<16xi32>,
        tpu.vector_store %arg10[%swap3A_139], %get3A_138 {strides = array<i32>} : memref<128xi32, #tpu.memory_space<vmem>>, vector<16xi32>,
        %mul3A_141 = arith.constant 128 : i32
        %mul3A_142 = arith.muli %while3A_93, %mul3A_141 : i32
        %add3A_143 = arith.constant 96 : i32
        %add3A_144 = arith.addi %mul3A_142, %add3A_143 : i32
        %get3A_145 = arith.index_cast %add3A_144 : i32 to index
        %get3A_146 = tpu.vector_load %arg8[%get3A_145] {strides = array<i32>} : memref<4224xi32, #tpu.memory_space<vmem>>, vector<16xi32>,
        %swap3A_147 = arith.constant 96 : index
        %swap3A_148 = tpu.vector_load %arg10[%swap3A_147] {strides = array<i32>} : memref<128xi32, #tpu.memory_space<vmem>>, vector<16xi32>,
        tpu.vector_store %arg10[%swap3A_147], %get3A_146 {strides = array<i32>} : memref<128xi32, #tpu.memory_space<vmem>>, vector<16xi32>,
        %mul3A_149 = arith.constant 128 : i32
        %mul3A_150 = arith.muli %while3A_93, %mul3A_149 : i32
        %add3A_151 = arith.constant 112 : i32
        %add3A_152 = arith.addi %mul3A_150, %add3A_151 : i32
        %get3A_153 = arith.index_cast %add3A_152 : i32 to index
        %get3A_154 = tpu.vector_load %arg8[%get3A_153] {strides = array<i32>} : memref<4224xi32, #tpu.memory_space<vmem>>, vector<16xi32>,
        %swap3A_155 = arith.constant 112 : index
        %swap3A_156 = tpu.vector_load %arg10[%swap3A_155] {strides = array<i32>} : memref<128xi32, #tpu.memory_space<vmem>>, vector<16xi32>,
        tpu.vector_store %arg10[%swap3A_155], %get3A_154 {strides = array<i32>} : memref<128xi32, #tpu.memory_space<vmem>>, vector<16xi32>,
        %dma_start3A = arith.constant 0 : i32
        %dma_start3A_157 = arith.constant 0 : i32
        %dma_start3A_158 = tpu.memref_slice %arg11[%dma_start3A, %dma_start3A_157] : memref<128x128xf32, #tpu.memory_space<vmem>> -> memref<32x128xf32, #tpu.memory_space<vmem>>
        %dma_start3A_159 = arith.constant 0 : i32
        %dma_start3A_160 = tpu.memref_slice %arg10[%dma_start3A_159] : memref<128xi32, #tpu.memory_space<vmem>> -> memref<32xi32, #tpu.memory_space<vmem>>
        %dma_start3A_161 = arith.constant 0 : i32
        %dma_start3A_162 = arith.constant 0 : i32
        %dma_start3A_163 = tpu.memref_slice %arg2[%dma_start3A_161, %dma_start3A_162] : memref<10240x128xf32, #tpu.memory_space<hbm>> -> memref<10240x128xf32, #tpu.memory_space<hbm>>
        tpu.enqueue_indirect_dma source(%dma_start3A_163 : memref<10240x128xf32, #tpu.memory_space<hbm>>) target(%dma_start3A_158 : memref<32x128xf32, #tpu.memory_space<vmem>>) offsets(%dma_start3A_160 : memref<32xi32, #tpu.memory_space<vmem>>) semaphore(%arg13 : memref<!tpu.dma_semaphore, #tpu.memory_space<semaphore_mem>>)
        %dma_start3A_164 = arith.constant 32 : i32
        %dma_start3A_165 = arith.constant 0 : i32
        %dma_start3A_166 = tpu.memref_slice %arg11[%dma_start3A_164, %dma_start3A_165] : memref<128x128xf32, #tpu.memory_space<vmem>> -> memref<32x128xf32, #tpu.memory_space<vmem>>
        %dma_start3A_167 = arith.constant 32 : i32
        %dma_start3A_168 = tpu.memref_slice %arg10[%dma_start3A_167] : memref<128xi32, #tpu.memory_space<vmem>> -> memref<32xi32, #tpu.memory_space<vmem>>
        %dma_start3A_169 = arith.constant 0 : i32
        %dma_start3A_170 = arith.constant 0 : i32
        %dma_start3A_171 = tpu.memref_slice %arg2[%dma_start3A_169, %dma_start3A_170] : memref<10240x128xf32, #tpu.memory_space<hbm>> -> memref<10240x128xf32, #tpu.memory_space<hbm>>
        tpu.enqueue_indirect_dma source(%dma_start3A_171 : memref<10240x128xf32, #tpu.memory_space<hbm>>) target(%dma_start3A_166 : memref<32x128xf32, #tpu.memory_space<vmem>>) offsets(%dma_start3A_168 : memref<32xi32, #tpu.memory_space<vmem>>) semaphore(%arg14 : memref<!tpu.dma_semaphore, #tpu.memory_space<semaphore_mem>>)
        %dma_start3A_172 = arith.constant 64 : i32
        %dma_start3A_173 = arith.constant 0 : i32
        %dma_start3A_174 = tpu.memref_slice %arg11[%dma_start3A_172, %dma_start3A_173] : memref<128x128xf32, #tpu.memory_space<vmem>> -> memref<32x128xf32, #tpu.memory_space<vmem>>
        %dma_start3A_175 = arith.constant 64 : i32
        %dma_start3A_176 = tpu.memref_slice %arg10[%dma_start3A_175] : memref<128xi32, #tpu.memory_space<vmem>> -> memref<32xi32, #tpu.memory_space<vmem>>
        %dma_start3A_177 = arith.constant 0 : i32
        %dma_start3A_178 = arith.constant 0 : i32
        %dma_start3A_179 = tpu.memref_slice %arg2[%dma_start3A_177, %dma_start3A_178] : memref<10240x128xf32, #tpu.memory_space<hbm>> -> memref<10240x128xf32, #tpu.memory_space<hbm>>
        tpu.enqueue_indirect_dma source(%dma_start3A_179 : memref<10240x128xf32, #tpu.memory_space<hbm>>) target(%dma_start3A_174 : memref<32x128xf32, #tpu.memory_space<vmem>>) offsets(%dma_start3A_176 : memref<32xi32, #tpu.memory_space<vmem>>) semaphore(%arg15 : memref<!tpu.dma_semaphore, #tpu.memory_space<semaphore_mem>>)
        %dma_start3A_180 = arith.constant 96 : i32
        %dma_start3A_181 = arith.constant 0 : i32
        %dma_start3A_182 = tpu.memref_slice %arg11[%dma_start3A_180, %dma_start3A_181] : memref<128x128xf32, #tpu.memory_space<vmem>> -> memref<32x128xf32, #tpu.memory_space<vmem>>
        %dma_start3A_183 = arith.constant 96 : i32
        %dma_start3A_184 = tpu.memref_slice %arg10[%dma_start3A_183] : memref<128xi32, #tpu.memory_space<vmem>> -> memref<32xi32, #tpu.memory_space<vmem>>
        %dma_start3A_185 = arith.constant 0 : i32
        %dma_start3A_186 = arith.constant 0 : i32
        %dma_start3A_187 = tpu.memref_slice %arg2[%dma_start3A_185, %dma_start3A_186] : memref<10240x128xf32, #tpu.memory_space<hbm>> -> memref<10240x128xf32, #tpu.memory_space<hbm>>
        tpu.enqueue_indirect_dma source(%dma_start3A_187 : memref<10240x128xf32, #tpu.memory_space<hbm>>) target(%dma_start3A_182 : memref<32x128xf32, #tpu.memory_space<vmem>>) offsets(%dma_start3A_184 : memref<32xi32, #tpu.memory_space<vmem>>) semaphore(%arg16 : memref<!tpu.dma_semaphore, #tpu.memory_space<semaphore_mem>>)
        %dma_wait3A = arith.constant 0 : i32
        %dma_wait3A_188 = arith.constant 0 : i32
        %dma_wait3A_189 = tpu.memref_slice %arg11[%dma_wait3A, %dma_wait3A_188] : memref<128x128xf32, #tpu.memory_space<vmem>> -> memref<32x128xf32, #tpu.memory_space<vmem>>
        %dma_wait3A_190 = arith.constant 0 : i32
        %dma_wait3A_191 = tpu.memref_slice %arg10[%dma_wait3A_190] : memref<128xi32, #tpu.memory_space<vmem>> -> memref<32xi32, #tpu.memory_space<vmem>>
        %dma_wait3A_192 = arith.constant 0 : i32
        %dma_wait3A_193 = arith.constant 0 : i32
        %dma_wait3A_194 = tpu.memref_slice %arg2[%dma_wait3A_192, %dma_wait3A_193] : memref<10240x128xf32, #tpu.memory_space<hbm>> -> memref<10240x128xf32, #tpu.memory_space<hbm>>
        tpu.wait_indirect_dma semaphore(%arg13 : memref<!tpu.dma_semaphore, #tpu.memory_space<semaphore_mem>>) src(%dma_wait3A_194 : memref<10240x128xf32, #tpu.memory_space<hbm>>) dst(%dma_wait3A_189 : memref<32x128xf32, #tpu.memory_space<vmem>>)
        %dma_wait3A_195 = arith.constant 32 : i32
        %dma_wait3A_196 = arith.constant 0 : i32
        %dma_wait3A_197 = tpu.memref_slice %arg11[%dma_wait3A_195, %dma_wait3A_196] : memref<128x128xf32, #tpu.memory_space<vmem>> -> memref<32x128xf32, #tpu.memory_space<vmem>>
        %dma_wait3A_198 = arith.constant 32 : i32
        %dma_wait3A_199 = tpu.memref_slice %arg10[%dma_wait3A_198] : memref<128xi32, #tpu.memory_space<vmem>> -> memref<32xi32, #tpu.memory_space<vmem>>
        %dma_wait3A_200 = arith.constant 0 : i32
        %dma_wait3A_201 = arith.constant 0 : i32
        %dma_wait3A_202 = tpu.memref_slice %arg2[%dma_wait3A_200, %dma_wait3A_201] : memref<10240x128xf32, #tpu.memory_space<hbm>> -> memref<10240x128xf32, #tpu.memory_space<hbm>>
        tpu.wait_indirect_dma semaphore(%arg14 : memref<!tpu.dma_semaphore, #tpu.memory_space<semaphore_mem>>) src(%dma_wait3A_202 : memref<10240x128xf32, #tpu.memory_space<hbm>>) dst(%dma_wait3A_197 : memref<32x128xf32, #tpu.memory_space<vmem>>)
        %dma_wait3A_203 = arith.constant 64 : i32
        %dma_wait3A_204 = arith.constant 0 : i32
        %dma_wait3A_205 = tpu.memref_slice %arg11[%dma_wait3A_203, %dma_wait3A_204] : memref<128x128xf32, #tpu.memory_space<vmem>> -> memref<32x128xf32, #tpu.memory_space<vmem>>
        %dma_wait3A_206 = arith.constant 64 : i32
        %dma_wait3A_207 = tpu.memref_slice %arg10[%dma_wait3A_206] : memref<128xi32, #tpu.memory_space<vmem>> -> memref<32xi32, #tpu.memory_space<vmem>>
        %dma_wait3A_208 = arith.constant 0 : i32
        %dma_wait3A_209 = arith.constant 0 : i32
        %dma_wait3A_210 = tpu.memref_slice %arg2[%dma_wait3A_208, %dma_wait3A_209] : memref<10240x128xf32, #tpu.memory_space<hbm>> -> memref<10240x128xf32, #tpu.memory_space<hbm>>
        tpu.wait_indirect_dma semaphore(%arg15 : memref<!tpu.dma_semaphore, #tpu.memory_space<semaphore_mem>>) src(%dma_wait3A_210 : memref<10240x128xf32, #tpu.memory_space<hbm>>) dst(%dma_wait3A_205 : memref<32x128xf32, #tpu.memory_space<vmem>>)
        %dma_wait3A_211 = arith.constant 96 : i32
        %dma_wait3A_212 = arith.constant 0 : i32
        %dma_wait3A_213 = tpu.memref_slice %arg11[%dma_wait3A_211, %dma_wait3A_212] : memref<128x128xf32, #tpu.memory_space<vmem>> -> memref<32x128xf32, #tpu.memory_space<vmem>>
        %dma_wait3A_214 = arith.constant 96 : i32
        %dma_wait3A_215 = tpu.memref_slice %arg10[%dma_wait3A_214] : memref<128xi32, #tpu.memory_space<vmem>> -> memref<32xi32, #tpu.memory_space<vmem>>
        %dma_wait3A_216 = arith.constant 0 : i32
        %dma_wait3A_217 = arith.constant 0 : i32
        %dma_wait3A_218 = tpu.memref_slice %arg2[%dma_wait3A_216, %dma_wait3A_217] : memref<10240x128xf32, #tpu.memory_space<hbm>> -> memref<10240x128xf32, #tpu.memory_space<hbm>>
        tpu.wait_indirect_dma semaphore(%arg16 : memref<!tpu.dma_semaphore, #tpu.memory_space<semaphore_mem>>) src(%dma_wait3A_218 : memref<10240x128xf32, #tpu.memory_space<hbm>>) dst(%dma_wait3A_213 : memref<32x128xf32, #tpu.memory_space<vmem>>)
        %parallel_loop3A = arith.constant 0 : i32
        %parallel_loop3A_219 = arith.constant 128 : i32
        %parallel_loop3A_220 = arith.constant 1 : i32
        scf.for %parallel_loop3A_222 = %parallel_loop3A to %parallel_loop3A_219 step %parallel_loop3A_220  : i32 {
          %parallel_loop3A_223 = arith.constant 128 : i32
          %parallel_loop3A_224 = arith.muli %while3A_93, %parallel_loop3A_223 : i32
          %parallel_loop3A_225 = vector.broadcast %parallel_loop3A_224 : i32 to vector<16xi32>
          %parallel_loop3A_226 = vector.broadcast %parallel_loop3A_222 : i32 to vector<16xi32>
          %parallel_loop3A_227 = arith.addi %parallel_loop3A_225, %parallel_loop3A_226 : vector<16xi32>
          %parallel_loop3A_228 = tpu.vector_load_idx %arg9[%parallel_loop3A_227] : memref<4224xi32, #tpu.memory_space<vmem>>[vector<16xi32>], vector<16xi32>,
          %parallel_loop3A_229 = arith.index_cast %parallel_loop3A_222 : i32 to index
          %parallel_loop3A_230 = arith.constant 0 : index
          %parallel_loop3A_231 = tpu.vector_load %arg11[%parallel_loop3A_229, %parallel_loop3A_230] {strides = array<i32>} : memref<128x128xf32, #tpu.memory_space<vmem>>, vector<16xf32>,
          %parallel_loop3A_232 = arith.constant 0 : i32
          %parallel_loop3A_233 = vector.broadcast %parallel_loop3A_232 : i32 to vector<16xi32>
          %parallel_loop3A_234 = arith.addi %iota3A, %parallel_loop3A_233 : vector<16xi32>
          tpu.vector_store_idx %arg12[%parallel_loop3A_228, %parallel_loop3A_234], %parallel_loop3A_231 {add = true} : memref<648x128xf32, #tpu.memory_space<vmem>>[vector<16xi32>, vector<16xi32>], vector<16xf32>,
          %parallel_loop3A_235 = arith.index_cast %parallel_loop3A_222 : i32 to index
          %parallel_loop3A_236 = arith.constant 16 : index
          %parallel_loop3A_237 = tpu.vector_load %arg11[%parallel_loop3A_235, %parallel_loop3A_236] {strides = array<i32>} : memref<128x128xf32, #tpu.memory_space<vmem>>, vector<16xf32>,
          %parallel_loop3A_238 = arith.constant 16 : i32
          %parallel_loop3A_239 = vector.broadcast %parallel_loop3A_238 : i32 to vector<16xi32>
          %parallel_loop3A_240 = arith.addi %iota3A, %parallel_loop3A_239 : vector<16xi32>
          tpu.vector_store_idx %arg12[%parallel_loop3A_228, %parallel_loop3A_240], %parallel_loop3A_237 {add = true} : memref<648x128xf32, #tpu.memory_space<vmem>>[vector<16xi32>, vector<16xi32>], vector<16xf32>,
          %parallel_loop3A_241 = arith.index_cast %parallel_loop3A_222 : i32 to index
          %parallel_loop3A_242 = arith.constant 32 : index
          %parallel_loop3A_243 = tpu.vector_load %arg11[%parallel_loop3A_241, %parallel_loop3A_242] {strides = array<i32>} : memref<128x128xf32, #tpu.memory_space<vmem>>, vector<16xf32>,
          %parallel_loop3A_244 = arith.constant 32 : i32
          %parallel_loop3A_245 = vector.broadcast %parallel_loop3A_244 : i32 to vector<16xi32>
          %parallel_loop3A_246 = arith.addi %iota3A, %parallel_loop3A_245 : vector<16xi32>
          tpu.vector_store_idx %arg12[%parallel_loop3A_228, %parallel_loop3A_246], %parallel_loop3A_243 {add = true} : memref<648x128xf32, #tpu.memory_space<vmem>>[vector<16xi32>, vector<16xi32>], vector<16xf32>,
          %parallel_loop3A_247 = arith.index_cast %parallel_loop3A_222 : i32 to index
          %parallel_loop3A_248 = arith.constant 48 : index
          %parallel_loop3A_249 = tpu.vector_load %arg11[%parallel_loop3A_247, %parallel_loop3A_248] {strides = array<i32>} : memref<128x128xf32, #tpu.memory_space<vmem>>, vector<16xf32>,
          %parallel_loop3A_250 = arith.constant 48 : i32
          %parallel_loop3A_251 = vector.broadcast %parallel_loop3A_250 : i32 to vector<16xi32>
          %parallel_loop3A_252 = arith.addi %iota3A, %parallel_loop3A_251 : vector<16xi32>
          tpu.vector_store_idx %arg12[%parallel_loop3A_228, %parallel_loop3A_252], %parallel_loop3A_249 {add = true} : memref<648x128xf32, #tpu.memory_space<vmem>>[vector<16xi32>, vector<16xi32>], vector<16xf32>,
          %parallel_loop3A_253 = arith.index_cast %parallel_loop3A_222 : i32 to index
          %parallel_loop3A_254 = arith.constant 64 : index
          %parallel_loop3A_255 = tpu.vector_load %arg11[%parallel_loop3A_253, %parallel_loop3A_254] {strides = array<i32>} : memref<128x128xf32, #tpu.memory_space<vmem>>, vector<16xf32>,
          %parallel_loop3A_256 = arith.constant 64 : i32
          %parallel_loop3A_257 = vector.broadcast %parallel_loop3A_256 : i32 to vector<16xi32>
          %parallel_loop3A_258 = arith.addi %iota3A, %parallel_loop3A_257 : vector<16xi32>
          tpu.vector_store_idx %arg12[%parallel_loop3A_228, %parallel_loop3A_258], %parallel_loop3A_255 {add = true} : memref<648x128xf32, #tpu.memory_space<vmem>>[vector<16xi32>, vector<16xi32>], vector<16xf32>,
          %parallel_loop3A_259 = arith.index_cast %parallel_loop3A_222 : i32 to index
          %parallel_loop3A_260 = arith.constant 80 : index
          %parallel_loop3A_261 = tpu.vector_load %arg11[%parallel_loop3A_259, %parallel_loop3A_260] {strides = array<i32>} : memref<128x128xf32, #tpu.memory_space<vmem>>, vector<16xf32>,
          %parallel_loop3A_262 = arith.constant 80 : i32
          %parallel_loop3A_263 = vector.broadcast %parallel_loop3A_262 : i32 to vector<16xi32>
          %parallel_loop3A_264 = arith.addi %iota3A, %parallel_loop3A_263 : vector<16xi32>
          tpu.vector_store_idx %arg12[%parallel_loop3A_228, %parallel_loop3A_264], %parallel_loop3A_261 {add = true} : memref<648x128xf32, #tpu.memory_space<vmem>>[vector<16xi32>, vector<16xi32>], vector<16xf32>,
          %parallel_loop3A_265 = arith.index_cast %parallel_loop3A_222 : i32 to index
          %parallel_loop3A_266 = arith.constant 96 : index
          %parallel_loop3A_267 = tpu.vector_load %arg11[%parallel_loop3A_265, %parallel_loop3A_266] {strides = array<i32>} : memref<128x128xf32, #tpu.memory_space<vmem>>, vector<16xf32>,
          %parallel_loop3A_268 = arith.constant 96 : i32
          %parallel_loop3A_269 = vector.broadcast %parallel_loop3A_268 : i32 to vector<16xi32>
          %parallel_loop3A_270 = arith.addi %iota3A, %parallel_loop3A_269 : vector<16xi32>
          tpu.vector_store_idx %arg12[%parallel_loop3A_228, %parallel_loop3A_270], %parallel_loop3A_267 {add = true} : memref<648x128xf32, #tpu.memory_space<vmem>>[vector<16xi32>, vector<16xi32>], vector<16xf32>,
          %parallel_loop3A_271 = arith.index_cast %parallel_loop3A_222 : i32 to index
          %parallel_loop3A_272 = arith.constant 112 : index
          %parallel_loop3A_273 = tpu.vector_load %arg11[%parallel_loop3A_271, %parallel_loop3A_272] {strides = array<i32>} : memref<128x128xf32, #tpu.memory_space<vmem>>, vector<16xf32>,
          %parallel_loop3A_274 = arith.constant 112 : i32
          %parallel_loop3A_275 = vector.broadcast %parallel_loop3A_274 : i32 to vector<16xi32>
          %parallel_loop3A_276 = arith.addi %iota3A, %parallel_loop3A_275 : vector<16xi32>
          tpu.vector_store_idx %arg12[%parallel_loop3A_228, %parallel_loop3A_276], %parallel_loop3A_273 {add = true} : memref<648x128xf32, #tpu.memory_space<vmem>>[vector<16xi32>, vector<16xi32>], vector<16xf32>,
        } {sc.loop_unroll_factor = 4 : i64, sc.parallel_access}
        %while3A_221 = arith.constant 0 : i32
        scf.yield %while3A_221 : i32
      }
      %while3A_91 = arith.constant 1 : i32
      %while3A_92 = scf.for %while3A_93 = %while3A_88 to %while3A_84 step %while3A_91 iter_args(%while3A_94 = %while3A_90) -> (i32)  : i32 {
        %mul3A_95 = arith.constant 128 : i32
        %mul3A_96 = arith.muli %while3A_93, %mul3A_95 : i32
        %add3A_97 = arith.constant 0 : i32
        %add3A_98 = arith.addi %mul3A_96, %add3A_97 : i32
        %get3A = arith.index_cast %add3A_98 : i32 to index
        %get3A_99 = tpu.vector_load %arg8[%get3A] {strides = array<i32>} : memref<4224xi32, #tpu.memory_space<vmem>>, vector<16xi32>,
        %swap3A = arith.constant 0 : index
        %swap3A_100 = tpu.vector_load %arg10[%swap3A] {strides = array<i32>} : memref<128xi32, #tpu.memory_space<vmem>>, vector<16xi32>,
        tpu.vector_store %arg10[%swap3A], %get3A_99 {strides = array<i32>} : memref<128xi32, #tpu.memory_space<vmem>>, vector<16xi32>,
        %mul3A_101 = arith.constant 128 : i32
        %mul3A_102 = arith.muli %while3A_93, %mul3A_101 : i32
        %add3A_103 = arith.constant 16 : i32
        %add3A_104 = arith.addi %mul3A_102, %add3A_103 : i32
        %get3A_105 = arith.index_cast %add3A_104 : i32 to index
        %get3A_106 = tpu.vector_load %arg8[%get3A_105] {strides = array<i32>} : memref<4224xi32, #tpu.memory_space<vmem>>, vector<16xi32>,
        %swap3A_107 = arith.constant 16 : index
        %swap3A_108 = tpu.vector_load %arg10[%swap3A_107] {strides = array<i32>} : memref<128xi32, #tpu.memory_space<vmem>>, vector<16xi32>,
        tpu.vector_store %arg10[%swap3A_107], %get3A_106 {strides = array<i32>} : memref<128xi32, #tpu.memory_space<vmem>>, vector<16xi32>,
        %mul3A_109 = arith.constant 128 : i32
        %mul3A_110 = arith.muli %while3A_93, %mul3A_109 : i32
        %add3A_111 = arith.constant 32 : i32
        %add3A_112 = arith.addi %mul3A_110, %add3A_111 : i32
        %get3A_113 = arith.index_cast %add3A_112 : i32 to index
        %get3A_114 = tpu.vector_load %arg8[%get3A_113] {strides = array<i32>} : memref<4224xi32, #tpu.memory_space<vmem>>, vector<16xi32>,
        %swap3A_115 = arith.constant 32 : index
        %swap3A_116 = tpu.vector_load %arg10[%swap3A_115] {strides = array<i32>} : memref<128xi32, #tpu.memory_space<vmem>>, vector<16xi32>,
        tpu.vector_store %arg10[%swap3A_115], %get3A_114 {strides = array<i32>} : memref<128xi32, #tpu.memory_space<vmem>>, vector<16xi32>,
        %mul3A_117 = arith.constant 128 : i32
        %mul3A_118 = arith.muli %while3A_93, %mul3A_117 : i32
        %add3A_119 = arith.constant 48 : i32
        %add3A_120 = arith.addi %mul3A_118, %add3A_119 : i32
        %get3A_121 = arith.index_cast %add3A_120 : i32 to index
        %get3A_122 = tpu.vector_load %arg8[%get3A_121] {strides = array<i32>} : memref<4224xi32, #tpu.memory_space<vmem>>, vector<16xi32>,
        %swap3A_123 = arith.constant 48 : index
        %swap3A_124 = tpu.vector_load %arg10[%swap3A_123] {strides = array<i32>} : memref<128xi32, #tpu.memory_space<vmem>>, vector<16xi32>,
        tpu.vector_store %arg10[%swap3A_123], %get3A_122 {strides = array<i32>} : memref<128xi32, #tpu.memory_space<vmem>>, vector<16xi32>,
        %mul3A_125 = arith.constant 128 : i32
        %mul3A_126 = arith.muli %while3A_93, %mul3A_125 : i32
        %add3A_127 = arith.constant 64 : i32
        %add3A_128 = arith.addi %mul3A_126, %add3A_127 : i32
        %get3A_129 = arith.index_cast %add3A_128 : i32 to index
        %get3A_130 = tpu.vector_load %arg8[%get3A_129] {strides = array<i32>} : memref<4224xi32, #tpu.memory_space<vmem>>, vector<16xi32>,
        %swap3A_131 = arith.constant 64 : index
        %swap3A_132 = tpu.vector_load %arg10[%swap3A_131] {strides = array<i32>} : memref<128xi32, #tpu.memory_space<vmem>>, vector<16xi32>,
        tpu.vector_store %arg10[%swap3A_131], %get3A_130 {strides = array<i32>} : memref<128xi32, #tpu.memory_space<vmem>>, vector<16xi32>,
        %mul3A_133 = arith.constant 128 : i32
        %mul3A_134 = arith.muli %while3A_93, %mul3A_133 : i32
        %add3A_135 = arith.constant 80 : i32
        %add3A_136 = arith.addi %mul3A_134, %add3A_135 : i32
        %get3A_137 = arith.index_cast %add3A_136 : i32 to index
        %get3A_138 = tpu.vector_load %arg8[%get3A_137] {strides = array<i32>} : memref<4224xi32, #tpu.memory_space<vmem>>, vector<16xi32>,
        %swap3A_139 = arith.constant 80 : index
        %swap3A_140 = tpu.vector_load %arg10[%swap3A_139] {strides = array<i32>} : memref<128xi32, #tpu.memory_space<vmem>>, vector<16xi32>,
        tpu.vector_store %arg10[%swap3A_139], %get3A_138 {strides = array<i32>} : memref<128xi32, #tpu.memory_space<vmem>>, vector<16xi32>,
        %mul3A_141 = arith.constant 128 : i32
        %mul3A_142 = arith.muli %while3A_93, %mul3A_141 : i32
        %add3A_143 = arith.constant 96 : i32
        %add3A_144 = arith.addi %mul3A_142, %add3A_143 : i32
        %get3A_145 = arith.index_cast %add3A_144 : i32 to index
        %get3A_146 = tpu.vector_load %arg8[%get3A_145] {strides = array<i32>} : memref<4224xi32, #tpu.memory_space<vmem>>, vector<16xi32>,
        %swap3A_147 = arith.constant 96 : index
        %swap3A_148 = tpu.vector_load %arg10[%swap3A_147] {strides = array<i32>} : memref<128xi32, #tpu.memory_space<vmem>>, vector<16xi32>,
        tpu.vector_store %arg10[%swap3A_147], %get3A_146 {strides = array<i32>} : memref<128xi32, #tpu.memory_space<vmem>>, vector<16xi32>,
        %mul3A_149 = arith.constant 128 : i32
        %mul3A_150 = arith.muli %while3A_93, %mul3A_149 : i32
        %add3A_151 = arith.constant 112 : i32
        %add3A_152 = arith.addi %mul3A_150, %add3A_151 : i32
        %get3A_153 = arith.index_cast %add3A_152 : i32 to index
        %get3A_154 = tpu.vector_load %arg8[%get3A_153] {strides = array<i32>} : memref<4224xi32, #tpu.memory_space<vmem>>, vector<16xi32>,
        %swap3A_155 = arith.constant 112 : index
        %swap3A_156 = tpu.vector_load %arg10[%swap3A_155] {strides = array<i32>} : memref<128xi32, #tpu.memory_space<vmem>>, vector<16xi32>,
        tpu.vector_store %arg10[%swap3A_155], %get3A_154 {strides = array<i32>} : memref<128xi32, #tpu.memory_space<vmem>>, vector<16xi32>,
        %dma_start3A = arith.constant 0 : i32
        %dma_start3A_157 = arith.constant 0 : i32
        %dma_start3A_158 = tpu.memref_slice %arg11[%dma_start3A, %dma_start3A_157] : memref<128x128xf32, #tpu.memory_space<vmem>> -> memref<32x128xf32, #tpu.memory_space<vmem>>
        %dma_start3A_159 = arith.constant 0 : i32
        %dma_start3A_160 = tpu.memref_slice %arg10[%dma_start3A_159] : memref<128xi32, #tpu.memory_space<vmem>> -> memref<32xi32, #tpu.memory_space<vmem>>
        %dma_start3A_161 = arith.constant 0 : i32
        %dma_start3A_162 = arith.constant 0 : i32
        %dma_start3A_163 = tpu.memref_slice %arg2[%dma_start3A_161, %dma_start3A_162] : memref<10240x128xf32, #tpu.memory_space<hbm>> -> memref<10240x128xf32, #tpu.memory_space<hbm>>
        tpu.enqueue_indirect_dma source(%dma_start3A_163 : memref<10240x128xf32, #tpu.memory_space<hbm>>) target(%dma_start3A_158 : memref<32x128xf32, #tpu.memory_space<vmem>>) offsets(%dma_start3A_160 : memref<32xi32, #tpu.memory_space<vmem>>) semaphore(%arg13 : memref<!tpu.dma_semaphore, #tpu.memory_space<semaphore_mem>>)
        %dma_start3A_164 = arith.constant 32 : i32
        %dma_start3A_165 = arith.constant 0 : i32
        %dma_start3A_166 = tpu.memref_slice %arg11[%dma_start3A_164, %dma_start3A_165] : memref<128x128xf32, #tpu.memory_space<vmem>> -> memref<32x128xf32, #tpu.memory_space<vmem>>
        %dma_start3A_167 = arith.constant 32 : i32
        %dma_start3A_168 = tpu.memref_slice %arg10[%dma_start3A_167] : memref<128xi32, #tpu.memory_space<vmem>> -> memref<32xi32, #tpu.memory_space<vmem>>
        %dma_start3A_169 = arith.constant 0 : i32
        %dma_start3A_170 = arith.constant 0 : i32
        %dma_start3A_171 = tpu.memref_slice %arg2[%dma_start3A_169, %dma_start3A_170] : memref<10240x128xf32, #tpu.memory_space<hbm>> -> memref<10240x128xf32, #tpu.memory_space<hbm>>
        tpu.enqueue_indirect_dma source(%dma_start3A_171 : memref<10240x128xf32, #tpu.memory_space<hbm>>) target(%dma_start3A_166 : memref<32x128xf32, #tpu.memory_space<vmem>>) offsets(%dma_start3A_168 : memref<32xi32, #tpu.memory_space<vmem>>) semaphore(%arg14 : memref<!tpu.dma_semaphore, #tpu.memory_space<semaphore_mem>>)
        %dma_start3A_172 = arith.constant 64 : i32
        %dma_start3A_173 = arith.constant 0 : i32
        %dma_start3A_174 = tpu.memref_slice %arg11[%dma_start3A_172, %dma_start3A_173] : memref<128x128xf32, #tpu.memory_space<vmem>> -> memref<32x128xf32, #tpu.memory_space<vmem>>
        %dma_start3A_175 = arith.constant 64 : i32
        %dma_start3A_176 = tpu.memref_slice %arg10[%dma_start3A_175] : memref<128xi32, #tpu.memory_space<vmem>> -> memref<32xi32, #tpu.memory_space<vmem>>
        %dma_start3A_177 = arith.constant 0 : i32
        %dma_start3A_178 = arith.constant 0 : i32
        %dma_start3A_179 = tpu.memref_slice %arg2[%dma_start3A_177, %dma_start3A_178] : memref<10240x128xf32, #tpu.memory_space<hbm>> -> memref<10240x128xf32, #tpu.memory_space<hbm>>
        tpu.enqueue_indirect_dma source(%dma_start3A_179 : memref<10240x128xf32, #tpu.memory_space<hbm>>) target(%dma_start3A_174 : memref<32x128xf32, #tpu.memory_space<vmem>>) offsets(%dma_start3A_176 : memref<32xi32, #tpu.memory_space<vmem>>) semaphore(%arg15 : memref<!tpu.dma_semaphore, #tpu.memory_space<semaphore_mem>>)
        %dma_start3A_180 = arith.constant 96 : i32
        %dma_start3A_181 = arith.constant 0 : i32
        %dma_start3A_182 = tpu.memref_slice %arg11[%dma_start3A_180, %dma_start3A_181] : memref<128x128xf32, #tpu.memory_space<vmem>> -> memref<32x128xf32, #tpu.memory_space<vmem>>
        %dma_start3A_183 = arith.constant 96 : i32
        %dma_start3A_184 = tpu.memref_slice %arg10[%dma_start3A_183] : memref<128xi32, #tpu.memory_space<vmem>> -> memref<32xi32, #tpu.memory_space<vmem>>
        %dma_start3A_185 = arith.constant 0 : i32
        %dma_start3A_186 = arith.constant 0 : i32
        %dma_start3A_187 = tpu.memref_slice %arg2[%dma_start3A_185, %dma_start3A_186] : memref<10240x128xf32, #tpu.memory_space<hbm>> -> memref<10240x128xf32, #tpu.memory_space<hbm>>
        tpu.enqueue_indirect_dma source(%dma_start3A_187 : memref<10240x128xf32, #tpu.memory_space<hbm>>) target(%dma_start3A_182 : memref<32x128xf32, #tpu.memory_space<vmem>>) offsets(%dma_start3A_184 : memref<32xi32, #tpu.memory_space<vmem>>) semaphore(%arg16 : memref<!tpu.dma_semaphore, #tpu.memory_space<semaphore_mem>>)
        %dma_wait3A = arith.constant 0 : i32
        %dma_wait3A_188 = arith.constant 0 : i32
        %dma_wait3A_189 = tpu.memref_slice %arg11[%dma_wait3A, %dma_wait3A_188] : memref<128x128xf32, #tpu.memory_space<vmem>> -> memref<32x128xf32, #tpu.memory_space<vmem>>
        %dma_wait3A_190 = arith.constant 0 : i32
        %dma_wait3A_191 = tpu.memref_slice %arg10[%dma_wait3A_190] : memref<128xi32, #tpu.memory_space<vmem>> -> memref<32xi32, #tpu.memory_space<vmem>>
        %dma_wait3A_192 = arith.constant 0 : i32
        %dma_wait3A_193 = arith.constant 0 : i32
        %dma_wait3A_194 = tpu.memref_slice %arg2[%dma_wait3A_192, %dma_wait3A_193] : memref<10240x128xf32, #tpu.memory_space<hbm>> -> memref<10240x128xf32, #tpu.memory_space<hbm>>
        tpu.wait_indirect_dma semaphore(%arg13 : memref<!tpu.dma_semaphore, #tpu.memory_space<semaphore_mem>>) src(%dma_wait3A_194 : memref<10240x128xf32, #tpu.memory_space<hbm>>) dst(%dma_wait3A_189 : memref<32x128xf32, #tpu.memory_space<vmem>>)
        %dma_wait3A_195 = arith.constant 32 : i32
        %dma_wait3A_196 = arith.constant 0 : i32
        %dma_wait3A_197 = tpu.memref_slice %arg11[%dma_wait3A_195, %dma_wait3A_196] : memref<128x128xf32, #tpu.memory_space<vmem>> -> memref<32x128xf32, #tpu.memory_space<vmem>>
        %dma_wait3A_198 = arith.constant 32 : i32
        %dma_wait3A_199 = tpu.memref_slice %arg10[%dma_wait3A_198] : memref<128xi32, #tpu.memory_space<vmem>> -> memref<32xi32, #tpu.memory_space<vmem>>
        %dma_wait3A_200 = arith.constant 0 : i32
        %dma_wait3A_201 = arith.constant 0 : i32
        %dma_wait3A_202 = tpu.memref_slice %arg2[%dma_wait3A_200, %dma_wait3A_201] : memref<10240x128xf32, #tpu.memory_space<hbm>> -> memref<10240x128xf32, #tpu.memory_space<hbm>>
        tpu.wait_indirect_dma semaphore(%arg14 : memref<!tpu.dma_semaphore, #tpu.memory_space<semaphore_mem>>) src(%dma_wait3A_202 : memref<10240x128xf32, #tpu.memory_space<hbm>>) dst(%dma_wait3A_197 : memref<32x128xf32, #tpu.memory_space<vmem>>)
        %dma_wait3A_203 = arith.constant 64 : i32
        %dma_wait3A_204 = arith.constant 0 : i32
        %dma_wait3A_205 = tpu.memref_slice %arg11[%dma_wait3A_203, %dma_wait3A_204] : memref<128x128xf32, #tpu.memory_space<vmem>> -> memref<32x128xf32, #tpu.memory_space<vmem>>
        %dma_wait3A_206 = arith.constant 64 : i32
        %dma_wait3A_207 = tpu.memref_slice %arg10[%dma_wait3A_206] : memref<128xi32, #tpu.memory_space<vmem>> -> memref<32xi32, #tpu.memory_space<vmem>>
        %dma_wait3A_208 = arith.constant 0 : i32
        %dma_wait3A_209 = arith.constant 0 : i32
        %dma_wait3A_210 = tpu.memref_slice %arg2[%dma_wait3A_208, %dma_wait3A_209] : memref<10240x128xf32, #tpu.memory_space<hbm>> -> memref<10240x128xf32, #tpu.memory_space<hbm>>
        tpu.wait_indirect_dma semaphore(%arg15 : memref<!tpu.dma_semaphore, #tpu.memory_space<semaphore_mem>>) src(%dma_wait3A_210 : memref<10240x128xf32, #tpu.memory_space<hbm>>) dst(%dma_wait3A_205 : memref<32x128xf32, #tpu.memory_space<vmem>>)
        %dma_wait3A_211 = arith.constant 96 : i32
        %dma_wait3A_212 = arith.constant 0 : i32
        %dma_wait3A_213 = tpu.memref_slice %arg11[%dma_wait3A_211, %dma_wait3A_212] : memref<128x128xf32, #tpu.memory_space<vmem>> -> memref<32x128xf32, #tpu.memory_space<vmem>>
        %dma_wait3A_214 = arith.constant 96 : i32
        %dma_wait3A_215 = tpu.memref_slice %arg10[%dma_wait3A_214] : memref<128xi32, #tpu.memory_space<vmem>> -> memref<32xi32, #tpu.memory_space<vmem>>
        %dma_wait3A_216 = arith.constant 0 : i32
        %dma_wait3A_217 = arith.constant 0 : i32
        %dma_wait3A_218 = tpu.memref_slice %arg2[%dma_wait3A_216, %dma_wait3A_217] : memref<10240x128xf32, #tpu.memory_space<hbm>> -> memref<10240x128xf32, #tpu.memory_space<hbm>>
        tpu.wait_indirect_dma semaphore(%arg16 : memref<!tpu.dma_semaphore, #tpu.memory_space<semaphore_mem>>) src(%dma_wait3A_218 : memref<10240x128xf32, #tpu.memory_space<hbm>>) dst(%dma_wait3A_213 : memref<32x128xf32, #tpu.memory_space<vmem>>)
        %parallel_loop3A = arith.constant 0 : i32
        %parallel_loop3A_219 = arith.constant 128 : i32
        %parallel_loop3A_220 = arith.constant 1 : i32
        scf.for %parallel_loop3A_222 = %parallel_loop3A to %parallel_loop3A_219 step %parallel_loop3A_220  : i32 {
          %parallel_loop3A_223 = arith.constant 128 : i32
          %parallel_loop3A_224 = arith.muli %while3A_93, %parallel_loop3A_223 : i32
          %parallel_loop3A_225 = vector.broadcast %parallel_loop3A_224 : i32 to vector<16xi32>
          %parallel_loop3A_226 = vector.broadcast %parallel_loop3A_222 : i32 to vector<16xi32>
          %parallel_loop3A_227 = arith.addi %parallel_loop3A_225, %parallel_loop3A_226 : vector<16xi32>
          %parallel_loop3A_228 = tpu.vector_load_idx %arg9[%parallel_loop3A_227] : memref<4224xi32, #tpu.memory_space<vmem>>[vector<16xi32>], vector<16xi32>,
          %parallel_loop3A_229 = arith.index_cast %parallel_loop3A_222 : i32 to index
          %parallel_loop3A_230 = arith.constant 0 : index
          %parallel_loop3A_231 = tpu.vector_load %arg11[%parallel_loop3A_229, %parallel_loop3A_230] {strides = array<i32>} : memref<128x128xf32, #tpu.memory_space<vmem>>, vector<16xf32>,
          %parallel_loop3A_232 = arith.constant 0 : i32
          %parallel_loop3A_233 = vector.broadcast %parallel_loop3A_232 : i32 to vector<16xi32>
          %parallel_loop3A_234 = arith.addi %iota3A, %parallel_loop3A_233 : vector<16xi32>
          tpu.vector_store_idx %arg12[%parallel_loop3A_228, %parallel_loop3A_234], %parallel_loop3A_231 {add = true} : memref<648x128xf32, #tpu.memory_space<vmem>>[vector<16xi32>, vector<16xi32>], vector<16xf32>,
          %parallel_loop3A_235 = arith.index_cast %parallel_loop3A_222 : i32 to index
          %parallel_loop3A_236 = arith.constant 16 : index
          %parallel_loop3A_237 = tpu.vector_load %arg11[%parallel_loop3A_235, %parallel_loop3A_236] {strides = array<i32>} : memref<128x128xf32, #tpu.memory_space<vmem>>, vector<16xf32>,
          %parallel_loop3A_238 = arith.constant 16 : i32
          %parallel_loop3A_239 = vector.broadcast %parallel_loop3A_238 : i32 to vector<16xi32>
          %parallel_loop3A_240 = arith.addi %iota3A, %parallel_loop3A_239 : vector<16xi32>
          tpu.vector_store_idx %arg12[%parallel_loop3A_228, %parallel_loop3A_240], %parallel_loop3A_237 {add = true} : memref<648x128xf32, #tpu.memory_space<vmem>>[vector<16xi32>, vector<16xi32>], vector<16xf32>,
          %parallel_loop3A_241 = arith.index_cast %parallel_loop3A_222 : i32 to index
          %parallel_loop3A_242 = arith.constant 32 : index
          %parallel_loop3A_243 = tpu.vector_load %arg11[%parallel_loop3A_241, %parallel_loop3A_242] {strides = array<i32>} : memref<128x128xf32, #tpu.memory_space<vmem>>, vector<16xf32>,
          %parallel_loop3A_244 = arith.constant 32 : i32
          %parallel_loop3A_245 = vector.broadcast %parallel_loop3A_244 : i32 to vector<16xi32>
          %parallel_loop3A_246 = arith.addi %iota3A, %parallel_loop3A_245 : vector<16xi32>
          tpu.vector_store_idx %arg12[%parallel_loop3A_228, %parallel_loop3A_246], %parallel_loop3A_243 {add = true} : memref<648x128xf32, #tpu.memory_space<vmem>>[vector<16xi32>, vector<16xi32>], vector<16xf32>,
          %parallel_loop3A_247 = arith.index_cast %parallel_loop3A_222 : i32 to index
          %parallel_loop3A_248 = arith.constant 48 : index
          %parallel_loop3A_249 = tpu.vector_load %arg11[%parallel_loop3A_247, %parallel_loop3A_248] {strides = array<i32>} : memref<128x128xf32, #tpu.memory_space<vmem>>, vector<16xf32>,
          %parallel_loop3A_250 = arith.constant 48 : i32
          %parallel_loop3A_251 = vector.broadcast %parallel_loop3A_250 : i32 to vector<16xi32>
          %parallel_loop3A_252 = arith.addi %iota3A, %parallel_loop3A_251 : vector<16xi32>
          tpu.vector_store_idx %arg12[%parallel_loop3A_228, %parallel_loop3A_252], %parallel_loop3A_249 {add = true} : memref<648x128xf32, #tpu.memory_space<vmem>>[vector<16xi32>, vector<16xi32>], vector<16xf32>,
          %parallel_loop3A_253 = arith.index_cast %parallel_loop3A_222 : i32 to index
          %parallel_loop3A_254 = arith.constant 64 : index
          %parallel_loop3A_255 = tpu.vector_load %arg11[%parallel_loop3A_253, %parallel_loop3A_254] {strides = array<i32>} : memref<128x128xf32, #tpu.memory_space<vmem>>, vector<16xf32>,
          %parallel_loop3A_256 = arith.constant 64 : i32
          %parallel_loop3A_257 = vector.broadcast %parallel_loop3A_256 : i32 to vector<16xi32>
          %parallel_loop3A_258 = arith.addi %iota3A, %parallel_loop3A_257 : vector<16xi32>
          tpu.vector_store_idx %arg12[%parallel_loop3A_228, %parallel_loop3A_258], %parallel_loop3A_255 {add = true} : memref<648x128xf32, #tpu.memory_space<vmem>>[vector<16xi32>, vector<16xi32>], vector<16xf32>,
          %parallel_loop3A_259 = arith.index_cast %parallel_loop3A_222 : i32 to index
          %parallel_loop3A_260 = arith.constant 80 : index
          %parallel_loop3A_261 = tpu.vector_load %arg11[%parallel_loop3A_259, %parallel_loop3A_260] {strides = array<i32>} : memref<128x128xf32, #tpu.memory_space<vmem>>, vector<16xf32>,
          %parallel_loop3A_262 = arith.constant 80 : i32
          %parallel_loop3A_263 = vector.broadcast %parallel_loop3A_262 : i32 to vector<16xi32>
          %parallel_loop3A_264 = arith.addi %iota3A, %parallel_loop3A_263 : vector<16xi32>
          tpu.vector_store_idx %arg12[%parallel_loop3A_228, %parallel_loop3A_264], %parallel_loop3A_261 {add = true} : memref<648x128xf32, #tpu.memory_space<vmem>>[vector<16xi32>, vector<16xi32>], vector<16xf32>,
          %parallel_loop3A_265 = arith.index_cast %parallel_loop3A_222 : i32 to index
          %parallel_loop3A_266 = arith.constant 96 : index
          %parallel_loop3A_267 = tpu.vector_load %arg11[%parallel_loop3A_265, %parallel_loop3A_266] {strides = array<i32>} : memref<128x128xf32, #tpu.memory_space<vmem>>, vector<16xf32>,
          %parallel_loop3A_268 = arith.constant 96 : i32
          %parallel_loop3A_269 = vector.broadcast %parallel_loop3A_268 : i32 to vector<16xi32>
          %parallel_loop3A_270 = arith.addi %iota3A, %parallel_loop3A_269 : vector<16xi32>
          tpu.vector_store_idx %arg12[%parallel_loop3A_228, %parallel_loop3A_270], %parallel_loop3A_267 {add = true} : memref<648x128xf32, #tpu.memory_space<vmem>>[vector<16xi32>, vector<16xi32>], vector<16xf32>,
          %parallel_loop3A_271 = arith.index_cast %parallel_loop3A_222 : i32 to index
          %parallel_loop3A_272 = arith.constant 112 : index
          %parallel_loop3A_273 = tpu.vector_load %arg11[%parallel_loop3A_271, %parallel_loop3A_272] {strides = array<i32>} : memref<128x128xf32, #tpu.memory_space<vmem>>, vector<16xf32>,
          %parallel_loop3A_274 = arith.constant 112 : i32
          %parallel_loop3A_275 = vector.broadcast %parallel_loop3A_274 : i32 to vector<16xi32>
          %parallel_loop3A_276 = arith.addi %iota3A, %parallel_loop3A_275 : vector<16xi32>
          tpu.vector_store_idx %arg12[%parallel_loop3A_228, %parallel_loop3A_276], %parallel_loop3A_273 {add = true} : memref<648x128xf32, #tpu.memory_space<vmem>>[vector<16xi32>, vector<16xi32>], vector<16xf32>,
        } {sc.loop_unroll_factor = 4 : i64, sc.parallel_access}
        %while3A_221 = arith.constant 0 : i32
        scf.yield %while3A_221 : i32
      }
    }
    %scan3A_10 = arith.constant 40 : i32
    "tpu.region"() ({
      %run_scoped3A = tpu.sem_alloc : memref<!tpu.dma_semaphore, #tpu.memory_space<semaphore_mem>>
      %dma_start3A = arith.constant 0 : i32
      %dma_start3A_11 = arith.constant 0 : i32
      %dma_start3A_12 = tpu.memref_slice %arg12[%dma_start3A, %dma_start3A_11] : memref<648x128xf32, #tpu.memory_space<vmem>> -> memref<640x128xf32, #tpu.memory_space<vmem>>
      %dma_start3A_13 = arith.constant 0 : i32
      %dma_start3A_14 = tpu.memref_slice %arg5[%arg0, %mul3A_1, %dma_start3A_13] : memref<2x10240x128xf32, #tpu.memory_space<hbm>> -> memref<1x640x128xf32, #tpu.memory_space<hbm>>
      %dma_start3A_15 = tpu.memref_squeeze %dma_start3A_14 : memref<1x640x128xf32, #tpu.memory_space<hbm>> -> memref<640x128xf32, #tpu.memory_space<hbm>>
      %dma_start3A_16 = arith.constant 0 : i32
      %dma_start3A_17 = tpu.memref_slice %arg5[%arg0, %mul3A_1, %dma_start3A_16] : memref<2x10240x128xf32, #tpu.memory_space<hbm>> -> memref<1x640x128xf32, #tpu.memory_space<hbm>>
      %dma_start3A_18 = tpu.memref_squeeze %dma_start3A_17 : memref<1x640x128xf32, #tpu.memory_space<hbm>> -> memref<640x128xf32, #tpu.memory_space<hbm>>
      %dma_start3A_19 = arith.constant 0 : i32
      %dma_start3A_20 = arith.constant 0 : i32
      %dma_start3A_21 = tpu.memref_slice %arg12[%dma_start3A_19, %dma_start3A_20] : memref<648x128xf32, #tpu.memory_space<vmem>> -> memref<640x128xf32, #tpu.memory_space<vmem>>
      tpu.enqueue_dma source(%dma_start3A_21 : memref<640x128xf32, #tpu.memory_space<vmem>>) target(%dma_start3A_18 : memref<640x128xf32, #tpu.memory_space<hbm>>) target_semaphore(%run_scoped3A : memref<!tpu.dma_semaphore, #tpu.memory_space<semaphore_mem>>)
      %dma_wait3A = arith.constant 0 : i32
      %dma_wait3A_22 = arith.constant 0 : i32
      %dma_wait3A_23 = tpu.memref_slice %arg12[%dma_wait3A, %dma_wait3A_22] : memref<648x128xf32, #tpu.memory_space<vmem>> -> memref<640x128xf32, #tpu.memory_space<vmem>>
      %dma_wait3A_24 = arith.constant 0 : i32
      %dma_wait3A_25 = tpu.memref_slice %arg5[%arg0, %mul3A_1, %dma_wait3A_24] : memref<2x10240x128xf32, #tpu.memory_space<hbm>> -> memref<1x640x128xf32, #tpu.memory_space<hbm>>
      %dma_wait3A_26 = tpu.memref_squeeze %dma_wait3A_25 : memref<1x640x128xf32, #tpu.memory_space<hbm>> -> memref<640x128xf32, #tpu.memory_space<hbm>>
      %dma_wait3A_27 = arith.constant 0 : i32
      %dma_wait3A_28 = tpu.memref_slice %arg5[%arg0, %mul3A_1, %dma_wait3A_27] : memref<2x10240x128xf32, #tpu.memory_space<hbm>> -> memref<1x640x128xf32, #tpu.memory_space<hbm>>
      %dma_wait3A_29 = tpu.memref_squeeze %dma_wait3A_28 : memref<1x640x128xf32, #tpu.memory_space<hbm>> -> memref<640x128xf32, #tpu.memory_space<hbm>>
      %dma_wait3A_30 = arith.constant 0 : i32
      %dma_wait3A_31 = arith.constant 0 : i32
      %dma_wait3A_32 = tpu.memref_slice %arg12[%dma_wait3A_30, %dma_wait3A_31] : memref<648x128xf32, #tpu.memory_space<vmem>> -> memref<640x128xf32, #tpu.memory_space<vmem>>
      tpu.wait_dma2 semaphore(%run_scoped3A : memref<!tpu.dma_semaphore, #tpu.memory_space<semaphore_mem>>) src(%dma_wait3A_32 : memref<640x128xf32, #tpu.memory_space<vmem>>) dst(%dma_wait3A_29 : memref<640x128xf32, #tpu.memory_space<hbm>>)
      tpu.yield
    }) : () -> ()
    return
  }
}

#map = affine_map<(d0, d1) -> (0)>
#map1 = affine_map<(d0, d1) -> (0, 0, 0)>
module attributes {stable_mosaic.version = 14 : i64} {
  func.func @deg_kernel(%arg0: i32, %arg1: i32, %arg2: memref<327680xi32, #tpu.memory_space<hbm>>, %arg3: memref<327680xi32, #tpu.memory_space<hbm>>, %arg4: memref<32x2x10240xf32, #tpu.memory_space<hbm>>, %arg5: memref<2048xi32, #tpu.memory_space<vmem>>, %arg6: memref<2048xi32, #tpu.memory_space<vmem>>, %arg7: memref<10240xf32, #tpu.memory_space<vmem>>, %arg8: memref<10240xf32, #tpu.memory_space<vmem>>) attributes {dimension_semantics = [#tpu.dimension_semantics<core_parallel>, #tpu.dimension_semantics<subcore_parallel>], iteration_bounds = array<i64: 2, 16>, scalar_prefetch = 0 : i64, scratch_operands = 4 : i64, tpu.core_type = #tpu.core_type<sc_vector_subcore>, window_params = [{transform_indices = #map}, {transform_indices = #map}, {transform_indices = #map1}]} {
    %mul3A = arith.constant 16 : i32
    %mul3A_0 = arith.muli %arg0, %mul3A : i32
    %add3A = arith.addi %mul3A_0, %arg1 : i32
    %broadcast_in_dim3A = arith.constant 0.000000e+00 : f32
    %broadcast_in_dim3A_1 = vector.broadcast %broadcast_in_dim3A : f32 to vector<16xf32>
    %broadcast_in_dim3A_2 = arith.constant 1.000000e+00 : f32
    %broadcast_in_dim3A_3 = vector.broadcast %broadcast_in_dim3A_2 : f32 to vector<16xf32>
    %scan3A = arith.constant 0 : i32
    %scan3A_4 = arith.constant 640 : i32
    %scan3A_5 = arith.addi %scan3A, %scan3A_4 : i32
    %scan3A_6 = arith.constant 1 : i32
    scf.for %scan3A_16 = %scan3A to %scan3A_5 step %scan3A_6  : i32 {
      %mul3A_17 = arith.constant 1 : i32
      %mul3A_18 = arith.muli %scan3A_16, %mul3A_17 : i32
      %add3A_19 = arith.constant 0 : i32
      %add3A_20 = arith.addi %add3A_19, %mul3A_18 : i32
      %mul3A_21 = arith.constant 16 : i32
      %mul3A_22 = arith.muli %add3A_20, %mul3A_21 : i32
      %swap3A = arith.index_cast %mul3A_22 : i32 to index
      %swap3A_23 = tpu.vector_load %arg7[%swap3A] {strides = array<i32>} : memref<10240xf32, #tpu.memory_space<vmem>>, vector<16xf32>,
      tpu.vector_store %arg7[%swap3A], %broadcast_in_dim3A_1 {strides = array<i32>} : memref<10240xf32, #tpu.memory_space<vmem>>, vector<16xf32>,
      %mul3A_24 = arith.constant 16 : i32
      %mul3A_25 = arith.muli %add3A_20, %mul3A_24 : i32
      %swap3A_26 = arith.index_cast %mul3A_25 : i32 to index
      %swap3A_27 = tpu.vector_load %arg8[%swap3A_26] {strides = array<i32>} : memref<10240xf32, #tpu.memory_space<vmem>>, vector<16xf32>,
      tpu.vector_store %arg8[%swap3A_26], %broadcast_in_dim3A_1 {strides = array<i32>} : memref<10240xf32, #tpu.memory_space<vmem>>, vector<16xf32>,
    }
    %scan3A_7 = arith.constant 640 : i32
    %mul3A_8 = arith.constant 10240 : i32
    %mul3A_9 = arith.muli %add3A, %mul3A_8 : i32
    %scan3A_10 = arith.constant 0 : i32
    %scan3A_11 = arith.constant 5 : i32
    %scan3A_12 = arith.addi %scan3A_10, %scan3A_11 : i32
    %scan3A_13 = arith.constant 1 : i32
    scf.for %scan3A_16 = %scan3A_10 to %scan3A_12 step %scan3A_13  : i32 {
      %mul3A_17 = arith.constant 1 : i32
      %mul3A_18 = arith.muli %scan3A_16, %mul3A_17 : i32
      %add3A_19 = arith.constant 0 : i32
      %add3A_20 = arith.addi %add3A_19, %mul3A_18 : i32
      %mul3A_21 = arith.constant 2048 : i32
      %mul3A_22 = arith.muli %add3A_20, %mul3A_21 : i32
      %add3A_23 = arith.addi %mul3A_9, %mul3A_22 : i32
      "tpu.region"() ({
        %run_scoped3A_26 = tpu.sem_alloc : memref<!tpu.dma_semaphore, #tpu.memory_space<semaphore_mem>>
        %dma_start3A = tpu.memref_slice %arg2[%add3A_23] : memref<327680xi32, #tpu.memory_space<hbm>> -> memref<2048xi32, #tpu.memory_space<hbm>>
        %dma_start3A_27 = tpu.memref_slice %arg2[%add3A_23] : memref<327680xi32, #tpu.memory_space<hbm>> -> memref<2048xi32, #tpu.memory_space<hbm>>
        tpu.enqueue_dma source(%dma_start3A_27 : memref<2048xi32, #tpu.memory_space<hbm>>) target(%arg5 : memref<2048xi32, #tpu.memory_space<vmem>>) target_semaphore(%run_scoped3A_26 : memref<!tpu.dma_semaphore, #tpu.memory_space<semaphore_mem>>)
        %dma_wait3A = tpu.memref_slice %arg2[%add3A_23] : memref<327680xi32, #tpu.memory_space<hbm>> -> memref<2048xi32, #tpu.memory_space<hbm>>
        %dma_wait3A_28 = tpu.memref_slice %arg2[%add3A_23] : memref<327680xi32, #tpu.memory_space<hbm>> -> memref<2048xi32, #tpu.memory_space<hbm>>
        tpu.wait_dma2 semaphore(%run_scoped3A_26 : memref<!tpu.dma_semaphore, #tpu.memory_space<semaphore_mem>>) src(%dma_wait3A_28 : memref<2048xi32, #tpu.memory_space<hbm>>) dst(%arg5 : memref<2048xi32, #tpu.memory_space<vmem>>)
        tpu.yield
      }) : () -> ()
      "tpu.region"() ({
        %run_scoped3A_26 = tpu.sem_alloc : memref<!tpu.dma_semaphore, #tpu.memory_space<semaphore_mem>>
        %dma_start3A = tpu.memref_slice %arg3[%add3A_23] : memref<327680xi32, #tpu.memory_space<hbm>> -> memref<2048xi32, #tpu.memory_space<hbm>>
        %dma_start3A_27 = tpu.memref_slice %arg3[%add3A_23] : memref<327680xi32, #tpu.memory_space<hbm>> -> memref<2048xi32, #tpu.memory_space<hbm>>
        tpu.enqueue_dma source(%dma_start3A_27 : memref<2048xi32, #tpu.memory_space<hbm>>) target(%arg6 : memref<2048xi32, #tpu.memory_space<vmem>>) target_semaphore(%run_scoped3A_26 : memref<!tpu.dma_semaphore, #tpu.memory_space<semaphore_mem>>)
        %dma_wait3A = tpu.memref_slice %arg3[%add3A_23] : memref<327680xi32, #tpu.memory_space<hbm>> -> memref<2048xi32, #tpu.memory_space<hbm>>
        %dma_wait3A_28 = tpu.memref_slice %arg3[%add3A_23] : memref<327680xi32, #tpu.memory_space<hbm>> -> memref<2048xi32, #tpu.memory_space<hbm>>
        tpu.wait_dma2 semaphore(%run_scoped3A_26 : memref<!tpu.dma_semaphore, #tpu.memory_space<semaphore_mem>>) src(%dma_wait3A_28 : memref<2048xi32, #tpu.memory_space<hbm>>) dst(%arg6 : memref<2048xi32, #tpu.memory_space<vmem>>)
        tpu.yield
      }) : () -> ()
      %parallel_loop3A = arith.constant 0 : i32
      %parallel_loop3A_24 = arith.constant 128 : i32
      %parallel_loop3A_25 = arith.constant 1 : i32
      scf.for %parallel_loop3A_26 = %parallel_loop3A to %parallel_loop3A_24 step %parallel_loop3A_25  : i32 {
        %parallel_loop3A_27 = arith.constant 16 : i32
        %parallel_loop3A_28 = arith.muli %parallel_loop3A_26, %parallel_loop3A_27 : i32
        %parallel_loop3A_29 = arith.index_cast %parallel_loop3A_28 : i32 to index
        %parallel_loop3A_30 = tpu.vector_load %arg5[%parallel_loop3A_29] {strides = array<i32>} : memref<2048xi32, #tpu.memory_space<vmem>>, vector<16xi32>,
        %parallel_loop3A_31 = arith.constant 16 : i32
        %parallel_loop3A_32 = arith.muli %parallel_loop3A_26, %parallel_loop3A_31 : i32
        %parallel_loop3A_33 = arith.index_cast %parallel_loop3A_32 : i32 to index
        %parallel_loop3A_34 = tpu.vector_load %arg6[%parallel_loop3A_33] {strides = array<i32>} : memref<2048xi32, #tpu.memory_space<vmem>>, vector<16xi32>,
        tpu.vector_store_idx %arg7[%parallel_loop3A_30], %broadcast_in_dim3A_3 {add = true} : memref<10240xf32, #tpu.memory_space<vmem>>[vector<16xi32>], vector<16xf32>,
        tpu.vector_store_idx %arg8[%parallel_loop3A_34], %broadcast_in_dim3A_3 {add = true} : memref<10240xf32, #tpu.memory_space<vmem>>[vector<16xi32>], vector<16xf32>,
      } {sc.loop_unroll_factor = 4 : i64, sc.parallel_access}
    }
    %scan3A_14 = arith.constant 5 : i32
    %run_scoped3A = arith.constant 0 : i32
    "tpu.region"() ({
      %run_scoped3A_16 = tpu.sem_alloc : memref<!tpu.dma_semaphore, #tpu.memory_space<semaphore_mem>>
      %dma_start3A = arith.constant 0 : i32
      %dma_start3A_17 = tpu.memref_slice %arg4[%add3A, %run_scoped3A, %dma_start3A] : memref<32x2x10240xf32, #tpu.memory_space<hbm>> -> memref<1x1x10240xf32, #tpu.memory_space<hbm>>
      %dma_start3A_18 = tpu.memref_squeeze %dma_start3A_17 : memref<1x1x10240xf32, #tpu.memory_space<hbm>> -> memref<10240xf32, #tpu.memory_space<hbm>>
      %dma_start3A_19 = arith.constant 0 : i32
      %dma_start3A_20 = tpu.memref_slice %arg4[%add3A, %run_scoped3A, %dma_start3A_19] : memref<32x2x10240xf32, #tpu.memory_space<hbm>> -> memref<1x1x10240xf32, #tpu.memory_space<hbm>>
      %dma_start3A_21 = tpu.memref_squeeze %dma_start3A_20 : memref<1x1x10240xf32, #tpu.memory_space<hbm>> -> memref<10240xf32, #tpu.memory_space<hbm>>
      tpu.enqueue_dma source(%arg7 : memref<10240xf32, #tpu.memory_space<vmem>>) target(%dma_start3A_21 : memref<10240xf32, #tpu.memory_space<hbm>>) target_semaphore(%run_scoped3A_16 : memref<!tpu.dma_semaphore, #tpu.memory_space<semaphore_mem>>)
      %dma_wait3A = arith.constant 0 : i32
      %dma_wait3A_22 = tpu.memref_slice %arg4[%add3A, %run_scoped3A, %dma_wait3A] : memref<32x2x10240xf32, #tpu.memory_space<hbm>> -> memref<1x1x10240xf32, #tpu.memory_space<hbm>>
      %dma_wait3A_23 = tpu.memref_squeeze %dma_wait3A_22 : memref<1x1x10240xf32, #tpu.memory_space<hbm>> -> memref<10240xf32, #tpu.memory_space<hbm>>
      %dma_wait3A_24 = arith.constant 0 : i32
      %dma_wait3A_25 = tpu.memref_slice %arg4[%add3A, %run_scoped3A, %dma_wait3A_24] : memref<32x2x10240xf32, #tpu.memory_space<hbm>> -> memref<1x1x10240xf32, #tpu.memory_space<hbm>>
      %dma_wait3A_26 = tpu.memref_squeeze %dma_wait3A_25 : memref<1x1x10240xf32, #tpu.memory_space<hbm>> -> memref<10240xf32, #tpu.memory_space<hbm>>
      tpu.wait_dma2 semaphore(%run_scoped3A_16 : memref<!tpu.dma_semaphore, #tpu.memory_space<semaphore_mem>>) src(%arg7 : memref<10240xf32, #tpu.memory_space<vmem>>) dst(%dma_wait3A_26 : memref<10240xf32, #tpu.memory_space<hbm>>)
      tpu.yield
    }) : () -> ()
    %run_scoped3A_15 = arith.constant 1 : i32
    "tpu.region"() ({
      %run_scoped3A_16 = tpu.sem_alloc : memref<!tpu.dma_semaphore, #tpu.memory_space<semaphore_mem>>
      %dma_start3A = arith.constant 0 : i32
      %dma_start3A_17 = tpu.memref_slice %arg4[%add3A, %run_scoped3A_15, %dma_start3A] : memref<32x2x10240xf32, #tpu.memory_space<hbm>> -> memref<1x1x10240xf32, #tpu.memory_space<hbm>>
      %dma_start3A_18 = tpu.memref_squeeze %dma_start3A_17 : memref<1x1x10240xf32, #tpu.memory_space<hbm>> -> memref<10240xf32, #tpu.memory_space<hbm>>
      %dma_start3A_19 = arith.constant 0 : i32
      %dma_start3A_20 = tpu.memref_slice %arg4[%add3A, %run_scoped3A_15, %dma_start3A_19] : memref<32x2x10240xf32, #tpu.memory_space<hbm>> -> memref<1x1x10240xf32, #tpu.memory_space<hbm>>
      %dma_start3A_21 = tpu.memref_squeeze %dma_start3A_20 : memref<1x1x10240xf32, #tpu.memory_space<hbm>> -> memref<10240xf32, #tpu.memory_space<hbm>>
      tpu.enqueue_dma source(%arg8 : memref<10240xf32, #tpu.memory_space<vmem>>) target(%dma_start3A_21 : memref<10240xf32, #tpu.memory_space<hbm>>) target_semaphore(%run_scoped3A_16 : memref<!tpu.dma_semaphore, #tpu.memory_space<semaphore_mem>>)
      %dma_wait3A = arith.constant 0 : i32
      %dma_wait3A_22 = tpu.memref_slice %arg4[%add3A, %run_scoped3A_15, %dma_wait3A] : memref<32x2x10240xf32, #tpu.memory_space<hbm>> -> memref<1x1x10240xf32, #tpu.memory_space<hbm>>
      %dma_wait3A_23 = tpu.memref_squeeze %dma_wait3A_22 : memref<1x1x10240xf32, #tpu.memory_space<hbm>> -> memref<10240xf32, #tpu.memory_space<hbm>>
      %dma_wait3A_24 = arith.constant 0 : i32
      %dma_wait3A_25 = tpu.memref_slice %arg4[%add3A, %run_scoped3A_15, %dma_wait3A_24] : memref<32x2x10240xf32, #tpu.memory_space<hbm>> -> memref<1x1x10240xf32, #tpu.memory_space<hbm>>
      %dma_wait3A_26 = tpu.memref_squeeze %dma_wait3A_25 : memref<1x1x10240xf32, #tpu.memory_space<hbm>> -> memref<10240xf32, #tpu.memory_space<hbm>>
      tpu.wait_dma2 semaphore(%run_scoped3A_16 : memref<!tpu.dma_semaphore, #tpu.memory_space<semaphore_mem>>) src(%arg8 : memref<10240xf32, #tpu.memory_space<vmem>>) dst(%dma_wait3A_26 : memref<10240xf32, #tpu.memory_space<hbm>>)
      tpu.yield
    }) : () -> ()
    return
  }
}

#map = affine_map<(d0, d1) -> (0, 0)>
#map1 = affine_map<(d0, d1) -> (0)>
#map2 = affine_map<(d0, d1) -> (0, 0, 0)>
module attributes {stable_mosaic.version = 14 : i64} {
  func.func @agg_kernel(%arg0: i32, %arg1: i32, %arg2: memref<10240x128xf32, #tpu.memory_space<hbm>>, %arg3: memref<327680xi32, #tpu.memory_space<hbm>>, %arg4: memref<327680xi32, #tpu.memory_space<hbm>>, %arg5: memref<2x10240x128xf32, #tpu.memory_space<hbm>>, %arg6: memref<4096xi32, #tpu.memory_space<vmem>>, %arg7: memref<4096xi32, #tpu.memory_space<vmem>>, %arg8: memref<4224xi32, #tpu.memory_space<vmem>>, %arg9: memref<4224xi32, #tpu.memory_space<vmem>>, %arg10: memref<128xi32, #tpu.memory_space<vmem>>, %arg11: memref<128x128xf32, #tpu.memory_space<vmem>>, %arg12: memref<648x128xf32, #tpu.memory_space<vmem>>, %arg13: memref<!tpu.dma_semaphore, #tpu.memory_space<semaphore_mem>>, %arg14: memref<!tpu.dma_semaphore, #tpu.memory_space<semaphore_mem>>, %arg15: memref<!tpu.dma_semaphore, #tpu.memory_space<semaphore_mem>>, %arg16: memref<!tpu.dma_semaphore, #tpu.memory_space<semaphore_mem>>) attributes {dimension_semantics = [#tpu.dimension_semantics<core_parallel>, #tpu.dimension_semantics<subcore_parallel>], iteration_bounds = array<i64: 2, 16>, scalar_prefetch = 0 : i64, scratch_operands = 11 : i64, tpu.core_type = #tpu.core_type<sc_vector_subcore>, window_params = [{transform_indices = #map}, {transform_indices = #map1}, {transform_indices = #map1}, {transform_indices = #map2}]} {
    %iota3A = tpu.iota {dimensions = array<i32: 0>} : vector<16xi32>
    %broadcast_in_dim3A = arith.constant 0.000000e+00 : f32
    %broadcast_in_dim3A_0 = vector.broadcast %broadcast_in_dim3A : f32 to vector<16xf32>
    %mul3A = arith.constant 640 : i32
    %mul3A_1 = arith.muli %arg1, %mul3A : i32
    %scan3A = arith.constant 0 : i32
    %scan3A_2 = arith.constant 648 : i32
    %scan3A_3 = arith.addi %scan3A, %scan3A_2 : i32
    %scan3A_4 = arith.constant 1 : i32
    scf.for %scan3A_11 = %scan3A to %scan3A_3 step %scan3A_4  : i32 {
      %mul3A_12 = arith.constant 1 : i32
      %mul3A_13 = arith.muli %scan3A_11, %mul3A_12 : i32
      %add3A = arith.constant 0 : i32
      %add3A_14 = arith.addi %add3A, %mul3A_13 : i32
      %swap3A = arith.index_cast %add3A_14 : i32 to index
      %swap3A_15 = arith.constant 0 : index
      %swap3A_16 = tpu.vector_load %arg12[%swap3A, %swap3A_15] {strides = array<i32>} : memref<648x128xf32, #tpu.memory_space<vmem>>, vector<16xf32>,
      tpu.vector_store %arg12[%swap3A, %swap3A_15], %broadcast_in_dim3A_0 {strides = array<i32>} : memref<648x128xf32, #tpu.memory_space<vmem>>, vector<16xf32>,
      %swap3A_17 = arith.index_cast %add3A_14 : i32 to index
      %swap3A_18 = arith.constant 16 : index
      %swap3A_19 = tpu.vector_load %arg12[%swap3A_17, %swap3A_18] {strides = array<i32>} : memref<648x128xf32, #tpu.memory_space<vmem>>, vector<16xf32>,
      tpu.vector_store %arg12[%swap3A_17, %swap3A_18], %broadcast_in_dim3A_0 {strides = array<i32>} : memref<648x128xf32, #tpu.memory_space<vmem>>, vector<16xf32>,
      %swap3A_20 = arith.index_cast %add3A_14 : i32 to index
      %swap3A_21 = arith.constant 32 : index
      %swap3A_22 = tpu.vector_load %arg12[%swap3A_20, %swap3A_21] {strides = array<i32>} : memref<648x128xf32, #tpu.memory_space<vmem>>, vector<16xf32>,
      tpu.vector_store %arg12[%swap3A_20, %swap3A_21], %broadcast_in_dim3A_0 {strides = array<i32>} : memref<648x128xf32, #tpu.memory_space<vmem>>, vector<16xf32>,
      %swap3A_23 = arith.index_cast %add3A_14 : i32 to index
      %swap3A_24 = arith.constant 48 : index
      %swap3A_25 = tpu.vector_load %arg12[%swap3A_23, %swap3A_24] {strides = array<i32>} : memref<648x128xf32, #tpu.memory_space<vmem>>, vector<16xf32>,
      tpu.vector_store %arg12[%swap3A_23, %swap3A_24], %broadcast_in_dim3A_0 {strides = array<i32>} : memref<648x128xf32, #tpu.memory_space<vmem>>, vector<16xf32>,
      %swap3A_26 = arith.index_cast %add3A_14 : i32 to index
      %swap3A_27 = arith.constant 64 : index
      %swap3A_28 = tpu.vector_load %arg12[%swap3A_26, %swap3A_27] {strides = array<i32>} : memref<648x128xf32, #tpu.memory_space<vmem>>, vector<16xf32>,
      tpu.vector_store %arg12[%swap3A_26, %swap3A_27], %broadcast_in_dim3A_0 {strides = array<i32>} : memref<648x128xf32, #tpu.memory_space<vmem>>, vector<16xf32>,
      %swap3A_29 = arith.index_cast %add3A_14 : i32 to index
      %swap3A_30 = arith.constant 80 : index
      %swap3A_31 = tpu.vector_load %arg12[%swap3A_29, %swap3A_30] {strides = array<i32>} : memref<648x128xf32, #tpu.memory_space<vmem>>, vector<16xf32>,
      tpu.vector_store %arg12[%swap3A_29, %swap3A_30], %broadcast_in_dim3A_0 {strides = array<i32>} : memref<648x128xf32, #tpu.memory_space<vmem>>, vector<16xf32>,
      %swap3A_32 = arith.index_cast %add3A_14 : i32 to index
      %swap3A_33 = arith.constant 96 : index
      %swap3A_34 = tpu.vector_load %arg12[%swap3A_32, %swap3A_33] {strides = array<i32>} : memref<648x128xf32, #tpu.memory_space<vmem>>, vector<16xf32>,
      tpu.vector_store %arg12[%swap3A_32, %swap3A_33], %broadcast_in_dim3A_0 {strides = array<i32>} : memref<648x128xf32, #tpu.memory_space<vmem>>, vector<16xf32>,
      %swap3A_35 = arith.index_cast %add3A_14 : i32 to index
      %swap3A_36 = arith.constant 112 : index
      %swap3A_37 = tpu.vector_load %arg12[%swap3A_35, %swap3A_36] {strides = array<i32>} : memref<648x128xf32, #tpu.memory_space<vmem>>, vector<16xf32>,
      tpu.vector_store %arg12[%swap3A_35, %swap3A_36], %broadcast_in_dim3A_0 {strides = array<i32>} : memref<648x128xf32, #tpu.memory_space<vmem>>, vector<16xf32>,
    }
    %scan3A_5 = arith.constant 648 : i32
    %scan3A_6 = arith.constant 0 : i32
    %scan3A_7 = arith.constant 40 : i32
    %scan3A_8 = arith.addi %scan3A_6, %scan3A_7 : i32
    %scan3A_9 = arith.constant 1 : i32
    scf.for %scan3A_11 = %scan3A_6 to %scan3A_8 step %scan3A_9  : i32 {
      %mul3A_12 = arith.constant 1 : i32
      %mul3A_13 = arith.muli %scan3A_11, %mul3A_12 : i32
      %add3A = arith.constant 0 : i32
      %add3A_14 = arith.addi %add3A, %mul3A_13 : i32
      %mul3A_15 = arith.constant 163840 : i32
      %mul3A_16 = arith.muli %arg0, %mul3A_15 : i32
      %mul3A_17 = arith.constant 4096 : i32
      %mul3A_18 = arith.muli %add3A_14, %mul3A_17 : i32
      %add3A_19 = arith.addi %mul3A_16, %mul3A_18 : i32
      "tpu.region"() ({
        %run_scoped3A = tpu.sem_alloc : memref<!tpu.dma_semaphore, #tpu.memory_space<semaphore_mem>>
        %dma_start3A = tpu.memref_slice %arg3[%add3A_19] : memref<327680xi32, #tpu.memory_space<hbm>> -> memref<4096xi32, #tpu.memory_space<hbm>>
        %dma_start3A_93 = tpu.memref_slice %arg3[%add3A_19] : memref<327680xi32, #tpu.memory_space<hbm>> -> memref<4096xi32, #tpu.memory_space<hbm>>
        tpu.enqueue_dma source(%dma_start3A_93 : memref<4096xi32, #tpu.memory_space<hbm>>) target(%arg6 : memref<4096xi32, #tpu.memory_space<vmem>>) target_semaphore(%run_scoped3A : memref<!tpu.dma_semaphore, #tpu.memory_space<semaphore_mem>>)
        %dma_wait3A = tpu.memref_slice %arg3[%add3A_19] : memref<327680xi32, #tpu.memory_space<hbm>> -> memref<4096xi32, #tpu.memory_space<hbm>>
        %dma_wait3A_94 = tpu.memref_slice %arg3[%add3A_19] : memref<327680xi32, #tpu.memory_space<hbm>> -> memref<4096xi32, #tpu.memory_space<hbm>>
        tpu.wait_dma2 semaphore(%run_scoped3A : memref<!tpu.dma_semaphore, #tpu.memory_space<semaphore_mem>>) src(%dma_wait3A_94 : memref<4096xi32, #tpu.memory_space<hbm>>) dst(%arg6 : memref<4096xi32, #tpu.memory_space<vmem>>)
        tpu.yield
      }) : () -> ()
      "tpu.region"() ({
        %run_scoped3A = tpu.sem_alloc : memref<!tpu.dma_semaphore, #tpu.memory_space<semaphore_mem>>
        %dma_start3A = tpu.memref_slice %arg4[%add3A_19] : memref<327680xi32, #tpu.memory_space<hbm>> -> memref<4096xi32, #tpu.memory_space<hbm>>
        %dma_start3A_93 = tpu.memref_slice %arg4[%add3A_19] : memref<327680xi32, #tpu.memory_space<hbm>> -> memref<4096xi32, #tpu.memory_space<hbm>>
        tpu.enqueue_dma source(%dma_start3A_93 : memref<4096xi32, #tpu.memory_space<hbm>>) target(%arg7 : memref<4096xi32, #tpu.memory_space<vmem>>) target_semaphore(%run_scoped3A : memref<!tpu.dma_semaphore, #tpu.memory_space<semaphore_mem>>)
        %dma_wait3A = tpu.memref_slice %arg4[%add3A_19] : memref<327680xi32, #tpu.memory_space<hbm>> -> memref<4096xi32, #tpu.memory_space<hbm>>
        %dma_wait3A_94 = tpu.memref_slice %arg4[%add3A_19] : memref<327680xi32, #tpu.memory_space<hbm>> -> memref<4096xi32, #tpu.memory_space<hbm>>
        tpu.wait_dma2 semaphore(%run_scoped3A : memref<!tpu.dma_semaphore, #tpu.memory_space<semaphore_mem>>) src(%dma_wait3A_94 : memref<4096xi32, #tpu.memory_space<hbm>>) dst(%arg7 : memref<4096xi32, #tpu.memory_space<vmem>>)
        tpu.yield
      }) : () -> ()
      %scan3A_20 = arith.constant 0 : i32
      %scan3A_21 = arith.constant 0 : i32
      %scan3A_22 = arith.constant 256 : i32
      %scan3A_23 = arith.addi %scan3A_21, %scan3A_22 : i32
      %scan3A_24 = arith.constant 1 : i32
      %scan3A_25 = scf.for %scan3A_93 = %scan3A_21 to %scan3A_23 step %scan3A_24 iter_args(%scan3A_94 = %scan3A_20) -> (i32)  : i32 {
        %mul3A_95 = arith.constant 16 : i32
        %mul3A_96 = arith.muli %scan3A_93, %mul3A_95 : i32
        %get3A = arith.index_cast %mul3A_96 : i32 to index
        %get3A_97 = tpu.vector_load %arg6[%get3A] {strides = array<i32>} : memref<4096xi32, #tpu.memory_space<vmem>>, vector<16xi32>,
        %mul3A_98 = arith.constant 16 : i32
        %mul3A_99 = arith.muli %scan3A_93, %mul3A_98 : i32
        %get3A_100 = arith.index_cast %mul3A_99 : i32 to index
        %get3A_101 = tpu.vector_load %arg7[%get3A_100] {strides = array<i32>} : memref<4096xi32, #tpu.memory_space<vmem>>, vector<16xi32>,
        %sub3A_102 = vector.broadcast %mul3A_1 : i32 to vector<16xi32>
        %sub3A_103 = arith.subi %get3A_101, %sub3A_102 : vector<16xi32>
        %ge3A = arith.constant 0 : i32
        %ge3A_104 = vector.broadcast %ge3A : i32 to vector<16xi32>
        %ge3A_105 = arith.cmpi sge, %sub3A_103, %ge3A_104 : vector<16xi32>
        %lt3A = arith.constant 640 : i32
        %lt3A_106 = vector.broadcast %lt3A : i32 to vector<16xi32>
        %lt3A_107 = arith.cmpi slt, %sub3A_103, %lt3A_106 : vector<16xi32>
        %and3A_108 = arith.andi %ge3A_105, %lt3A_107 : vector<16xi1>
        %swap3A = arith.index_cast %scan3A_94 : i32 to index
        %swap3A_109 = tpu.vector_load %arg8[%swap3A] masked %and3A_108 {strides = array<i32>} : memref<4224xi32, #tpu.memory_space<vmem>>, vector<16xi32>, vector<16xi1>
        tpu.vector_store %arg8[%swap3A], %get3A_97 masked %and3A_108 {strides = array<i32>} : memref<4224xi32, #tpu.memory_space<vmem>>, vector<16xi32>, vector<16xi1>
        %swap3A_110 = arith.index_cast %scan3A_94 : i32 to index
        %swap3A_111 = tpu.vector_load %arg9[%swap3A_110] masked %and3A_108 {strides = array<i32>} : memref<4224xi32, #tpu.memory_space<vmem>>, vector<16xi32>, vector<16xi1>
        tpu.vector_store %arg9[%swap3A_110], %sub3A_103 masked %and3A_108 {strides = array<i32>} : memref<4224xi32, #tpu.memory_space<vmem>>, vector<16xi32>, vector<16xi1>
        %convert_element_type3A = arith.extui %and3A_108 : vector<16xi1> to vector<16xi32>
        %reduce_sum3A = arith.constant true
        %reduce_sum3A_112 = vector.broadcast %reduce_sum3A : i1 to vector<16xi1>
        %reduce_sum3A_113 = tpu.scan <sum>, %convert_element_type3A masked %reduce_sum3A_112 : vector<16xi32>, vector<16xi1> -> vector<16xi32>
        %reduce_sum3A_114 = vector.extract %reduce_sum3A_113[15] : i32 from vector<16xi32>
        %add3A_115 = arith.addi %scan3A_94, %reduce_sum3A_114 : i32
        scf.yield %add3A_115 : i32
      }
      %scan3A_26 = arith.constant 256 : i32
      %add3A_27 = arith.constant 127 : i32
      %add3A_28 = arith.addi %scan3A_25, %add3A_27 : i32
      %jit3A = arith.constant 128 : i32
      %div3A = arith.divsi %add3A_28, %jit3A : i32
      %sign3A = arith.constant 0 : i32
      %sign3A_29 = arith.cmpi sgt, %add3A_28, %sign3A : i32
      %sign3A_30 = arith.extui %sign3A_29 : i1 to i32
      %sign3A_31 = arith.constant 0 : i32
      %sign3A_32 = arith.cmpi slt, %add3A_28, %sign3A_31 : i32
      %sign3A_33 = arith.extui %sign3A_32 : i1 to i32
      %sign3A_34 = arith.subi %sign3A_30, %sign3A_33 : i32
      %sign3A_35 = arith.constant 0 : i32
      %sign3A_36 = arith.cmpi sgt, %jit3A, %sign3A_35 : i32
      %sign3A_37 = arith.extui %sign3A_36 : i1 to i32
      %sign3A_38 = arith.constant 0 : i32
      %sign3A_39 = arith.cmpi slt, %jit3A, %sign3A_38 : i32
      %sign3A_40 = arith.extui %sign3A_39 : i1 to i32
      %sign3A_41 = arith.subi %sign3A_37, %sign3A_40 : i32
      %ne3A = arith.cmpi ne, %sign3A_34, %sign3A_41 : i32
      %rem3A = arith.remsi %add3A_28, %jit3A : i32
      %ne3A_42 = arith.constant 0 : i32
      %ne3A_43 = arith.cmpi ne, %rem3A, %ne3A_42 : i32
      %and3A = arith.andi %ne3A, %ne3A_43 : i1
      %sub3A = arith.constant 1 : i32
      %sub3A_44 = arith.subi %div3A, %sub3A : i32
      %select_n3A = arith.select %and3A, %sub3A_44, %div3A : i32
      %jit3A_45 = arith.constant 16 : i32
      %div3A_46 = arith.divsi %scan3A_25, %jit3A_45 : i32
      %sign3A_47 = arith.constant 0 : i32
      %sign3A_48 = arith.cmpi sgt, %scan3A_25, %sign3A_47 : i32
      %sign3A_49 = arith.extui %sign3A_48 : i1 to i32
      %sign3A_50 = arith.constant 0 : i32
      %sign3A_51 = arith.cmpi slt, %scan3A_25, %sign3A_50 : i32
      %sign3A_52 = arith.extui %sign3A_51 : i1 to i32
      %sign3A_53 = arith.subi %sign3A_49, %sign3A_52 : i32
      %sign3A_54 = arith.constant 0 : i32
      %sign3A_55 = arith.cmpi sgt, %jit3A_45, %sign3A_54 : i32
      %sign3A_56 = arith.extui %sign3A_55 : i1 to i32
      %sign3A_57 = arith.constant 0 : i32
      %sign3A_58 = arith.cmpi slt, %jit3A_45, %sign3A_57 : i32
      %sign3A_59 = arith.extui %sign3A_58 : i1 to i32
      %sign3A_60 = arith.subi %sign3A_56, %sign3A_59 : i32
      %ne3A_61 = arith.cmpi ne, %sign3A_53, %sign3A_60 : i32
      %rem3A_62 = arith.remsi %scan3A_25, %jit3A_45 : i32
      %ne3A_63 = arith.constant 0 : i32
      %ne3A_64 = arith.cmpi ne, %rem3A_62, %ne3A_63 : i32
      %and3A_65 = arith.andi %ne3A_61, %ne3A_64 : i1
      %sub3A_66 = arith.constant 1 : i32
      %sub3A_67 = arith.subi %div3A_46, %sub3A_66 : i32
      %select_n3A_68 = arith.select %and3A_65, %sub3A_67, %div3A_46 : i32
      %mul3A_69 = arith.constant 8 : i32
      %mul3A_70 = arith.muli %select_n3A, %mul3A_69 : i32
      %while3A = arith.constant 0 : i32
      %while3A_71 = arith.subi %mul3A_70, %select_n3A_68 : i32
      %while3A_72 = arith.addi %select_n3A_68, %while3A_71 : i32
      %while3A_73 = arith.constant 1 : i32
      %while3A_74 = arith.divsi %while3A_71, %while3A_73 : i32
      %while3A_75 = arith.muli %while3A_74, %while3A_73 : i32
      %while3A_76 = arith.addi %select_n3A_68, %while3A_75 : i32
      %while3A_77 = arith.constant 1 : i32
      %while3A_78 = scf.for %while3A_93 = %select_n3A_68 to %while3A_76 step %while3A_77 iter_args(%while3A_94 = %while3A) -> (i32)  : i32 {
        %mul3A_95 = arith.constant 16 : i32
        %mul3A_96 = arith.muli %while3A_93, %mul3A_95 : i32
        %add3A_97 = vector.broadcast %mul3A_96 : i32 to vector<16xi32>
        %add3A_98 = arith.addi %iota3A, %add3A_97 : vector<16xi32>
        %mul3A_99 = arith.constant 16 : i32
        %mul3A_100 = arith.muli %while3A_93, %mul3A_99 : i32
        %get3A = arith.index_cast %mul3A_100 : i32 to index
        %get3A_101 = tpu.vector_load %arg8[%get3A] {strides = array<i32>} : memref<4224xi32, #tpu.memory_space<vmem>>, vector<16xi32>,
        %mul3A_102 = arith.constant 16 : i32
        %mul3A_103 = arith.muli %while3A_93, %mul3A_102 : i32
        %get3A_104 = arith.index_cast %mul3A_103 : i32 to index
        %get3A_105 = tpu.vector_load %arg9[%get3A_104] {strides = array<i32>} : memref<4224xi32, #tpu.memory_space<vmem>>, vector<16xi32>,
        %ge3A = vector.broadcast %scan3A_25 : i32 to vector<16xi32>
        %ge3A_106 = arith.cmpi sge, %add3A_98, %ge3A : vector<16xi32>
        %jit3A_107 = arith.constant 10016 : i32
        %broadcast_in_dim3A_108 = vector.broadcast %jit3A_107 : i32 to vector<16xi32>
        %select_n3A_109 = arith.select %ge3A_106, %broadcast_in_dim3A_108, %get3A_101 : vector<16xi1>, vector<16xi32>
        %mul3A_110 = arith.constant 16 : i32
        %mul3A_111 = arith.muli %while3A_93, %mul3A_110 : i32
        %swap3A = arith.index_cast %mul3A_111 : i32 to index
        %swap3A_112 = tpu.vector_load %arg8[%swap3A] {strides = array<i32>} : memref<4224xi32, #tpu.memory_space<vmem>>, vector<16xi32>,
        tpu.vector_store %arg8[%swap3A], %select_n3A_109 {strides = array<i32>} : memref<4224xi32, #tpu.memory_space<vmem>>, vector<16xi32>,
        %ge3A_113 = vector.broadcast %scan3A_25 : i32 to vector<16xi32>
        %ge3A_114 = arith.cmpi sge, %add3A_98, %ge3A_113 : vector<16xi32>
        %jit3A_115 = arith.constant 640 : i32
        %broadcast_in_dim3A_116 = vector.broadcast %jit3A_115 : i32 to vector<16xi32>
        %select_n3A_117 = arith.select %ge3A_114, %broadcast_in_dim3A_116, %get3A_105 : vector<16xi1>, vector<16xi32>
        %mul3A_118 = arith.constant 16 : i32
        %mul3A_119 = arith.muli %while3A_93, %mul3A_118 : i32
        %swap3A_120 = arith.index_cast %mul3A_119 : i32 to index
        %swap3A_121 = tpu.vector_load %arg9[%swap3A_120] {strides = array<i32>} : memref<4224xi32, #tpu.memory_space<vmem>>, vector<16xi32>,
        tpu.vector_store %arg9[%swap3A_120], %select_n3A_117 {strides = array<i32>} : memref<4224xi32, #tpu.memory_space<vmem>>, vector<16xi32>,
        %while3A_122 = arith.constant 0 : i32
        scf.yield %while3A_122 : i32
      }
      %while3A_79 = arith.constant 1 : i32
      %while3A_80 = scf.for %while3A_93 = %while3A_76 to %while3A_72 step %while3A_79 iter_args(%while3A_94 = %while3A_78) -> (i32)  : i32 {
        %mul3A_95 = arith.constant 16 : i32
        %mul3A_96 = arith.muli %while3A_93, %mul3A_95 : i32
        %add3A_97 = vector.broadcast %mul3A_96 : i32 to vector<16xi32>
        %add3A_98 = arith.addi %iota3A, %add3A_97 : vector<16xi32>
        %mul3A_99 = arith.constant 16 : i32
        %mul3A_100 = arith.muli %while3A_93, %mul3A_99 : i32
        %get3A = arith.index_cast %mul3A_100 : i32 to index
        %get3A_101 = tpu.vector_load %arg8[%get3A] {strides = array<i32>} : memref<4224xi32, #tpu.memory_space<vmem>>, vector<16xi32>,
        %mul3A_102 = arith.constant 16 : i32
        %mul3A_103 = arith.muli %while3A_93, %mul3A_102 : i32
        %get3A_104 = arith.index_cast %mul3A_103 : i32 to index
        %get3A_105 = tpu.vector_load %arg9[%get3A_104] {strides = array<i32>} : memref<4224xi32, #tpu.memory_space<vmem>>, vector<16xi32>,
        %ge3A = vector.broadcast %scan3A_25 : i32 to vector<16xi32>
        %ge3A_106 = arith.cmpi sge, %add3A_98, %ge3A : vector<16xi32>
        %jit3A_107 = arith.constant 10016 : i32
        %broadcast_in_dim3A_108 = vector.broadcast %jit3A_107 : i32 to vector<16xi32>
        %select_n3A_109 = arith.select %ge3A_106, %broadcast_in_dim3A_108, %get3A_101 : vector<16xi1>, vector<16xi32>
        %mul3A_110 = arith.constant 16 : i32
        %mul3A_111 = arith.muli %while3A_93, %mul3A_110 : i32
        %swap3A = arith.index_cast %mul3A_111 : i32 to index
        %swap3A_112 = tpu.vector_load %arg8[%swap3A] {strides = array<i32>} : memref<4224xi32, #tpu.memory_space<vmem>>, vector<16xi32>,
        tpu.vector_store %arg8[%swap3A], %select_n3A_109 {strides = array<i32>} : memref<4224xi32, #tpu.memory_space<vmem>>, vector<16xi32>,
        %ge3A_113 = vector.broadcast %scan3A_25 : i32 to vector<16xi32>
        %ge3A_114 = arith.cmpi sge, %add3A_98, %ge3A_113 : vector<16xi32>
        %jit3A_115 = arith.constant 640 : i32
        %broadcast_in_dim3A_116 = vector.broadcast %jit3A_115 : i32 to vector<16xi32>
        %select_n3A_117 = arith.select %ge3A_114, %broadcast_in_dim3A_116, %get3A_105 : vector<16xi1>, vector<16xi32>
        %mul3A_118 = arith.constant 16 : i32
        %mul3A_119 = arith.muli %while3A_93, %mul3A_118 : i32
        %swap3A_120 = arith.index_cast %mul3A_119 : i32 to index
        %swap3A_121 = tpu.vector_load %arg9[%swap3A_120] {strides = array<i32>} : memref<4224xi32, #tpu.memory_space<vmem>>, vector<16xi32>,
        tpu.vector_store %arg9[%swap3A_120], %select_n3A_117 {strides = array<i32>} : memref<4224xi32, #tpu.memory_space<vmem>>, vector<16xi32>,
        %while3A_122 = arith.constant 0 : i32
        scf.yield %while3A_122 : i32
      }
      %while3A_81 = arith.constant 0 : i32
      %while3A_82 = arith.constant 0 : i32
      %while3A_83 = arith.subi %select_n3A, %while3A_81 : i32
      %while3A_84 = arith.addi %while3A_81, %while3A_83 : i32
      %while3A_85 = arith.constant 1 : i32
      %while3A_86 = arith.divsi %while3A_83, %while3A_85 : i32
      %while3A_87 = arith.muli %while3A_86, %while3A_85 : i32
      %while3A_88 = arith.addi %while3A_81, %while3A_87 : i32
      %while3A_89 = arith.constant 1 : i32
      %while3A_90 = scf.for %while3A_93 = %while3A_81 to %while3A_88 step %while3A_89 iter_args(%while3A_94 = %while3A_82) -> (i32)  : i32 {
        %mul3A_95 = arith.constant 128 : i32
        %mul3A_96 = arith.muli %while3A_93, %mul3A_95 : i32
        %add3A_97 = arith.constant 0 : i32
        %add3A_98 = arith.addi %mul3A_96, %add3A_97 : i32
        %get3A = arith.index_cast %add3A_98 : i32 to index
        %get3A_99 = tpu.vector_load %arg8[%get3A] {strides = array<i32>} : memref<4224xi32, #tpu.memory_space<vmem>>, vector<16xi32>,
        %swap3A = arith.constant 0 : index
        %swap3A_100 = tpu.vector_load %arg10[%swap3A] {strides = array<i32>} : memref<128xi32, #tpu.memory_space<vmem>>, vector<16xi32>,
        tpu.vector_store %arg10[%swap3A], %get3A_99 {strides = array<i32>} : memref<128xi32, #tpu.memory_space<vmem>>, vector<16xi32>,
        %mul3A_101 = arith.constant 128 : i32
        %mul3A_102 = arith.muli %while3A_93, %mul3A_101 : i32
        %add3A_103 = arith.constant 16 : i32
        %add3A_104 = arith.addi %mul3A_102, %add3A_103 : i32
        %get3A_105 = arith.index_cast %add3A_104 : i32 to index
        %get3A_106 = tpu.vector_load %arg8[%get3A_105] {strides = array<i32>} : memref<4224xi32, #tpu.memory_space<vmem>>, vector<16xi32>,
        %swap3A_107 = arith.constant 16 : index
        %swap3A_108 = tpu.vector_load %arg10[%swap3A_107] {strides = array<i32>} : memref<128xi32, #tpu.memory_space<vmem>>, vector<16xi32>,
        tpu.vector_store %arg10[%swap3A_107], %get3A_106 {strides = array<i32>} : memref<128xi32, #tpu.memory_space<vmem>>, vector<16xi32>,
        %mul3A_109 = arith.constant 128 : i32
        %mul3A_110 = arith.muli %while3A_93, %mul3A_109 : i32
        %add3A_111 = arith.constant 32 : i32
        %add3A_112 = arith.addi %mul3A_110, %add3A_111 : i32
        %get3A_113 = arith.index_cast %add3A_112 : i32 to index
        %get3A_114 = tpu.vector_load %arg8[%get3A_113] {strides = array<i32>} : memref<4224xi32, #tpu.memory_space<vmem>>, vector<16xi32>,
        %swap3A_115 = arith.constant 32 : index
        %swap3A_116 = tpu.vector_load %arg10[%swap3A_115] {strides = array<i32>} : memref<128xi32, #tpu.memory_space<vmem>>, vector<16xi32>,
        tpu.vector_store %arg10[%swap3A_115], %get3A_114 {strides = array<i32>} : memref<128xi32, #tpu.memory_space<vmem>>, vector<16xi32>,
        %mul3A_117 = arith.constant 128 : i32
        %mul3A_118 = arith.muli %while3A_93, %mul3A_117 : i32
        %add3A_119 = arith.constant 48 : i32
        %add3A_120 = arith.addi %mul3A_118, %add3A_119 : i32
        %get3A_121 = arith.index_cast %add3A_120 : i32 to index
        %get3A_122 = tpu.vector_load %arg8[%get3A_121] {strides = array<i32>} : memref<4224xi32, #tpu.memory_space<vmem>>, vector<16xi32>,
        %swap3A_123 = arith.constant 48 : index
        %swap3A_124 = tpu.vector_load %arg10[%swap3A_123] {strides = array<i32>} : memref<128xi32, #tpu.memory_space<vmem>>, vector<16xi32>,
        tpu.vector_store %arg10[%swap3A_123], %get3A_122 {strides = array<i32>} : memref<128xi32, #tpu.memory_space<vmem>>, vector<16xi32>,
        %mul3A_125 = arith.constant 128 : i32
        %mul3A_126 = arith.muli %while3A_93, %mul3A_125 : i32
        %add3A_127 = arith.constant 64 : i32
        %add3A_128 = arith.addi %mul3A_126, %add3A_127 : i32
        %get3A_129 = arith.index_cast %add3A_128 : i32 to index
        %get3A_130 = tpu.vector_load %arg8[%get3A_129] {strides = array<i32>} : memref<4224xi32, #tpu.memory_space<vmem>>, vector<16xi32>,
        %swap3A_131 = arith.constant 64 : index
        %swap3A_132 = tpu.vector_load %arg10[%swap3A_131] {strides = array<i32>} : memref<128xi32, #tpu.memory_space<vmem>>, vector<16xi32>,
        tpu.vector_store %arg10[%swap3A_131], %get3A_130 {strides = array<i32>} : memref<128xi32, #tpu.memory_space<vmem>>, vector<16xi32>,
        %mul3A_133 = arith.constant 128 : i32
        %mul3A_134 = arith.muli %while3A_93, %mul3A_133 : i32
        %add3A_135 = arith.constant 80 : i32
        %add3A_136 = arith.addi %mul3A_134, %add3A_135 : i32
        %get3A_137 = arith.index_cast %add3A_136 : i32 to index
        %get3A_138 = tpu.vector_load %arg8[%get3A_137] {strides = array<i32>} : memref<4224xi32, #tpu.memory_space<vmem>>, vector<16xi32>,
        %swap3A_139 = arith.constant 80 : index
        %swap3A_140 = tpu.vector_load %arg10[%swap3A_139] {strides = array<i32>} : memref<128xi32, #tpu.memory_space<vmem>>, vector<16xi32>,
        tpu.vector_store %arg10[%swap3A_139], %get3A_138 {strides = array<i32>} : memref<128xi32, #tpu.memory_space<vmem>>, vector<16xi32>,
        %mul3A_141 = arith.constant 128 : i32
        %mul3A_142 = arith.muli %while3A_93, %mul3A_141 : i32
        %add3A_143 = arith.constant 96 : i32
        %add3A_144 = arith.addi %mul3A_142, %add3A_143 : i32
        %get3A_145 = arith.index_cast %add3A_144 : i32 to index
        %get3A_146 = tpu.vector_load %arg8[%get3A_145] {strides = array<i32>} : memref<4224xi32, #tpu.memory_space<vmem>>, vector<16xi32>,
        %swap3A_147 = arith.constant 96 : index
        %swap3A_148 = tpu.vector_load %arg10[%swap3A_147] {strides = array<i32>} : memref<128xi32, #tpu.memory_space<vmem>>, vector<16xi32>,
        tpu.vector_store %arg10[%swap3A_147], %get3A_146 {strides = array<i32>} : memref<128xi32, #tpu.memory_space<vmem>>, vector<16xi32>,
        %mul3A_149 = arith.constant 128 : i32
        %mul3A_150 = arith.muli %while3A_93, %mul3A_149 : i32
        %add3A_151 = arith.constant 112 : i32
        %add3A_152 = arith.addi %mul3A_150, %add3A_151 : i32
        %get3A_153 = arith.index_cast %add3A_152 : i32 to index
        %get3A_154 = tpu.vector_load %arg8[%get3A_153] {strides = array<i32>} : memref<4224xi32, #tpu.memory_space<vmem>>, vector<16xi32>,
        %swap3A_155 = arith.constant 112 : index
        %swap3A_156 = tpu.vector_load %arg10[%swap3A_155] {strides = array<i32>} : memref<128xi32, #tpu.memory_space<vmem>>, vector<16xi32>,
        tpu.vector_store %arg10[%swap3A_155], %get3A_154 {strides = array<i32>} : memref<128xi32, #tpu.memory_space<vmem>>, vector<16xi32>,
        %dma_start3A = arith.constant 0 : i32
        %dma_start3A_157 = arith.constant 0 : i32
        %dma_start3A_158 = tpu.memref_slice %arg11[%dma_start3A, %dma_start3A_157] : memref<128x128xf32, #tpu.memory_space<vmem>> -> memref<32x128xf32, #tpu.memory_space<vmem>>
        %dma_start3A_159 = arith.constant 0 : i32
        %dma_start3A_160 = tpu.memref_slice %arg10[%dma_start3A_159] : memref<128xi32, #tpu.memory_space<vmem>> -> memref<32xi32, #tpu.memory_space<vmem>>
        %dma_start3A_161 = arith.constant 0 : i32
        %dma_start3A_162 = arith.constant 0 : i32
        %dma_start3A_163 = tpu.memref_slice %arg2[%dma_start3A_161, %dma_start3A_162] : memref<10240x128xf32, #tpu.memory_space<hbm>> -> memref<10240x128xf32, #tpu.memory_space<hbm>>
        tpu.enqueue_indirect_dma source(%dma_start3A_163 : memref<10240x128xf32, #tpu.memory_space<hbm>>) target(%dma_start3A_158 : memref<32x128xf32, #tpu.memory_space<vmem>>) offsets(%dma_start3A_160 : memref<32xi32, #tpu.memory_space<vmem>>) semaphore(%arg13 : memref<!tpu.dma_semaphore, #tpu.memory_space<semaphore_mem>>)
        %dma_start3A_164 = arith.constant 32 : i32
        %dma_start3A_165 = arith.constant 0 : i32
        %dma_start3A_166 = tpu.memref_slice %arg11[%dma_start3A_164, %dma_start3A_165] : memref<128x128xf32, #tpu.memory_space<vmem>> -> memref<32x128xf32, #tpu.memory_space<vmem>>
        %dma_start3A_167 = arith.constant 32 : i32
        %dma_start3A_168 = tpu.memref_slice %arg10[%dma_start3A_167] : memref<128xi32, #tpu.memory_space<vmem>> -> memref<32xi32, #tpu.memory_space<vmem>>
        %dma_start3A_169 = arith.constant 0 : i32
        %dma_start3A_170 = arith.constant 0 : i32
        %dma_start3A_171 = tpu.memref_slice %arg2[%dma_start3A_169, %dma_start3A_170] : memref<10240x128xf32, #tpu.memory_space<hbm>> -> memref<10240x128xf32, #tpu.memory_space<hbm>>
        tpu.enqueue_indirect_dma source(%dma_start3A_171 : memref<10240x128xf32, #tpu.memory_space<hbm>>) target(%dma_start3A_166 : memref<32x128xf32, #tpu.memory_space<vmem>>) offsets(%dma_start3A_168 : memref<32xi32, #tpu.memory_space<vmem>>) semaphore(%arg14 : memref<!tpu.dma_semaphore, #tpu.memory_space<semaphore_mem>>)
        %dma_start3A_172 = arith.constant 64 : i32
        %dma_start3A_173 = arith.constant 0 : i32
        %dma_start3A_174 = tpu.memref_slice %arg11[%dma_start3A_172, %dma_start3A_173] : memref<128x128xf32, #tpu.memory_space<vmem>> -> memref<32x128xf32, #tpu.memory_space<vmem>>
        %dma_start3A_175 = arith.constant 64 : i32
        %dma_start3A_176 = tpu.memref_slice %arg10[%dma_start3A_175] : memref<128xi32, #tpu.memory_space<vmem>> -> memref<32xi32, #tpu.memory_space<vmem>>
        %dma_start3A_177 = arith.constant 0 : i32
        %dma_start3A_178 = arith.constant 0 : i32
        %dma_start3A_179 = tpu.memref_slice %arg2[%dma_start3A_177, %dma_start3A_178] : memref<10240x128xf32, #tpu.memory_space<hbm>> -> memref<10240x128xf32, #tpu.memory_space<hbm>>
        tpu.enqueue_indirect_dma source(%dma_start3A_179 : memref<10240x128xf32, #tpu.memory_space<hbm>>) target(%dma_start3A_174 : memref<32x128xf32, #tpu.memory_space<vmem>>) offsets(%dma_start3A_176 : memref<32xi32, #tpu.memory_space<vmem>>) semaphore(%arg15 : memref<!tpu.dma_semaphore, #tpu.memory_space<semaphore_mem>>)
        %dma_start3A_180 = arith.constant 96 : i32
        %dma_start3A_181 = arith.constant 0 : i32
        %dma_start3A_182 = tpu.memref_slice %arg11[%dma_start3A_180, %dma_start3A_181] : memref<128x128xf32, #tpu.memory_space<vmem>> -> memref<32x128xf32, #tpu.memory_space<vmem>>
        %dma_start3A_183 = arith.constant 96 : i32
        %dma_start3A_184 = tpu.memref_slice %arg10[%dma_start3A_183] : memref<128xi32, #tpu.memory_space<vmem>> -> memref<32xi32, #tpu.memory_space<vmem>>
        %dma_start3A_185 = arith.constant 0 : i32
        %dma_start3A_186 = arith.constant 0 : i32
        %dma_start3A_187 = tpu.memref_slice %arg2[%dma_start3A_185, %dma_start3A_186] : memref<10240x128xf32, #tpu.memory_space<hbm>> -> memref<10240x128xf32, #tpu.memory_space<hbm>>
        tpu.enqueue_indirect_dma source(%dma_start3A_187 : memref<10240x128xf32, #tpu.memory_space<hbm>>) target(%dma_start3A_182 : memref<32x128xf32, #tpu.memory_space<vmem>>) offsets(%dma_start3A_184 : memref<32xi32, #tpu.memory_space<vmem>>) semaphore(%arg16 : memref<!tpu.dma_semaphore, #tpu.memory_space<semaphore_mem>>)
        %dma_wait3A = arith.constant 0 : i32
        %dma_wait3A_188 = arith.constant 0 : i32
        %dma_wait3A_189 = tpu.memref_slice %arg11[%dma_wait3A, %dma_wait3A_188] : memref<128x128xf32, #tpu.memory_space<vmem>> -> memref<32x128xf32, #tpu.memory_space<vmem>>
        %dma_wait3A_190 = arith.constant 0 : i32
        %dma_wait3A_191 = tpu.memref_slice %arg10[%dma_wait3A_190] : memref<128xi32, #tpu.memory_space<vmem>> -> memref<32xi32, #tpu.memory_space<vmem>>
        %dma_wait3A_192 = arith.constant 0 : i32
        %dma_wait3A_193 = arith.constant 0 : i32
        %dma_wait3A_194 = tpu.memref_slice %arg2[%dma_wait3A_192, %dma_wait3A_193] : memref<10240x128xf32, #tpu.memory_space<hbm>> -> memref<10240x128xf32, #tpu.memory_space<hbm>>
        tpu.wait_indirect_dma semaphore(%arg13 : memref<!tpu.dma_semaphore, #tpu.memory_space<semaphore_mem>>) src(%dma_wait3A_194 : memref<10240x128xf32, #tpu.memory_space<hbm>>) dst(%dma_wait3A_189 : memref<32x128xf32, #tpu.memory_space<vmem>>)
        %dma_wait3A_195 = arith.constant 32 : i32
        %dma_wait3A_196 = arith.constant 0 : i32
        %dma_wait3A_197 = tpu.memref_slice %arg11[%dma_wait3A_195, %dma_wait3A_196] : memref<128x128xf32, #tpu.memory_space<vmem>> -> memref<32x128xf32, #tpu.memory_space<vmem>>
        %dma_wait3A_198 = arith.constant 32 : i32
        %dma_wait3A_199 = tpu.memref_slice %arg10[%dma_wait3A_198] : memref<128xi32, #tpu.memory_space<vmem>> -> memref<32xi32, #tpu.memory_space<vmem>>
        %dma_wait3A_200 = arith.constant 0 : i32
        %dma_wait3A_201 = arith.constant 0 : i32
        %dma_wait3A_202 = tpu.memref_slice %arg2[%dma_wait3A_200, %dma_wait3A_201] : memref<10240x128xf32, #tpu.memory_space<hbm>> -> memref<10240x128xf32, #tpu.memory_space<hbm>>
        tpu.wait_indirect_dma semaphore(%arg14 : memref<!tpu.dma_semaphore, #tpu.memory_space<semaphore_mem>>) src(%dma_wait3A_202 : memref<10240x128xf32, #tpu.memory_space<hbm>>) dst(%dma_wait3A_197 : memref<32x128xf32, #tpu.memory_space<vmem>>)
        %dma_wait3A_203 = arith.constant 64 : i32
        %dma_wait3A_204 = arith.constant 0 : i32
        %dma_wait3A_205 = tpu.memref_slice %arg11[%dma_wait3A_203, %dma_wait3A_204] : memref<128x128xf32, #tpu.memory_space<vmem>> -> memref<32x128xf32, #tpu.memory_space<vmem>>
        %dma_wait3A_206 = arith.constant 64 : i32
        %dma_wait3A_207 = tpu.memref_slice %arg10[%dma_wait3A_206] : memref<128xi32, #tpu.memory_space<vmem>> -> memref<32xi32, #tpu.memory_space<vmem>>
        %dma_wait3A_208 = arith.constant 0 : i32
        %dma_wait3A_209 = arith.constant 0 : i32
        %dma_wait3A_210 = tpu.memref_slice %arg2[%dma_wait3A_208, %dma_wait3A_209] : memref<10240x128xf32, #tpu.memory_space<hbm>> -> memref<10240x128xf32, #tpu.memory_space<hbm>>
        tpu.wait_indirect_dma semaphore(%arg15 : memref<!tpu.dma_semaphore, #tpu.memory_space<semaphore_mem>>) src(%dma_wait3A_210 : memref<10240x128xf32, #tpu.memory_space<hbm>>) dst(%dma_wait3A_205 : memref<32x128xf32, #tpu.memory_space<vmem>>)
        %dma_wait3A_211 = arith.constant 96 : i32
        %dma_wait3A_212 = arith.constant 0 : i32
        %dma_wait3A_213 = tpu.memref_slice %arg11[%dma_wait3A_211, %dma_wait3A_212] : memref<128x128xf32, #tpu.memory_space<vmem>> -> memref<32x128xf32, #tpu.memory_space<vmem>>
        %dma_wait3A_214 = arith.constant 96 : i32
        %dma_wait3A_215 = tpu.memref_slice %arg10[%dma_wait3A_214] : memref<128xi32, #tpu.memory_space<vmem>> -> memref<32xi32, #tpu.memory_space<vmem>>
        %dma_wait3A_216 = arith.constant 0 : i32
        %dma_wait3A_217 = arith.constant 0 : i32
        %dma_wait3A_218 = tpu.memref_slice %arg2[%dma_wait3A_216, %dma_wait3A_217] : memref<10240x128xf32, #tpu.memory_space<hbm>> -> memref<10240x128xf32, #tpu.memory_space<hbm>>
        tpu.wait_indirect_dma semaphore(%arg16 : memref<!tpu.dma_semaphore, #tpu.memory_space<semaphore_mem>>) src(%dma_wait3A_218 : memref<10240x128xf32, #tpu.memory_space<hbm>>) dst(%dma_wait3A_213 : memref<32x128xf32, #tpu.memory_space<vmem>>)
        %parallel_loop3A = arith.constant 0 : i32
        %parallel_loop3A_219 = arith.constant 128 : i32
        %parallel_loop3A_220 = arith.constant 1 : i32
        scf.for %parallel_loop3A_222 = %parallel_loop3A to %parallel_loop3A_219 step %parallel_loop3A_220  : i32 {
          %parallel_loop3A_223 = arith.constant 128 : i32
          %parallel_loop3A_224 = arith.muli %while3A_93, %parallel_loop3A_223 : i32
          %parallel_loop3A_225 = vector.broadcast %parallel_loop3A_224 : i32 to vector<16xi32>
          %parallel_loop3A_226 = vector.broadcast %parallel_loop3A_222 : i32 to vector<16xi32>
          %parallel_loop3A_227 = arith.addi %parallel_loop3A_225, %parallel_loop3A_226 : vector<16xi32>
          %parallel_loop3A_228 = tpu.vector_load_idx %arg9[%parallel_loop3A_227] : memref<4224xi32, #tpu.memory_space<vmem>>[vector<16xi32>], vector<16xi32>,
          %parallel_loop3A_229 = arith.index_cast %parallel_loop3A_222 : i32 to index
          %parallel_loop3A_230 = arith.constant 0 : index
          %parallel_loop3A_231 = tpu.vector_load %arg11[%parallel_loop3A_229, %parallel_loop3A_230] {strides = array<i32>} : memref<128x128xf32, #tpu.memory_space<vmem>>, vector<16xf32>,
          %parallel_loop3A_232 = arith.constant 0 : i32
          %parallel_loop3A_233 = vector.broadcast %parallel_loop3A_232 : i32 to vector<16xi32>
          %parallel_loop3A_234 = arith.addi %iota3A, %parallel_loop3A_233 : vector<16xi32>
          tpu.vector_store_idx %arg12[%parallel_loop3A_228, %parallel_loop3A_234], %parallel_loop3A_231 {add = true} : memref<648x128xf32, #tpu.memory_space<vmem>>[vector<16xi32>, vector<16xi32>], vector<16xf32>,
          %parallel_loop3A_235 = arith.index_cast %parallel_loop3A_222 : i32 to index
          %parallel_loop3A_236 = arith.constant 16 : index
          %parallel_loop3A_237 = tpu.vector_load %arg11[%parallel_loop3A_235, %parallel_loop3A_236] {strides = array<i32>} : memref<128x128xf32, #tpu.memory_space<vmem>>, vector<16xf32>,
          %parallel_loop3A_238 = arith.constant 16 : i32
          %parallel_loop3A_239 = vector.broadcast %parallel_loop3A_238 : i32 to vector<16xi32>
          %parallel_loop3A_240 = arith.addi %iota3A, %parallel_loop3A_239 : vector<16xi32>
          tpu.vector_store_idx %arg12[%parallel_loop3A_228, %parallel_loop3A_240], %parallel_loop3A_237 {add = true} : memref<648x128xf32, #tpu.memory_space<vmem>>[vector<16xi32>, vector<16xi32>], vector<16xf32>,
          %parallel_loop3A_241 = arith.index_cast %parallel_loop3A_222 : i32 to index
          %parallel_loop3A_242 = arith.constant 32 : index
          %parallel_loop3A_243 = tpu.vector_load %arg11[%parallel_loop3A_241, %parallel_loop3A_242] {strides = array<i32>} : memref<128x128xf32, #tpu.memory_space<vmem>>, vector<16xf32>,
          %parallel_loop3A_244 = arith.constant 32 : i32
          %parallel_loop3A_245 = vector.broadcast %parallel_loop3A_244 : i32 to vector<16xi32>
          %parallel_loop3A_246 = arith.addi %iota3A, %parallel_loop3A_245 : vector<16xi32>
          tpu.vector_store_idx %arg12[%parallel_loop3A_228, %parallel_loop3A_246], %parallel_loop3A_243 {add = true} : memref<648x128xf32, #tpu.memory_space<vmem>>[vector<16xi32>, vector<16xi32>], vector<16xf32>,
          %parallel_loop3A_247 = arith.index_cast %parallel_loop3A_222 : i32 to index
          %parallel_loop3A_248 = arith.constant 48 : index
          %parallel_loop3A_249 = tpu.vector_load %arg11[%parallel_loop3A_247, %parallel_loop3A_248] {strides = array<i32>} : memref<128x128xf32, #tpu.memory_space<vmem>>, vector<16xf32>,
          %parallel_loop3A_250 = arith.constant 48 : i32
          %parallel_loop3A_251 = vector.broadcast %parallel_loop3A_250 : i32 to vector<16xi32>
          %parallel_loop3A_252 = arith.addi %iota3A, %parallel_loop3A_251 : vector<16xi32>
          tpu.vector_store_idx %arg12[%parallel_loop3A_228, %parallel_loop3A_252], %parallel_loop3A_249 {add = true} : memref<648x128xf32, #tpu.memory_space<vmem>>[vector<16xi32>, vector<16xi32>], vector<16xf32>,
          %parallel_loop3A_253 = arith.index_cast %parallel_loop3A_222 : i32 to index
          %parallel_loop3A_254 = arith.constant 64 : index
          %parallel_loop3A_255 = tpu.vector_load %arg11[%parallel_loop3A_253, %parallel_loop3A_254] {strides = array<i32>} : memref<128x128xf32, #tpu.memory_space<vmem>>, vector<16xf32>,
          %parallel_loop3A_256 = arith.constant 64 : i32
          %parallel_loop3A_257 = vector.broadcast %parallel_loop3A_256 : i32 to vector<16xi32>
          %parallel_loop3A_258 = arith.addi %iota3A, %parallel_loop3A_257 : vector<16xi32>
          tpu.vector_store_idx %arg12[%parallel_loop3A_228, %parallel_loop3A_258], %parallel_loop3A_255 {add = true} : memref<648x128xf32, #tpu.memory_space<vmem>>[vector<16xi32>, vector<16xi32>], vector<16xf32>,
          %parallel_loop3A_259 = arith.index_cast %parallel_loop3A_222 : i32 to index
          %parallel_loop3A_260 = arith.constant 80 : index
          %parallel_loop3A_261 = tpu.vector_load %arg11[%parallel_loop3A_259, %parallel_loop3A_260] {strides = array<i32>} : memref<128x128xf32, #tpu.memory_space<vmem>>, vector<16xf32>,
          %parallel_loop3A_262 = arith.constant 80 : i32
          %parallel_loop3A_263 = vector.broadcast %parallel_loop3A_262 : i32 to vector<16xi32>
          %parallel_loop3A_264 = arith.addi %iota3A, %parallel_loop3A_263 : vector<16xi32>
          tpu.vector_store_idx %arg12[%parallel_loop3A_228, %parallel_loop3A_264], %parallel_loop3A_261 {add = true} : memref<648x128xf32, #tpu.memory_space<vmem>>[vector<16xi32>, vector<16xi32>], vector<16xf32>,
          %parallel_loop3A_265 = arith.index_cast %parallel_loop3A_222 : i32 to index
          %parallel_loop3A_266 = arith.constant 96 : index
          %parallel_loop3A_267 = tpu.vector_load %arg11[%parallel_loop3A_265, %parallel_loop3A_266] {strides = array<i32>} : memref<128x128xf32, #tpu.memory_space<vmem>>, vector<16xf32>,
          %parallel_loop3A_268 = arith.constant 96 : i32
          %parallel_loop3A_269 = vector.broadcast %parallel_loop3A_268 : i32 to vector<16xi32>
          %parallel_loop3A_270 = arith.addi %iota3A, %parallel_loop3A_269 : vector<16xi32>
          tpu.vector_store_idx %arg12[%parallel_loop3A_228, %parallel_loop3A_270], %parallel_loop3A_267 {add = true} : memref<648x128xf32, #tpu.memory_space<vmem>>[vector<16xi32>, vector<16xi32>], vector<16xf32>,
          %parallel_loop3A_271 = arith.index_cast %parallel_loop3A_222 : i32 to index
          %parallel_loop3A_272 = arith.constant 112 : index
          %parallel_loop3A_273 = tpu.vector_load %arg11[%parallel_loop3A_271, %parallel_loop3A_272] {strides = array<i32>} : memref<128x128xf32, #tpu.memory_space<vmem>>, vector<16xf32>,
          %parallel_loop3A_274 = arith.constant 112 : i32
          %parallel_loop3A_275 = vector.broadcast %parallel_loop3A_274 : i32 to vector<16xi32>
          %parallel_loop3A_276 = arith.addi %iota3A, %parallel_loop3A_275 : vector<16xi32>
          tpu.vector_store_idx %arg12[%parallel_loop3A_228, %parallel_loop3A_276], %parallel_loop3A_273 {add = true} : memref<648x128xf32, #tpu.memory_space<vmem>>[vector<16xi32>, vector<16xi32>], vector<16xf32>,
        } {sc.loop_unroll_factor = 4 : i64, sc.parallel_access}
        %while3A_221 = arith.constant 0 : i32
        scf.yield %while3A_221 : i32
      }
      %while3A_91 = arith.constant 1 : i32
      %while3A_92 = scf.for %while3A_93 = %while3A_88 to %while3A_84 step %while3A_91 iter_args(%while3A_94 = %while3A_90) -> (i32)  : i32 {
        %mul3A_95 = arith.constant 128 : i32
        %mul3A_96 = arith.muli %while3A_93, %mul3A_95 : i32
        %add3A_97 = arith.constant 0 : i32
        %add3A_98 = arith.addi %mul3A_96, %add3A_97 : i32
        %get3A = arith.index_cast %add3A_98 : i32 to index
        %get3A_99 = tpu.vector_load %arg8[%get3A] {strides = array<i32>} : memref<4224xi32, #tpu.memory_space<vmem>>, vector<16xi32>,
        %swap3A = arith.constant 0 : index
        %swap3A_100 = tpu.vector_load %arg10[%swap3A] {strides = array<i32>} : memref<128xi32, #tpu.memory_space<vmem>>, vector<16xi32>,
        tpu.vector_store %arg10[%swap3A], %get3A_99 {strides = array<i32>} : memref<128xi32, #tpu.memory_space<vmem>>, vector<16xi32>,
        %mul3A_101 = arith.constant 128 : i32
        %mul3A_102 = arith.muli %while3A_93, %mul3A_101 : i32
        %add3A_103 = arith.constant 16 : i32
        %add3A_104 = arith.addi %mul3A_102, %add3A_103 : i32
        %get3A_105 = arith.index_cast %add3A_104 : i32 to index
        %get3A_106 = tpu.vector_load %arg8[%get3A_105] {strides = array<i32>} : memref<4224xi32, #tpu.memory_space<vmem>>, vector<16xi32>,
        %swap3A_107 = arith.constant 16 : index
        %swap3A_108 = tpu.vector_load %arg10[%swap3A_107] {strides = array<i32>} : memref<128xi32, #tpu.memory_space<vmem>>, vector<16xi32>,
        tpu.vector_store %arg10[%swap3A_107], %get3A_106 {strides = array<i32>} : memref<128xi32, #tpu.memory_space<vmem>>, vector<16xi32>,
        %mul3A_109 = arith.constant 128 : i32
        %mul3A_110 = arith.muli %while3A_93, %mul3A_109 : i32
        %add3A_111 = arith.constant 32 : i32
        %add3A_112 = arith.addi %mul3A_110, %add3A_111 : i32
        %get3A_113 = arith.index_cast %add3A_112 : i32 to index
        %get3A_114 = tpu.vector_load %arg8[%get3A_113] {strides = array<i32>} : memref<4224xi32, #tpu.memory_space<vmem>>, vector<16xi32>,
        %swap3A_115 = arith.constant 32 : index
        %swap3A_116 = tpu.vector_load %arg10[%swap3A_115] {strides = array<i32>} : memref<128xi32, #tpu.memory_space<vmem>>, vector<16xi32>,
        tpu.vector_store %arg10[%swap3A_115], %get3A_114 {strides = array<i32>} : memref<128xi32, #tpu.memory_space<vmem>>, vector<16xi32>,
        %mul3A_117 = arith.constant 128 : i32
        %mul3A_118 = arith.muli %while3A_93, %mul3A_117 : i32
        %add3A_119 = arith.constant 48 : i32
        %add3A_120 = arith.addi %mul3A_118, %add3A_119 : i32
        %get3A_121 = arith.index_cast %add3A_120 : i32 to index
        %get3A_122 = tpu.vector_load %arg8[%get3A_121] {strides = array<i32>} : memref<4224xi32, #tpu.memory_space<vmem>>, vector<16xi32>,
        %swap3A_123 = arith.constant 48 : index
        %swap3A_124 = tpu.vector_load %arg10[%swap3A_123] {strides = array<i32>} : memref<128xi32, #tpu.memory_space<vmem>>, vector<16xi32>,
        tpu.vector_store %arg10[%swap3A_123], %get3A_122 {strides = array<i32>} : memref<128xi32, #tpu.memory_space<vmem>>, vector<16xi32>,
        %mul3A_125 = arith.constant 128 : i32
        %mul3A_126 = arith.muli %while3A_93, %mul3A_125 : i32
        %add3A_127 = arith.constant 64 : i32
        %add3A_128 = arith.addi %mul3A_126, %add3A_127 : i32
        %get3A_129 = arith.index_cast %add3A_128 : i32 to index
        %get3A_130 = tpu.vector_load %arg8[%get3A_129] {strides = array<i32>} : memref<4224xi32, #tpu.memory_space<vmem>>, vector<16xi32>,
        %swap3A_131 = arith.constant 64 : index
        %swap3A_132 = tpu.vector_load %arg10[%swap3A_131] {strides = array<i32>} : memref<128xi32, #tpu.memory_space<vmem>>, vector<16xi32>,
        tpu.vector_store %arg10[%swap3A_131], %get3A_130 {strides = array<i32>} : memref<128xi32, #tpu.memory_space<vmem>>, vector<16xi32>,
        %mul3A_133 = arith.constant 128 : i32
        %mul3A_134 = arith.muli %while3A_93, %mul3A_133 : i32
        %add3A_135 = arith.constant 80 : i32
        %add3A_136 = arith.addi %mul3A_134, %add3A_135 : i32
        %get3A_137 = arith.index_cast %add3A_136 : i32 to index
        %get3A_138 = tpu.vector_load %arg8[%get3A_137] {strides = array<i32>} : memref<4224xi32, #tpu.memory_space<vmem>>, vector<16xi32>,
        %swap3A_139 = arith.constant 80 : index
        %swap3A_140 = tpu.vector_load %arg10[%swap3A_139] {strides = array<i32>} : memref<128xi32, #tpu.memory_space<vmem>>, vector<16xi32>,
        tpu.vector_store %arg10[%swap3A_139], %get3A_138 {strides = array<i32>} : memref<128xi32, #tpu.memory_space<vmem>>, vector<16xi32>,
        %mul3A_141 = arith.constant 128 : i32
        %mul3A_142 = arith.muli %while3A_93, %mul3A_141 : i32
        %add3A_143 = arith.constant 96 : i32
        %add3A_144 = arith.addi %mul3A_142, %add3A_143 : i32
        %get3A_145 = arith.index_cast %add3A_144 : i32 to index
        %get3A_146 = tpu.vector_load %arg8[%get3A_145] {strides = array<i32>} : memref<4224xi32, #tpu.memory_space<vmem>>, vector<16xi32>,
        %swap3A_147 = arith.constant 96 : index
        %swap3A_148 = tpu.vector_load %arg10[%swap3A_147] {strides = array<i32>} : memref<128xi32, #tpu.memory_space<vmem>>, vector<16xi32>,
        tpu.vector_store %arg10[%swap3A_147], %get3A_146 {strides = array<i32>} : memref<128xi32, #tpu.memory_space<vmem>>, vector<16xi32>,
        %mul3A_149 = arith.constant 128 : i32
        %mul3A_150 = arith.muli %while3A_93, %mul3A_149 : i32
        %add3A_151 = arith.constant 112 : i32
        %add3A_152 = arith.addi %mul3A_150, %add3A_151 : i32
        %get3A_153 = arith.index_cast %add3A_152 : i32 to index
        %get3A_154 = tpu.vector_load %arg8[%get3A_153] {strides = array<i32>} : memref<4224xi32, #tpu.memory_space<vmem>>, vector<16xi32>,
        %swap3A_155 = arith.constant 112 : index
        %swap3A_156 = tpu.vector_load %arg10[%swap3A_155] {strides = array<i32>} : memref<128xi32, #tpu.memory_space<vmem>>, vector<16xi32>,
        tpu.vector_store %arg10[%swap3A_155], %get3A_154 {strides = array<i32>} : memref<128xi32, #tpu.memory_space<vmem>>, vector<16xi32>,
        %dma_start3A = arith.constant 0 : i32
        %dma_start3A_157 = arith.constant 0 : i32
        %dma_start3A_158 = tpu.memref_slice %arg11[%dma_start3A, %dma_start3A_157] : memref<128x128xf32, #tpu.memory_space<vmem>> -> memref<32x128xf32, #tpu.memory_space<vmem>>
        %dma_start3A_159 = arith.constant 0 : i32
        %dma_start3A_160 = tpu.memref_slice %arg10[%dma_start3A_159] : memref<128xi32, #tpu.memory_space<vmem>> -> memref<32xi32, #tpu.memory_space<vmem>>
        %dma_start3A_161 = arith.constant 0 : i32
        %dma_start3A_162 = arith.constant 0 : i32
        %dma_start3A_163 = tpu.memref_slice %arg2[%dma_start3A_161, %dma_start3A_162] : memref<10240x128xf32, #tpu.memory_space<hbm>> -> memref<10240x128xf32, #tpu.memory_space<hbm>>
        tpu.enqueue_indirect_dma source(%dma_start3A_163 : memref<10240x128xf32, #tpu.memory_space<hbm>>) target(%dma_start3A_158 : memref<32x128xf32, #tpu.memory_space<vmem>>) offsets(%dma_start3A_160 : memref<32xi32, #tpu.memory_space<vmem>>) semaphore(%arg13 : memref<!tpu.dma_semaphore, #tpu.memory_space<semaphore_mem>>)
        %dma_start3A_164 = arith.constant 32 : i32
        %dma_start3A_165 = arith.constant 0 : i32
        %dma_start3A_166 = tpu.memref_slice %arg11[%dma_start3A_164, %dma_start3A_165] : memref<128x128xf32, #tpu.memory_space<vmem>> -> memref<32x128xf32, #tpu.memory_space<vmem>>
        %dma_start3A_167 = arith.constant 32 : i32
        %dma_start3A_168 = tpu.memref_slice %arg10[%dma_start3A_167] : memref<128xi32, #tpu.memory_space<vmem>> -> memref<32xi32, #tpu.memory_space<vmem>>
        %dma_start3A_169 = arith.constant 0 : i32
        %dma_start3A_170 = arith.constant 0 : i32
        %dma_start3A_171 = tpu.memref_slice %arg2[%dma_start3A_169, %dma_start3A_170] : memref<10240x128xf32, #tpu.memory_space<hbm>> -> memref<10240x128xf32, #tpu.memory_space<hbm>>
        tpu.enqueue_indirect_dma source(%dma_start3A_171 : memref<10240x128xf32, #tpu.memory_space<hbm>>) target(%dma_start3A_166 : memref<32x128xf32, #tpu.memory_space<vmem>>) offsets(%dma_start3A_168 : memref<32xi32, #tpu.memory_space<vmem>>) semaphore(%arg14 : memref<!tpu.dma_semaphore, #tpu.memory_space<semaphore_mem>>)
        %dma_start3A_172 = arith.constant 64 : i32
        %dma_start3A_173 = arith.constant 0 : i32
        %dma_start3A_174 = tpu.memref_slice %arg11[%dma_start3A_172, %dma_start3A_173] : memref<128x128xf32, #tpu.memory_space<vmem>> -> memref<32x128xf32, #tpu.memory_space<vmem>>
        %dma_start3A_175 = arith.constant 64 : i32
        %dma_start3A_176 = tpu.memref_slice %arg10[%dma_start3A_175] : memref<128xi32, #tpu.memory_space<vmem>> -> memref<32xi32, #tpu.memory_space<vmem>>
        %dma_start3A_177 = arith.constant 0 : i32
        %dma_start3A_178 = arith.constant 0 : i32
        %dma_start3A_179 = tpu.memref_slice %arg2[%dma_start3A_177, %dma_start3A_178] : memref<10240x128xf32, #tpu.memory_space<hbm>> -> memref<10240x128xf32, #tpu.memory_space<hbm>>
        tpu.enqueue_indirect_dma source(%dma_start3A_179 : memref<10240x128xf32, #tpu.memory_space<hbm>>) target(%dma_start3A_174 : memref<32x128xf32, #tpu.memory_space<vmem>>) offsets(%dma_start3A_176 : memref<32xi32, #tpu.memory_space<vmem>>) semaphore(%arg15 : memref<!tpu.dma_semaphore, #tpu.memory_space<semaphore_mem>>)
        %dma_start3A_180 = arith.constant 96 : i32
        %dma_start3A_181 = arith.constant 0 : i32
        %dma_start3A_182 = tpu.memref_slice %arg11[%dma_start3A_180, %dma_start3A_181] : memref<128x128xf32, #tpu.memory_space<vmem>> -> memref<32x128xf32, #tpu.memory_space<vmem>>
        %dma_start3A_183 = arith.constant 96 : i32
        %dma_start3A_184 = tpu.memref_slice %arg10[%dma_start3A_183] : memref<128xi32, #tpu.memory_space<vmem>> -> memref<32xi32, #tpu.memory_space<vmem>>
        %dma_start3A_185 = arith.constant 0 : i32
        %dma_start3A_186 = arith.constant 0 : i32
        %dma_start3A_187 = tpu.memref_slice %arg2[%dma_start3A_185, %dma_start3A_186] : memref<10240x128xf32, #tpu.memory_space<hbm>> -> memref<10240x128xf32, #tpu.memory_space<hbm>>
        tpu.enqueue_indirect_dma source(%dma_start3A_187 : memref<10240x128xf32, #tpu.memory_space<hbm>>) target(%dma_start3A_182 : memref<32x128xf32, #tpu.memory_space<vmem>>) offsets(%dma_start3A_184 : memref<32xi32, #tpu.memory_space<vmem>>) semaphore(%arg16 : memref<!tpu.dma_semaphore, #tpu.memory_space<semaphore_mem>>)
        %dma_wait3A = arith.constant 0 : i32
        %dma_wait3A_188 = arith.constant 0 : i32
        %dma_wait3A_189 = tpu.memref_slice %arg11[%dma_wait3A, %dma_wait3A_188] : memref<128x128xf32, #tpu.memory_space<vmem>> -> memref<32x128xf32, #tpu.memory_space<vmem>>
        %dma_wait3A_190 = arith.constant 0 : i32
        %dma_wait3A_191 = tpu.memref_slice %arg10[%dma_wait3A_190] : memref<128xi32, #tpu.memory_space<vmem>> -> memref<32xi32, #tpu.memory_space<vmem>>
        %dma_wait3A_192 = arith.constant 0 : i32
        %dma_wait3A_193 = arith.constant 0 : i32
        %dma_wait3A_194 = tpu.memref_slice %arg2[%dma_wait3A_192, %dma_wait3A_193] : memref<10240x128xf32, #tpu.memory_space<hbm>> -> memref<10240x128xf32, #tpu.memory_space<hbm>>
        tpu.wait_indirect_dma semaphore(%arg13 : memref<!tpu.dma_semaphore, #tpu.memory_space<semaphore_mem>>) src(%dma_wait3A_194 : memref<10240x128xf32, #tpu.memory_space<hbm>>) dst(%dma_wait3A_189 : memref<32x128xf32, #tpu.memory_space<vmem>>)
        %dma_wait3A_195 = arith.constant 32 : i32
        %dma_wait3A_196 = arith.constant 0 : i32
        %dma_wait3A_197 = tpu.memref_slice %arg11[%dma_wait3A_195, %dma_wait3A_196] : memref<128x128xf32, #tpu.memory_space<vmem>> -> memref<32x128xf32, #tpu.memory_space<vmem>>
        %dma_wait3A_198 = arith.constant 32 : i32
        %dma_wait3A_199 = tpu.memref_slice %arg10[%dma_wait3A_198] : memref<128xi32, #tpu.memory_space<vmem>> -> memref<32xi32, #tpu.memory_space<vmem>>
        %dma_wait3A_200 = arith.constant 0 : i32
        %dma_wait3A_201 = arith.constant 0 : i32
        %dma_wait3A_202 = tpu.memref_slice %arg2[%dma_wait3A_200, %dma_wait3A_201] : memref<10240x128xf32, #tpu.memory_space<hbm>> -> memref<10240x128xf32, #tpu.memory_space<hbm>>
        tpu.wait_indirect_dma semaphore(%arg14 : memref<!tpu.dma_semaphore, #tpu.memory_space<semaphore_mem>>) src(%dma_wait3A_202 : memref<10240x128xf32, #tpu.memory_space<hbm>>) dst(%dma_wait3A_197 : memref<32x128xf32, #tpu.memory_space<vmem>>)
        %dma_wait3A_203 = arith.constant 64 : i32
        %dma_wait3A_204 = arith.constant 0 : i32
        %dma_wait3A_205 = tpu.memref_slice %arg11[%dma_wait3A_203, %dma_wait3A_204] : memref<128x128xf32, #tpu.memory_space<vmem>> -> memref<32x128xf32, #tpu.memory_space<vmem>>
        %dma_wait3A_206 = arith.constant 64 : i32
        %dma_wait3A_207 = tpu.memref_slice %arg10[%dma_wait3A_206] : memref<128xi32, #tpu.memory_space<vmem>> -> memref<32xi32, #tpu.memory_space<vmem>>
        %dma_wait3A_208 = arith.constant 0 : i32
        %dma_wait3A_209 = arith.constant 0 : i32
        %dma_wait3A_210 = tpu.memref_slice %arg2[%dma_wait3A_208, %dma_wait3A_209] : memref<10240x128xf32, #tpu.memory_space<hbm>> -> memref<10240x128xf32, #tpu.memory_space<hbm>>
        tpu.wait_indirect_dma semaphore(%arg15 : memref<!tpu.dma_semaphore, #tpu.memory_space<semaphore_mem>>) src(%dma_wait3A_210 : memref<10240x128xf32, #tpu.memory_space<hbm>>) dst(%dma_wait3A_205 : memref<32x128xf32, #tpu.memory_space<vmem>>)
        %dma_wait3A_211 = arith.constant 96 : i32
        %dma_wait3A_212 = arith.constant 0 : i32
        %dma_wait3A_213 = tpu.memref_slice %arg11[%dma_wait3A_211, %dma_wait3A_212] : memref<128x128xf32, #tpu.memory_space<vmem>> -> memref<32x128xf32, #tpu.memory_space<vmem>>
        %dma_wait3A_214 = arith.constant 96 : i32
        %dma_wait3A_215 = tpu.memref_slice %arg10[%dma_wait3A_214] : memref<128xi32, #tpu.memory_space<vmem>> -> memref<32xi32, #tpu.memory_space<vmem>>
        %dma_wait3A_216 = arith.constant 0 : i32
        %dma_wait3A_217 = arith.constant 0 : i32
        %dma_wait3A_218 = tpu.memref_slice %arg2[%dma_wait3A_216, %dma_wait3A_217] : memref<10240x128xf32, #tpu.memory_space<hbm>> -> memref<10240x128xf32, #tpu.memory_space<hbm>>
        tpu.wait_indirect_dma semaphore(%arg16 : memref<!tpu.dma_semaphore, #tpu.memory_space<semaphore_mem>>) src(%dma_wait3A_218 : memref<10240x128xf32, #tpu.memory_space<hbm>>) dst(%dma_wait3A_213 : memref<32x128xf32, #tpu.memory_space<vmem>>)
        %parallel_loop3A = arith.constant 0 : i32
        %parallel_loop3A_219 = arith.constant 128 : i32
        %parallel_loop3A_220 = arith.constant 1 : i32
        scf.for %parallel_loop3A_222 = %parallel_loop3A to %parallel_loop3A_219 step %parallel_loop3A_220  : i32 {
          %parallel_loop3A_223 = arith.constant 128 : i32
          %parallel_loop3A_224 = arith.muli %while3A_93, %parallel_loop3A_223 : i32
          %parallel_loop3A_225 = vector.broadcast %parallel_loop3A_224 : i32 to vector<16xi32>
          %parallel_loop3A_226 = vector.broadcast %parallel_loop3A_222 : i32 to vector<16xi32>
          %parallel_loop3A_227 = arith.addi %parallel_loop3A_225, %parallel_loop3A_226 : vector<16xi32>
          %parallel_loop3A_228 = tpu.vector_load_idx %arg9[%parallel_loop3A_227] : memref<4224xi32, #tpu.memory_space<vmem>>[vector<16xi32>], vector<16xi32>,
          %parallel_loop3A_229 = arith.index_cast %parallel_loop3A_222 : i32 to index
          %parallel_loop3A_230 = arith.constant 0 : index
          %parallel_loop3A_231 = tpu.vector_load %arg11[%parallel_loop3A_229, %parallel_loop3A_230] {strides = array<i32>} : memref<128x128xf32, #tpu.memory_space<vmem>>, vector<16xf32>,
          %parallel_loop3A_232 = arith.constant 0 : i32
          %parallel_loop3A_233 = vector.broadcast %parallel_loop3A_232 : i32 to vector<16xi32>
          %parallel_loop3A_234 = arith.addi %iota3A, %parallel_loop3A_233 : vector<16xi32>
          tpu.vector_store_idx %arg12[%parallel_loop3A_228, %parallel_loop3A_234], %parallel_loop3A_231 {add = true} : memref<648x128xf32, #tpu.memory_space<vmem>>[vector<16xi32>, vector<16xi32>], vector<16xf32>,
          %parallel_loop3A_235 = arith.index_cast %parallel_loop3A_222 : i32 to index
          %parallel_loop3A_236 = arith.constant 16 : index
          %parallel_loop3A_237 = tpu.vector_load %arg11[%parallel_loop3A_235, %parallel_loop3A_236] {strides = array<i32>} : memref<128x128xf32, #tpu.memory_space<vmem>>, vector<16xf32>,
          %parallel_loop3A_238 = arith.constant 16 : i32
          %parallel_loop3A_239 = vector.broadcast %parallel_loop3A_238 : i32 to vector<16xi32>
          %parallel_loop3A_240 = arith.addi %iota3A, %parallel_loop3A_239 : vector<16xi32>
          tpu.vector_store_idx %arg12[%parallel_loop3A_228, %parallel_loop3A_240], %parallel_loop3A_237 {add = true} : memref<648x128xf32, #tpu.memory_space<vmem>>[vector<16xi32>, vector<16xi32>], vector<16xf32>,
          %parallel_loop3A_241 = arith.index_cast %parallel_loop3A_222 : i32 to index
          %parallel_loop3A_242 = arith.constant 32 : index
          %parallel_loop3A_243 = tpu.vector_load %arg11[%parallel_loop3A_241, %parallel_loop3A_242] {strides = array<i32>} : memref<128x128xf32, #tpu.memory_space<vmem>>, vector<16xf32>,
          %parallel_loop3A_244 = arith.constant 32 : i32
          %parallel_loop3A_245 = vector.broadcast %parallel_loop3A_244 : i32 to vector<16xi32>
          %parallel_loop3A_246 = arith.addi %iota3A, %parallel_loop3A_245 : vector<16xi32>
          tpu.vector_store_idx %arg12[%parallel_loop3A_228, %parallel_loop3A_246], %parallel_loop3A_243 {add = true} : memref<648x128xf32, #tpu.memory_space<vmem>>[vector<16xi32>, vector<16xi32>], vector<16xf32>,
          %parallel_loop3A_247 = arith.index_cast %parallel_loop3A_222 : i32 to index
          %parallel_loop3A_248 = arith.constant 48 : index
          %parallel_loop3A_249 = tpu.vector_load %arg11[%parallel_loop3A_247, %parallel_loop3A_248] {strides = array<i32>} : memref<128x128xf32, #tpu.memory_space<vmem>>, vector<16xf32>,
          %parallel_loop3A_250 = arith.constant 48 : i32
          %parallel_loop3A_251 = vector.broadcast %parallel_loop3A_250 : i32 to vector<16xi32>
          %parallel_loop3A_252 = arith.addi %iota3A, %parallel_loop3A_251 : vector<16xi32>
          tpu.vector_store_idx %arg12[%parallel_loop3A_228, %parallel_loop3A_252], %parallel_loop3A_249 {add = true} : memref<648x128xf32, #tpu.memory_space<vmem>>[vector<16xi32>, vector<16xi32>], vector<16xf32>,
          %parallel_loop3A_253 = arith.index_cast %parallel_loop3A_222 : i32 to index
          %parallel_loop3A_254 = arith.constant 64 : index
          %parallel_loop3A_255 = tpu.vector_load %arg11[%parallel_loop3A_253, %parallel_loop3A_254] {strides = array<i32>} : memref<128x128xf32, #tpu.memory_space<vmem>>, vector<16xf32>,
          %parallel_loop3A_256 = arith.constant 64 : i32
          %parallel_loop3A_257 = vector.broadcast %parallel_loop3A_256 : i32 to vector<16xi32>
          %parallel_loop3A_258 = arith.addi %iota3A, %parallel_loop3A_257 : vector<16xi32>
          tpu.vector_store_idx %arg12[%parallel_loop3A_228, %parallel_loop3A_258], %parallel_loop3A_255 {add = true} : memref<648x128xf32, #tpu.memory_space<vmem>>[vector<16xi32>, vector<16xi32>], vector<16xf32>,
          %parallel_loop3A_259 = arith.index_cast %parallel_loop3A_222 : i32 to index
          %parallel_loop3A_260 = arith.constant 80 : index
          %parallel_loop3A_261 = tpu.vector_load %arg11[%parallel_loop3A_259, %parallel_loop3A_260] {strides = array<i32>} : memref<128x128xf32, #tpu.memory_space<vmem>>, vector<16xf32>,
          %parallel_loop3A_262 = arith.constant 80 : i32
          %parallel_loop3A_263 = vector.broadcast %parallel_loop3A_262 : i32 to vector<16xi32>
          %parallel_loop3A_264 = arith.addi %iota3A, %parallel_loop3A_263 : vector<16xi32>
          tpu.vector_store_idx %arg12[%parallel_loop3A_228, %parallel_loop3A_264], %parallel_loop3A_261 {add = true} : memref<648x128xf32, #tpu.memory_space<vmem>>[vector<16xi32>, vector<16xi32>], vector<16xf32>,
          %parallel_loop3A_265 = arith.index_cast %parallel_loop3A_222 : i32 to index
          %parallel_loop3A_266 = arith.constant 96 : index
          %parallel_loop3A_267 = tpu.vector_load %arg11[%parallel_loop3A_265, %parallel_loop3A_266] {strides = array<i32>} : memref<128x128xf32, #tpu.memory_space<vmem>>, vector<16xf32>,
          %parallel_loop3A_268 = arith.constant 96 : i32
          %parallel_loop3A_269 = vector.broadcast %parallel_loop3A_268 : i32 to vector<16xi32>
          %parallel_loop3A_270 = arith.addi %iota3A, %parallel_loop3A_269 : vector<16xi32>
          tpu.vector_store_idx %arg12[%parallel_loop3A_228, %parallel_loop3A_270], %parallel_loop3A_267 {add = true} : memref<648x128xf32, #tpu.memory_space<vmem>>[vector<16xi32>, vector<16xi32>], vector<16xf32>,
          %parallel_loop3A_271 = arith.index_cast %parallel_loop3A_222 : i32 to index
          %parallel_loop3A_272 = arith.constant 112 : index
          %parallel_loop3A_273 = tpu.vector_load %arg11[%parallel_loop3A_271, %parallel_loop3A_272] {strides = array<i32>} : memref<128x128xf32, #tpu.memory_space<vmem>>, vector<16xf32>,
          %parallel_loop3A_274 = arith.constant 112 : i32
          %parallel_loop3A_275 = vector.broadcast %parallel_loop3A_274 : i32 to vector<16xi32>
          %parallel_loop3A_276 = arith.addi %iota3A, %parallel_loop3A_275 : vector<16xi32>
          tpu.vector_store_idx %arg12[%parallel_loop3A_228, %parallel_loop3A_276], %parallel_loop3A_273 {add = true} : memref<648x128xf32, #tpu.memory_space<vmem>>[vector<16xi32>, vector<16xi32>], vector<16xf32>,
        } {sc.loop_unroll_factor = 4 : i64, sc.parallel_access}
        %while3A_221 = arith.constant 0 : i32
        scf.yield %while3A_221 : i32
      }
    }
    %scan3A_10 = arith.constant 40 : i32
    "tpu.region"() ({
      %run_scoped3A = tpu.sem_alloc : memref<!tpu.dma_semaphore, #tpu.memory_space<semaphore_mem>>
      %dma_start3A = arith.constant 0 : i32
      %dma_start3A_11 = arith.constant 0 : i32
      %dma_start3A_12 = tpu.memref_slice %arg12[%dma_start3A, %dma_start3A_11] : memref<648x128xf32, #tpu.memory_space<vmem>> -> memref<640x128xf32, #tpu.memory_space<vmem>>
      %dma_start3A_13 = arith.constant 0 : i32
      %dma_start3A_14 = tpu.memref_slice %arg5[%arg0, %mul3A_1, %dma_start3A_13] : memref<2x10240x128xf32, #tpu.memory_space<hbm>> -> memref<1x640x128xf32, #tpu.memory_space<hbm>>
      %dma_start3A_15 = tpu.memref_squeeze %dma_start3A_14 : memref<1x640x128xf32, #tpu.memory_space<hbm>> -> memref<640x128xf32, #tpu.memory_space<hbm>>
      %dma_start3A_16 = arith.constant 0 : i32
      %dma_start3A_17 = tpu.memref_slice %arg5[%arg0, %mul3A_1, %dma_start3A_16] : memref<2x10240x128xf32, #tpu.memory_space<hbm>> -> memref<1x640x128xf32, #tpu.memory_space<hbm>>
      %dma_start3A_18 = tpu.memref_squeeze %dma_start3A_17 : memref<1x640x128xf32, #tpu.memory_space<hbm>> -> memref<640x128xf32, #tpu.memory_space<hbm>>
      %dma_start3A_19 = arith.constant 0 : i32
      %dma_start3A_20 = arith.constant 0 : i32
      %dma_start3A_21 = tpu.memref_slice %arg12[%dma_start3A_19, %dma_start3A_20] : memref<648x128xf32, #tpu.memory_space<vmem>> -> memref<640x128xf32, #tpu.memory_space<vmem>>
      tpu.enqueue_dma source(%dma_start3A_21 : memref<640x128xf32, #tpu.memory_space<vmem>>) target(%dma_start3A_18 : memref<640x128xf32, #tpu.memory_space<hbm>>) target_semaphore(%run_scoped3A : memref<!tpu.dma_semaphore, #tpu.memory_space<semaphore_mem>>)
      %dma_wait3A = arith.constant 0 : i32
      %dma_wait3A_22 = arith.constant 0 : i32
      %dma_wait3A_23 = tpu.memref_slice %arg12[%dma_wait3A, %dma_wait3A_22] : memref<648x128xf32, #tpu.memory_space<vmem>> -> memref<640x128xf32, #tpu.memory_space<vmem>>
      %dma_wait3A_24 = arith.constant 0 : i32
      %dma_wait3A_25 = tpu.memref_slice %arg5[%arg0, %mul3A_1, %dma_wait3A_24] : memref<2x10240x128xf32, #tpu.memory_space<hbm>> -> memref<1x640x128xf32, #tpu.memory_space<hbm>>
      %dma_wait3A_26 = tpu.memref_squeeze %dma_wait3A_25 : memref<1x640x128xf32, #tpu.memory_space<hbm>> -> memref<640x128xf32, #tpu.memory_space<hbm>>
      %dma_wait3A_27 = arith.constant 0 : i32
      %dma_wait3A_28 = tpu.memref_slice %arg5[%arg0, %mul3A_1, %dma_wait3A_27] : memref<2x10240x128xf32, #tpu.memory_space<hbm>> -> memref<1x640x128xf32, #tpu.memory_space<hbm>>
      %dma_wait3A_29 = tpu.memref_squeeze %dma_wait3A_28 : memref<1x640x128xf32, #tpu.memory_space<hbm>> -> memref<640x128xf32, #tpu.memory_space<hbm>>
      %dma_wait3A_30 = arith.constant 0 : i32
      %dma_wait3A_31 = arith.constant 0 : i32
      %dma_wait3A_32 = tpu.memref_slice %arg12[%dma_wait3A_30, %dma_wait3A_31] : memref<648x128xf32, #tpu.memory_space<vmem>> -> memref<640x128xf32, #tpu.memory_space<vmem>>
      tpu.wait_dma2 semaphore(%run_scoped3A : memref<!tpu.dma_semaphore, #tpu.memory_space<semaphore_mem>>) src(%dma_wait3A_32 : memref<640x128xf32, #tpu.memory_space<vmem>>) dst(%dma_wait3A_29 : memref<640x128xf32, #tpu.memory_space<hbm>>)
      tpu.yield
    }) : () -> ()
    return
  }
}

module attributes {stable_mosaic.version = 14 : i64} {
  func.func @_tc_prep_kernel(%arg0: memref<32x2x10240xf32, #tpu.memory_space<vmem>>, %arg1: memref<10240x128xf32, #tpu.memory_space<vmem>>, %arg2: memref<128x128xf32, #tpu.memory_space<vmem>>, %arg3: memref<10240x128xf32, #tpu.memory_space<vmem>>, %arg4: memref<10240x1xf32, #tpu.memory_space<vmem>>, %arg5: memref<10240x1xf32, #tpu.memory_space<vmem>>) attributes {dimension_semantics = [], scalar_prefetch = 0 : i64, scratch_operands = 0 : i64, tpu.core_type = #tpu.core_type<tc>} {
    %get3A = arith.constant 0 : index
    %get3A_0 = arith.constant 0 : index
    %get3A_1 = arith.constant 0 : index
    %get3A_2 = vector.load %arg0[%get3A, %get3A_0, %get3A_1] : memref<32x2x10240xf32, #tpu.memory_space<vmem>>, vector<32x2x10240xf32>
    %slice3A = vector.extract_strided_slice %get3A_2 {offsets = [0, 0, 0], sizes = [32, 1, 10240], strides = [1, 1, 1]} : vector<32x2x10240xf32> to vector<32x1x10240xf32>
    %squeeze3A = vector.shape_cast %slice3A : vector<32x1x10240xf32> to vector<32x10240xf32>
    %reduce_sum3A = arith.constant dense<0.000000e+00> : vector<10240xf32>
    %reduce_sum3A_3 = vector.multi_reduction <add>, %squeeze3A, %reduce_sum3A [0] : vector<32x10240xf32> to vector<10240xf32>
    %slice3A_4 = vector.extract_strided_slice %get3A_2 {offsets = [0, 1, 0], sizes = [32, 1, 10240], strides = [1, 1, 1]} : vector<32x2x10240xf32> to vector<32x1x10240xf32>
    %squeeze3A_5 = vector.shape_cast %slice3A_4 : vector<32x1x10240xf32> to vector<32x10240xf32>
    %reduce_sum3A_6 = arith.constant dense<0.000000e+00> : vector<10240xf32>
    %reduce_sum3A_7 = vector.multi_reduction <add>, %squeeze3A_5, %reduce_sum3A_6 [0] : vector<32x10240xf32> to vector<10240xf32>
    %max3A = arith.constant 1.000000e+00 : f32
    %max3A_8 = vector.broadcast %max3A : f32 to vector<10240xf32>
    %max3A_9 = arith.maximumf %reduce_sum3A_3, %max3A_8 : vector<10240xf32>
    %rsqrt3A = math.rsqrt %max3A_9 : vector<10240xf32>
    %broadcast_in_dim3A = vector.shape_cast %rsqrt3A : vector<10240xf32> to vector<10240x1xf32>
    %max3A_10 = arith.constant 1.000000e+00 : f32
    %max3A_11 = vector.broadcast %max3A_10 : f32 to vector<10240xf32>
    %max3A_12 = arith.maximumf %reduce_sum3A_7, %max3A_11 : vector<10240xf32>
    %rsqrt3A_13 = math.rsqrt %max3A_12 : vector<10240xf32>
    %broadcast_in_dim3A_14 = vector.shape_cast %rsqrt3A_13 : vector<10240xf32> to vector<10240x1xf32>
    %swap3A = arith.constant 0 : index
    %swap3A_15 = arith.constant 0 : index
    %swap3A_16 = vector.load %arg4[%swap3A, %swap3A_15] : memref<10240x1xf32, #tpu.memory_space<vmem>>, vector<10240x1xf32>
    tpu.vector_store %arg4[%swap3A, %swap3A_15], %broadcast_in_dim3A {strides = array<i32>} : memref<10240x1xf32, #tpu.memory_space<vmem>>, vector<10240x1xf32>,
    %swap3A_17 = arith.constant 0 : index
    %swap3A_18 = arith.constant 0 : index
    %swap3A_19 = vector.load %arg5[%swap3A_17, %swap3A_18] : memref<10240x1xf32, #tpu.memory_space<vmem>>, vector<10240x1xf32>
    tpu.vector_store %arg5[%swap3A_17, %swap3A_18], %broadcast_in_dim3A_14 {strides = array<i32>} : memref<10240x1xf32, #tpu.memory_space<vmem>>, vector<10240x1xf32>,
    %get3A_20 = arith.constant 0 : index
    %get3A_21 = arith.constant 0 : index
    %get3A_22 = vector.load %arg1[%get3A_20, %get3A_21] : memref<10240x128xf32, #tpu.memory_space<vmem>>, vector<10240x128xf32>
    %mul3A = vector.broadcast %broadcast_in_dim3A : vector<10240x1xf32> to vector<10240x128xf32>
    %mul3A_23 = arith.mulf %get3A_22, %mul3A : vector<10240x128xf32>
    %get3A_24 = arith.constant 0 : index
    %get3A_25 = arith.constant 0 : index
    %get3A_26 = vector.load %arg2[%get3A_24, %get3A_25] : memref<128x128xf32, #tpu.memory_space<vmem>>, vector<128x128xf32>
    %dot_general3A = arith.constant dense<0.000000e+00> : vector<10240x128xf32>
    %dot_general3A_27 = tpu.matmul %mul3A_23, %get3A_26, %dot_general3A {dimension_numbers = #tpu.dot_dimension_numbers<[1], [0], [0], [1], [0, 0, 1, 1], [], []>, transpose_lhs_hint = false} : vector<10240x128xf32>, vector<128x128xf32>, vector<10240x128xf32> -> vector<10240x128xf32>
    %swap3A_28 = arith.constant 0 : index
    %swap3A_29 = arith.constant 0 : index
    %swap3A_30 = vector.load %arg3[%swap3A_28, %swap3A_29] : memref<10240x128xf32, #tpu.memory_space<vmem>>, vector<10240x128xf32>
    tpu.vector_store %arg3[%swap3A_28, %swap3A_29], %dot_general3A_27 {strides = array<i32>} : memref<10240x128xf32, #tpu.memory_space<vmem>>, vector<10240x128xf32>,
    return
  }
}

module attributes {stable_mosaic.version = 14 : i64} {
  func.func @_tc_mid_kernel(%arg0: memref<2x10240x128xf32, #tpu.memory_space<vmem>>, %arg1: memref<10240x1xf32, #tpu.memory_space<vmem>>, %arg2: memref<10240x1xf32, #tpu.memory_space<vmem>>, %arg3: memref<1x128xf32, #tpu.memory_space<vmem>>, %arg4: memref<1x128xf32, #tpu.memory_space<vmem>>, %arg5: memref<1x128xf32, #tpu.memory_space<vmem>>, %arg6: memref<128x128xf32, #tpu.memory_space<vmem>>, %arg7: memref<10240x128xf32, #tpu.memory_space<vmem>>) attributes {dimension_semantics = [], scalar_prefetch = 0 : i64, scratch_operands = 0 : i64, tpu.core_type = #tpu.core_type<tc>} {
    %get3A = arith.constant 0 : index
    %get3A_0 = arith.constant 0 : index
    %get3A_1 = arith.constant 0 : index
    %get3A_2 = vector.load %arg0[%get3A, %get3A_0, %get3A_1] : memref<2x10240x128xf32, #tpu.memory_space<vmem>>, vector<1x10240x128xf32>
    %get3A_3 = vector.shape_cast %get3A_2 : vector<1x10240x128xf32> to vector<10240x128xf32>
    %get3A_4 = arith.constant 1 : index
    %get3A_5 = arith.constant 0 : index
    %get3A_6 = arith.constant 0 : index
    %get3A_7 = vector.load %arg0[%get3A_4, %get3A_5, %get3A_6] : memref<2x10240x128xf32, #tpu.memory_space<vmem>>, vector<1x10240x128xf32>
    %get3A_8 = vector.shape_cast %get3A_7 : vector<1x10240x128xf32> to vector<10240x128xf32>
    %add3A = arith.addf %get3A_3, %get3A_8 : vector<10240x128xf32>
    %get3A_9 = arith.constant 0 : index
    %get3A_10 = arith.constant 0 : index
    %get3A_11 = vector.load %arg2[%get3A_9, %get3A_10] : memref<10240x1xf32, #tpu.memory_space<vmem>>, vector<10240x1xf32>
    %mul3A = vector.broadcast %get3A_11 : vector<10240x1xf32> to vector<10240x128xf32>
    %mul3A_12 = arith.mulf %add3A, %mul3A : vector<10240x128xf32>
    %get3A_13 = arith.constant 0 : index
    %get3A_14 = arith.constant 0 : index
    %get3A_15 = vector.load %arg3[%get3A_13, %get3A_14] : memref<1x128xf32, #tpu.memory_space<vmem>>, vector<1x128xf32>
    %add3A_16 = vector.broadcast %get3A_15 : vector<1x128xf32> to vector<10240x128xf32>
    %add3A_17 = arith.addf %mul3A_12, %add3A_16 : vector<10240x128xf32>
    %iota3A = tpu.iota {dimensions = array<i32: 0>} : vector<10240x128xi32>
    %lt3A = arith.constant 10000 : i32
    %lt3A_18 = vector.broadcast %lt3A : i32 to vector<10240x128xi32>
    %lt3A_19 = arith.cmpi slt, %iota3A, %lt3A_18 : vector<10240x128xi32>
    %jit3A = arith.constant 0.000000e+00 : f32
    %broadcast_in_dim3A = vector.broadcast %jit3A : f32 to vector<10240x128xf32>
    %select_n3A = arith.select %lt3A_19, %add3A_17, %broadcast_in_dim3A : vector<10240x128xi1>, vector<10240x128xf32>
    %reduce_sum3A = arith.constant dense<0.000000e+00> : vector<128xf32>
    %reduce_sum3A_20 = vector.multi_reduction <add>, %select_n3A, %reduce_sum3A [0] : vector<10240x128xf32> to vector<128xf32>
    %broadcast_in_dim3A_21 = vector.shape_cast %reduce_sum3A_20 : vector<128xf32> to vector<1x128xf32>
    %div3A = arith.constant 1.000000e+04 : f32
    %div3A_22 = vector.broadcast %div3A : f32 to vector<1x128xf32>
    %div3A_23 = arith.divf %broadcast_in_dim3A_21, %div3A_22 : vector<1x128xf32>
    %sub3A = vector.broadcast %div3A_23 : vector<1x128xf32> to vector<10240x128xf32>
    %sub3A_24 = arith.subf %add3A_17, %sub3A : vector<10240x128xf32>
    %jit3A_25 = arith.constant 0.000000e+00 : f32
    %broadcast_in_dim3A_26 = vector.broadcast %jit3A_25 : f32 to vector<10240x128xf32>
    %select_n3A_27 = arith.select %lt3A_19, %sub3A_24, %broadcast_in_dim3A_26 : vector<10240x128xi1>, vector<10240x128xf32>
    %mul3A_28 = arith.mulf %select_n3A_27, %select_n3A_27 : vector<10240x128xf32>
    %reduce_sum3A_29 = arith.constant dense<0.000000e+00> : vector<128xf32>
    %reduce_sum3A_30 = vector.multi_reduction <add>, %mul3A_28, %reduce_sum3A_29 [0] : vector<10240x128xf32> to vector<128xf32>
    %broadcast_in_dim3A_31 = vector.shape_cast %reduce_sum3A_30 : vector<128xf32> to vector<1x128xf32>
    %div3A_32 = arith.constant 1.000000e+04 : f32
    %div3A_33 = vector.broadcast %div3A_32 : f32 to vector<1x128xf32>
    %div3A_34 = arith.divf %broadcast_in_dim3A_31, %div3A_33 : vector<1x128xf32>
    %add3A_35 = arith.constant 9.99999974E-6 : f32
    %add3A_36 = vector.broadcast %add3A_35 : f32 to vector<1x128xf32>
    %add3A_37 = arith.addf %div3A_34, %add3A_36 : vector<1x128xf32>
    %rsqrt3A = math.rsqrt %add3A_37 : vector<1x128xf32>
    %get3A_38 = arith.constant 0 : index
    %get3A_39 = arith.constant 0 : index
    %get3A_40 = vector.load %arg4[%get3A_38, %get3A_39] : memref<1x128xf32, #tpu.memory_space<vmem>>, vector<1x128xf32>
    %sub3A_41 = vector.broadcast %div3A_23 : vector<1x128xf32> to vector<10240x128xf32>
    %sub3A_42 = arith.subf %add3A_17, %sub3A_41 : vector<10240x128xf32>
    %mul3A_43 = vector.broadcast %get3A_40 : vector<1x128xf32> to vector<10240x128xf32>
    %mul3A_44 = arith.mulf %mul3A_43, %sub3A_42 : vector<10240x128xf32>
    %mul3A_45 = vector.broadcast %rsqrt3A : vector<1x128xf32> to vector<10240x128xf32>
    %mul3A_46 = arith.mulf %mul3A_44, %mul3A_45 : vector<10240x128xf32>
    %get3A_47 = arith.constant 0 : index
    %get3A_48 = arith.constant 0 : index
    %get3A_49 = vector.load %arg5[%get3A_47, %get3A_48] : memref<1x128xf32, #tpu.memory_space<vmem>>, vector<1x128xf32>
    %add3A_50 = vector.broadcast %get3A_49 : vector<1x128xf32> to vector<10240x128xf32>
    %add3A_51 = arith.addf %mul3A_46, %add3A_50 : vector<10240x128xf32>
    %max3A = arith.constant 0.000000e+00 : f32
    %max3A_52 = vector.broadcast %max3A : f32 to vector<10240x128xf32>
    %max3A_53 = arith.maximumf %add3A_51, %max3A_52 : vector<10240x128xf32>
    %get3A_54 = arith.constant 0 : index
    %get3A_55 = arith.constant 0 : index
    %get3A_56 = vector.load %arg1[%get3A_54, %get3A_55] : memref<10240x1xf32, #tpu.memory_space<vmem>>, vector<10240x1xf32>
    %mul3A_57 = vector.broadcast %get3A_56 : vector<10240x1xf32> to vector<10240x128xf32>
    %mul3A_58 = arith.mulf %max3A_53, %mul3A_57 : vector<10240x128xf32>
    %get3A_59 = arith.constant 0 : index
    %get3A_60 = arith.constant 0 : index
    %get3A_61 = vector.load %arg6[%get3A_59, %get3A_60] : memref<128x128xf32, #tpu.memory_space<vmem>>, vector<128x128xf32>
    %dot_general3A = arith.constant dense<0.000000e+00> : vector<10240x128xf32>
    %dot_general3A_62 = tpu.matmul %mul3A_58, %get3A_61, %dot_general3A {dimension_numbers = #tpu.dot_dimension_numbers<[1], [0], [0], [1], [0, 0, 1, 1], [], []>, transpose_lhs_hint = false} : vector<10240x128xf32>, vector<128x128xf32>, vector<10240x128xf32> -> vector<10240x128xf32>
    %swap3A = arith.constant 0 : index
    %swap3A_63 = arith.constant 0 : index
    %swap3A_64 = vector.load %arg7[%swap3A, %swap3A_63] : memref<10240x128xf32, #tpu.memory_space<vmem>>, vector<10240x128xf32>
    tpu.vector_store %arg7[%swap3A, %swap3A_63], %dot_general3A_62 {strides = array<i32>} : memref<10240x128xf32, #tpu.memory_space<vmem>>, vector<10240x128xf32>,
    return
  }
}

module attributes {stable_mosaic.version = 14 : i64} {
  func.func @_tc_head_kernel(%arg0: memref<2x10240x128xf32, #tpu.memory_space<vmem>>, %arg1: memref<10240x1xf32, #tpu.memory_space<vmem>>, %arg2: memref<1x128xf32, #tpu.memory_space<vmem>>, %arg3: memref<1x128xf32, #tpu.memory_space<vmem>>, %arg4: memref<1x128xf32, #tpu.memory_space<vmem>>, %arg5: memref<128x32xf32, #tpu.memory_space<vmem>>, %arg6: memref<1x32xf32, #tpu.memory_space<vmem>>, %arg7: memref<128x1xf32, #tpu.memory_space<vmem>>, %arg8: memref<1x1xf32, #tpu.memory_space<vmem>>, %arg9: memref<10000x32xf32, #tpu.memory_space<vmem>>) attributes {dimension_semantics = [], scalar_prefetch = 0 : i64, scratch_operands = 0 : i64, tpu.core_type = #tpu.core_type<tc>} {
    %get3A = arith.constant 0 : index
    %get3A_0 = arith.constant 0 : index
    %get3A_1 = arith.constant 0 : index
    %get3A_2 = vector.load %arg0[%get3A, %get3A_0, %get3A_1] : memref<2x10240x128xf32, #tpu.memory_space<vmem>>, vector<1x10240x128xf32>
    %get3A_3 = vector.shape_cast %get3A_2 : vector<1x10240x128xf32> to vector<10240x128xf32>
    %get3A_4 = arith.constant 1 : index
    %get3A_5 = arith.constant 0 : index
    %get3A_6 = arith.constant 0 : index
    %get3A_7 = vector.load %arg0[%get3A_4, %get3A_5, %get3A_6] : memref<2x10240x128xf32, #tpu.memory_space<vmem>>, vector<1x10240x128xf32>
    %get3A_8 = vector.shape_cast %get3A_7 : vector<1x10240x128xf32> to vector<10240x128xf32>
    %add3A = arith.addf %get3A_3, %get3A_8 : vector<10240x128xf32>
    %get3A_9 = arith.constant 0 : index
    %get3A_10 = arith.constant 0 : index
    %get3A_11 = vector.load %arg1[%get3A_9, %get3A_10] : memref<10240x1xf32, #tpu.memory_space<vmem>>, vector<10240x1xf32>
    %mul3A = vector.broadcast %get3A_11 : vector<10240x1xf32> to vector<10240x128xf32>
    %mul3A_12 = arith.mulf %add3A, %mul3A : vector<10240x128xf32>
    %get3A_13 = arith.constant 0 : index
    %get3A_14 = arith.constant 0 : index
    %get3A_15 = vector.load %arg2[%get3A_13, %get3A_14] : memref<1x128xf32, #tpu.memory_space<vmem>>, vector<1x128xf32>
    %add3A_16 = vector.broadcast %get3A_15 : vector<1x128xf32> to vector<10240x128xf32>
    %add3A_17 = arith.addf %mul3A_12, %add3A_16 : vector<10240x128xf32>
    %iota3A = tpu.iota {dimensions = array<i32: 0>} : vector<10240x128xi32>
    %lt3A = arith.constant 10000 : i32
    %lt3A_18 = vector.broadcast %lt3A : i32 to vector<10240x128xi32>
    %lt3A_19 = arith.cmpi slt, %iota3A, %lt3A_18 : vector<10240x128xi32>
    %jit3A = arith.constant 0.000000e+00 : f32
    %broadcast_in_dim3A = vector.broadcast %jit3A : f32 to vector<10240x128xf32>
    %select_n3A = arith.select %lt3A_19, %add3A_17, %broadcast_in_dim3A : vector<10240x128xi1>, vector<10240x128xf32>
    %reduce_sum3A = arith.constant dense<0.000000e+00> : vector<128xf32>
    %reduce_sum3A_20 = vector.multi_reduction <add>, %select_n3A, %reduce_sum3A [0] : vector<10240x128xf32> to vector<128xf32>
    %broadcast_in_dim3A_21 = vector.shape_cast %reduce_sum3A_20 : vector<128xf32> to vector<1x128xf32>
    %div3A = arith.constant 1.000000e+04 : f32
    %div3A_22 = vector.broadcast %div3A : f32 to vector<1x128xf32>
    %div3A_23 = arith.divf %broadcast_in_dim3A_21, %div3A_22 : vector<1x128xf32>
    %sub3A = vector.broadcast %div3A_23 : vector<1x128xf32> to vector<10240x128xf32>
    %sub3A_24 = arith.subf %add3A_17, %sub3A : vector<10240x128xf32>
    %jit3A_25 = arith.constant 0.000000e+00 : f32
    %broadcast_in_dim3A_26 = vector.broadcast %jit3A_25 : f32 to vector<10240x128xf32>
    %select_n3A_27 = arith.select %lt3A_19, %sub3A_24, %broadcast_in_dim3A_26 : vector<10240x128xi1>, vector<10240x128xf32>
    %mul3A_28 = arith.mulf %select_n3A_27, %select_n3A_27 : vector<10240x128xf32>
    %reduce_sum3A_29 = arith.constant dense<0.000000e+00> : vector<128xf32>
    %reduce_sum3A_30 = vector.multi_reduction <add>, %mul3A_28, %reduce_sum3A_29 [0] : vector<10240x128xf32> to vector<128xf32>
    %broadcast_in_dim3A_31 = vector.shape_cast %reduce_sum3A_30 : vector<128xf32> to vector<1x128xf32>
    %div3A_32 = arith.constant 1.000000e+04 : f32
    %div3A_33 = vector.broadcast %div3A_32 : f32 to vector<1x128xf32>
    %div3A_34 = arith.divf %broadcast_in_dim3A_31, %div3A_33 : vector<1x128xf32>
    %add3A_35 = arith.constant 9.99999974E-6 : f32
    %add3A_36 = vector.broadcast %add3A_35 : f32 to vector<1x128xf32>
    %add3A_37 = arith.addf %div3A_34, %add3A_36 : vector<1x128xf32>
    %rsqrt3A = math.rsqrt %add3A_37 : vector<1x128xf32>
    %get3A_38 = arith.constant 0 : index
    %get3A_39 = arith.constant 0 : index
    %get3A_40 = vector.load %arg3[%get3A_38, %get3A_39] : memref<1x128xf32, #tpu.memory_space<vmem>>, vector<1x128xf32>
    %sub3A_41 = vector.broadcast %div3A_23 : vector<1x128xf32> to vector<10240x128xf32>
    %sub3A_42 = arith.subf %add3A_17, %sub3A_41 : vector<10240x128xf32>
    %mul3A_43 = vector.broadcast %get3A_40 : vector<1x128xf32> to vector<10240x128xf32>
    %mul3A_44 = arith.mulf %mul3A_43, %sub3A_42 : vector<10240x128xf32>
    %mul3A_45 = vector.broadcast %rsqrt3A : vector<1x128xf32> to vector<10240x128xf32>
    %mul3A_46 = arith.mulf %mul3A_44, %mul3A_45 : vector<10240x128xf32>
    %get3A_47 = arith.constant 0 : index
    %get3A_48 = arith.constant 0 : index
    %get3A_49 = vector.load %arg4[%get3A_47, %get3A_48] : memref<1x128xf32, #tpu.memory_space<vmem>>, vector<1x128xf32>
    %add3A_50 = vector.broadcast %get3A_49 : vector<1x128xf32> to vector<10240x128xf32>
    %add3A_51 = arith.addf %mul3A_46, %add3A_50 : vector<10240x128xf32>
    %max3A = arith.constant 0.000000e+00 : f32
    %max3A_52 = vector.broadcast %max3A : f32 to vector<10240x128xf32>
    %max3A_53 = arith.maximumf %add3A_51, %max3A_52 : vector<10240x128xf32>
    %get3A_54 = arith.constant 0 : index
    %get3A_55 = arith.constant 0 : index
    %get3A_56 = vector.load %arg5[%get3A_54, %get3A_55] : memref<128x32xf32, #tpu.memory_space<vmem>>, vector<128x32xf32>
    %dot_general3A = arith.constant dense<0.000000e+00> : vector<10240x32xf32>
    %dot_general3A_57 = tpu.matmul %max3A_53, %get3A_56, %dot_general3A {dimension_numbers = #tpu.dot_dimension_numbers<[1], [0], [0], [1], [0, 0, 1, 1], [], []>, transpose_lhs_hint = false} : vector<10240x128xf32>, vector<128x32xf32>, vector<10240x32xf32> -> vector<10240x32xf32>
    %get3A_58 = arith.constant 0 : index
    %get3A_59 = arith.constant 0 : index
    %get3A_60 = vector.load %arg6[%get3A_58, %get3A_59] : memref<1x32xf32, #tpu.memory_space<vmem>>, vector<1x32xf32>
    %add3A_61 = vector.broadcast %get3A_60 : vector<1x32xf32> to vector<10240x32xf32>
    %add3A_62 = arith.addf %dot_general3A_57, %add3A_61 : vector<10240x32xf32>
    %get3A_63 = arith.constant 0 : index
    %get3A_64 = arith.constant 0 : index
    %get3A_65 = vector.load %arg7[%get3A_63, %get3A_64] : memref<128x1xf32, #tpu.memory_space<vmem>>, vector<128x1xf32>
    %dot_general3A_66 = arith.constant dense<0.000000e+00> : vector<10240x1xf32>
    %dot_general3A_67 = tpu.matmul %max3A_53, %get3A_65, %dot_general3A_66 {dimension_numbers = #tpu.dot_dimension_numbers<[1], [0], [0], [1], [0, 0, 1, 1], [], []>, transpose_lhs_hint = false} : vector<10240x128xf32>, vector<128x1xf32>, vector<10240x1xf32> -> vector<10240x1xf32>
    %get3A_68 = arith.constant 0 : index
    %get3A_69 = arith.constant 0 : index
    %get3A_70 = vector.load %arg8[%get3A_68, %get3A_69] : memref<1x1xf32, #tpu.memory_space<vmem>>, vector<1x1xf32>
    %add3A_71 = vector.broadcast %get3A_70 : vector<1x1xf32> to vector<10240x1xf32>
    %add3A_72 = arith.addf %dot_general3A_67, %add3A_71 : vector<10240x1xf32>
    %add3A_73 = vector.broadcast %add3A_72 : vector<10240x1xf32> to vector<10240x32xf32>
    %add3A_74 = arith.addf %add3A_73, %add3A_62 : vector<10240x32xf32>
    %reduce_sum3A_75 = arith.constant dense<0.000000e+00> : vector<10240xf32>
    %reduce_sum3A_76 = vector.multi_reduction <add>, %add3A_62, %reduce_sum3A_75 [1] : vector<10240x32xf32> to vector<10240xf32>
    %broadcast_in_dim3A_77 = vector.shape_cast %reduce_sum3A_76 : vector<10240xf32> to vector<10240x1xf32>
    %div3A_78 = arith.constant 3.200000e+01 : f32
    %div3A_79 = vector.broadcast %div3A_78 : f32 to vector<10240x1xf32>
    %div3A_80 = arith.divf %broadcast_in_dim3A_77, %div3A_79 : vector<10240x1xf32>
    %sub3A_81 = vector.broadcast %div3A_80 : vector<10240x1xf32> to vector<10240x32xf32>
    %sub3A_82 = arith.subf %add3A_74, %sub3A_81 : vector<10240x32xf32>
    %slice3A = vector.extract_strided_slice %sub3A_82 {offsets = [0, 0], sizes = [10000, 32], strides = [1, 1]} : vector<10240x32xf32> to vector<10000x32xf32>
    %swap3A = arith.constant 0 : index
    %swap3A_83 = arith.constant 0 : index
    %swap3A_84 = vector.load %arg9[%swap3A, %swap3A_83] : memref<10000x32xf32, #tpu.memory_space<vmem>>, vector<10000x32xf32>
    tpu.vector_store %arg9[%swap3A, %swap3A_83], %slice3A {strides = array<i32>} : memref<10000x32xf32, #tpu.memory_space<vmem>>, vector<10000x32xf32>,
    return
  }
}

</mosaic_0001>

<sc_bundles>
// kernel: kernel.11.cloned.1.call-start
scs
__scs_entry_jumppad:
0x0: {  	(pc) =	sbr.rel $0x88, $3  }
0x1: {  	(tag) =	ssettag $0x0;
	lr =	simm.s32 $0x1  }
0x2: {  	[smem:$0x3F93] =	sst lr;
	_ =	strace $0xD0000000  }
0x3: {  	_ = 	snop  }
0x4: {  	_ = 	snop  }
0x5: {  	_ = 	snop  }
0x6: {  	_ = 	snop  }
0x7: {  	_ = 	snop  }
__scs_overlays_trampoline_lowered:
0x8: {  	[smem:$0x3FA2] =	sst s0  }
0x9: {  	[smem:$0x3FA3] =	sst s1  }
0xa: {  	[smem:$0x3FA4] =	sst s2  }
0xb: {  	[smem:$0x3FA5] =	sst s3  }
0xc: {  	[smem:$0x3FA6] =	sst s4  }
0xd: {  	[smem:$0x3FA7] =	sst s5  }
0xe: {  	[smem:$0x3FA8] =	sst s6  }
0xf: {  	[smem:$0x3FA9] =	sst s7  }
0x10: {  	[smem:$0x3FAA] =	sst s8  }
0x11: {  	[smem:$0x3FAB] =	sst s9;
	s0 =	simm.s32 @!p0 $0x0  }
0x12: {  	s1 =	sld [smem:$0x3F91];
	s0 =	simm.s32 @p0 $0x1  }
0x13: {  	[smem:$0x3FAC] =	sst s0;
	s0 =	simm.s32 @!p1 $0x0  }
0x14: {  	s2 =	sld [smem:$0x3F90];
	s0 =	simm.s32 @p1 $0x1  }
0x15: {  	[smem:$0x3FAD] =	sst s0;
	s0 =	simm.s32 @!p2 $0x0  }
0x16: {  	s3 =	sld [smem:$0x3FDB];
	s0 =	simm.s32 @p2 $0x1  }
0x17: {  	s4 =	simm.s32 $0x1BF5;
	[smem:$0x3FAF] =	sst s0  }
0x18: {  	s0 =	sld [smem:$0x3F92];
	_ =	swait.ge [sflag:s4], $0x0  }
0x19: {  	s7 =	sld [smem:$0x3F93]  }
0x1a: {  	s8 =	sadd.s32 $0xFFFFE003, lr  }
0x1b: {  	s9 =	sadd.s32 $0xFFFFFEF7, lr;
	s5 =	simm.s32 $0xFFFFFFFF;
	p2 =	slt.u32 s8, $0xFFFFF086  }
0x1c: {  	p1 =	slt.u32 s9, $0xF7A;
	s5 =	simm.s32 @!p2 $0x0  }
0x1d: {  	s5 =	simm.s32 @p1 $0x1;
	p0 =	seq.s32 s7, s2  }
0x1e: {  	s7 =	smul.u32 @!p0 $0xF7A, s2;
	p2 =	seq.s32 @!p0 s5, $0x0  }
0x1f: {  	s9 =	smul.u32 $0xF7A, s1;
	s8 =	simm.s32 @!p0 $0x1BF5;
	p2 =	por !p2, p0  }
0x20: {  	[sflag:s8] =	ssyncset.s32 @!p0 $0xFFFFF086;
	s6 =	sadd.s32 @!p0 s3, s7;
	s7 =	simm.s32 @!p0 $0x108  }
0x21: {  	s3 =	sadd.s32 s3, s9;
	s6 =	sadd.s32 @!p0 $0x88, s6;
	s7 =	simm.s32 @p2 $0x1082  }
0x22: {  	[simem:s7], [sflag:s8] =	dma.local @!p0 [hbm:s6], $0xF7A  }
0x23: {  	s9 =	sor.u32 $0xD0000000, s2;
	s6 =	simm.s32 $0x108;
	_ =	swait.ge @!p0 [sflag:s8], $0x0  }
0x24: {  	s3 =	sadd.s32 $0x88, s3;
	s6 =	simm.s32 @!p1 $0x1082;
	[sflag:s4] =	ssyncset.s32 $0xFFFFF086  }
0x25: {  	[simem:s6], [sflag:s4] =	dma.local [hbm:s3], $0xF7A  }
0x26: {  	[smem:$0x3F93] =	sst s1;
	(tag) =	ssettag s2;
	_ =	strace s9  }
0x27: {  	s1 =	sld [smem:$0x3FA3]  }
0x28: {  	s2 =	sld [smem:$0x3FA4]  }
0x29: {  	s4 =	sld [smem:$0x3FA6]  }
0x2a: {  	p0 =	seq.s32 s5, $0x0;
	s5 =	sld [smem:$0x3FA7]  }
0x2b: {  	s6 =	sld [smem:$0x3FA8]  }
0x2c: {  	s7 =	sld [smem:$0x3FA9]  }
0x2d: {  	s3 =	simm.s32 $0x108;
	s8 =	sld [smem:$0x3FAA]  }
0x2e: {  	s3 =	simm.s32 @!p0 $0x1082;
	s9 =	sld [smem:$0x3FAB]  }
0x2f: {  	lr =	sadd.s32 s0, s3;
	s0 =	sld [smem:$0x3FA2]  }
0x30: {  	s3 =	sld [smem:$0x3FA5]  }
0x31: {  	[smem:$0x3FAE] =	sst s10  }
0x32: {  	s10 =	sld [smem:$0x3FAC];
	_ =	sdelay $0x3  }
0x33: {  	p0 =	seq.s32 s10, $0x1;
	s10 =	sld [smem:$0x3FAE];
	_ =	sdelay $0x3  }
0x34: {  	[smem:$0x3FAE] =	sst s10  }
0x35: {  	s10 =	sld [smem:$0x3FAD];
	_ =	sdelay $0x3  }
0x36: {  	p1 =	seq.s32 s10, $0x1;
	s10 =	sld [smem:$0x3FAE];
	_ =	sdelay $0x3  }
0x37: {  	[smem:$0x3FAE] =	sst s10  }
0x38: {  	s10 =	sld [smem:$0x3FAF]  }
0x39: {  	_ = 	snop;
	(pc) =	sbr.ind lr, $3  }
0x3a: {  	_ = 	snop  }
0x3b: {  	_ = 	snop  }
0x3c: {  	p2 =	seq.s32 s10, $0x1;
	s10 =	sld [smem:$0x3FAE]  }
0x3d: {  	_ =	shalt  }
0x3e: {  	_ =	shalt  }
0x3f: {  	_ =	shalt  }
0x40: {  	_ =	shalt  }
0x41: {  	_ =	shalt  }
0x42: {  	_ =	shalt  }
0x43: {  	_ =	shalt  }
0x44: {  	_ =	shalt  }
0x45: {  	_ =	shalt  }
0x46: {  	_ =	shalt  }
0x47: {  	_ =	shalt  }
0x48: {  	_ =	shalt  }
0x49: {  	_ =	shalt  }
0x4a: {  	_ =	shalt  }
0x4b: {  	_ =	shalt  }
0x4c: {  	_ =	shalt  }
0x4d: {  	_ =	shalt  }
0x4e: {  	_ =	shalt  }
0x4f: {  	_ =	shalt  }
0x50: {  	_ =	shalt  }
0x51: {  	_ =	shalt  }
0x52: {  	_ =	shalt  }
0x53: {  	_ =	shalt  }
0x54: {  	_ =	shalt  }
0x55: {  	_ =	shalt  }
0x56: {  	_ =	shalt  }
0x57: {  	_ =	shalt  }
0x58: {  	_ =	shalt  }
0x59: {  	_ =	shalt  }
0x5a: {  	_ =	shalt  }
0x5b: {  	_ =	shalt  }
0x5c: {  	_ =	shalt  }
0x5d: {  	_ =	shalt  }
0x5e: {  	_ =	shalt  }
0x5f: {  	_ =	shalt  }
0x60: {  	_ =	shalt  }
0x61: {  	_ =	shalt  }
0x62: {  	_ =	shalt  }
0x63: {  	_ =	shalt  }
0x64: {  	_ =	shalt  }
0x65: {  	_ =	shalt  }
0x66: {  	_ =	shalt  }
0x67: {  	_ =	shalt  }
0x68: {  	_ =	shalt  }
0x69: {  	_ =	shalt  }
0x6a: {  	_ =	shalt  }
0x6b: {  	_ =	shalt  }
0x6c: {  	_ =	shalt  }
0x6d: {  	_ =	shalt  }
0x6e: {  	_ =	shalt  }
0x6f: {  	_ =	shalt  }
0x70: {  	_ =	shalt  }
0x71: {  	_ =	shalt  }
0x72: {  	_ =	shalt  }
0x73: {  	_ =	shalt  }
0x74: {  	_ =	shalt  }
0x75: {  	_ =	shalt  }
0x76: {  	_ =	shalt  }
0x77: {  	_ =	shalt  }
0x78: {  	_ =	shalt  }
0x79: {  	_ =	shalt  }
0x7a: {  	_ =	shalt  }
0x7b: {  	_ =	shalt  }
0x7c: {  	_ =	shalt  }
0x7d: {  	_ =	shalt  }
0x7e: {  	_ =	shalt  }
0x7f: {  	_ =	shalt  }
0x80: {  	_ =	shalt  }
0x81: {  	_ =	shalt  }
0x82: {  	_ =	shalt  }
0x83: {  	_ =	shalt  }
0x84: {  	_ =	shalt  }
0x85: {  	_ =	shalt  }
0x86: {  	_ =	shalt  }
0x87: {  	_ =	shalt  }
.Lfunc_end0:
.L_simem_size_0:
called_computation.1_lowered:
.L_overlay_start_0:
0x88: {  	s2 =	sld [smem:$0x3FD9]  }
0x89: {  	s3 =	sld [smem:$0x3FFE];
	_ =	sdelay $0x1  }
0x8a: {  	s1 =	srdreg.scid  }
0x8b: {  	s0 =	sand.u32 $0x1, s1  }
0x8c: {  	s16 =	sshll.u32 s0, $0xA;
	s2 =	sadd.s32 s3, s2  }
0x8d: {  	s2 =	sadd.s32 s2, s16  }
0x8e: {  	[smem:$0x3FBA] =	sst s2  }
0x8f: {  	_ = 	snop  }
0x90: {  	(tm) =	ssettm $0x1  }
0x91: {  	s17 =	sld [smem:$0x3FFB];
	_ =	sdelay $0x3  }
0x92: {  	_ =	strace s17  }
0x93: {  	s2 =	sld [smem:$0x3FFC];
	_ =	sdelay $0x3  }
0x94: {  	_ =	strace s2  }
0x95: {  	s2 =	sld [smem:$0x3FFD];
	_ =	sdelay $0x3  }
0x96: {  	_ =	strace s2  }
0x97: {  	_ =	strace $0x8FFFFFFF  }
0x98: {  	s18 =	sld [smem:$0x3FDB];
	_ =	sdelay $0x1  }
0x99: {  	s19 =	simm.s32 $_scs_section_size  }
0x9a: {  	s4 =	simm.s32 $_size__tile_overlayer_lowered;
	s5 =	simm.s32 $_tile_overlayer_lowered  }
0x9b: {  	s22 =	simm.s32 $0x1BFF;
	s21 =	sshll.u32 s5, $0x1;
	s2 =	sadd.s32 s19, s18  }
0x9c: {  	s6 =	simm.s32 $0x0;
	s20 =	sshll.u32 s4, $0x1;
	s4 =	sadd.s32 s21, s2  }
0x9d: {  	[timem:s6], [sflag:s22] =	dma.local [hbm:s4], s20  }
0x9e: {  	_ =	swait.ge [sflag:s22], s20  }
0x9f: {  	s3 =	ssub.s32 $0x0, s20;
	[sflag:s22] =	ssyncset.done $0x0  }
0xa0: {  	[sflag:s22] =	ssyncadd.s32 s3;
	_ =	sdelay $0x1  }
0xa1: {  	s23 =	simm.s32 $0x1B8B  }
0xa2: {  	_ =	swait.ge [sflag:s23], $0x1  }
0xa3: {  	[sflag:s23] =	ssyncset.done $0x0  }
0xa4: {  	s25 =	simm.s32 $0x1B8E;
	s24 =	sld [smem:$0x3FFE];
	[sflag:s23] =	ssyncadd.s32 $0xFFFFFFFF  }
0xa5: {  	s26 =	simm.s32 $execute0_lowered;
	[smem:$0x3FD2] =	sst s25  }
0xa6: {  	s4 =	sshll.u32 s26, $0x1;
	_ =	strace $0x80000049;
	[dreg:$0x1] =	wrdreg $0xFFFFFFFF  }
0xa7: {  	s28 =	simm.s32 $_size_execute0_lowered;
	s2 =	sadd.s32 s2, s4;
	[dreg:$0x0] =	wrdreg $0x0  }
0xa8: {  	s4 =	sshll.u32 s28, $0x1;
	[dreg:$0x2] =	wrdreg s2  }
0xa9: {  	[dreg:$0x3] =	wrdreg s4  }
0xaa: {  	[dreg:$0x4] =	wrdreg $0xC0  }
0xab: {  	_ =	task [dreg:s6], $0x5FFFF  }
0xac: {  	[dreg:$0x1] =	wrdreg $0xFFFFFFFF  }
0xad: {  	[dreg:$0x0] =	wrdreg $0x60  }
0xae: {  	[dreg:$0x2] =	wrdreg s24  }
0xaf: {  	[dreg:$0x3] =	wrdreg $0x9  }
0xb0: {  	_ =	task.clear_ibuf [dreg:s6], $0x4FFFF;
	_ =	strace $0x90000049  }
0xb1: {  	s29 =	simm.s32 $0x9;
	_ =	strace $0x8000004B  }
0xb2: {  	_ =	swait.ge [sflag:s29], $0x1  }
0xb3: {  	[sflag:s29] =	ssyncadd.s32 $0xFFFFFFFF  }
0xb4: {  	_ =	strace $0x9000004B  }
0xb5: {  	_ =	sfence  }
0xb6: {  	s30 =	sld [smem:$0x0];
	_ =	sdelay $0x2  }
0xb7: {  	s31 =	sshll.u32 s1, $0xD;
	s1 =	sshrl.u32 s1, $0x2  }
0xb8: {  	s3 =	sand.u32 $0x4000, s31;
	s1 =	sadd.s32 s1, s30  }
0xb9: {  	s0 =	sor.u32 s3, s0;
	s1 =	sshll.u32 s1, $0x11  }
0xba: {  	s0 =	sor.u32 s1, s0  }
0xbb: {  	s0 =	sadd.s32 $0x8F2B, s0  }
0xbc: {  	[sflag:s0] =	ssyncadd.remote.s32 $0x1  }
0xbd: {  	_ =	sfence.sel $0xFFFF  }
0xbe: {  	[dreg:$0x0] =	wrdreg $0xFFFFFFFF;
	(pc) =	sbr.abs _section_cstart, $3  }
0xbf: {  	[dreg:$0x1] =	wrdreg $0xFFFFFFFF  }
0xc0: {  	_ =	task.clear_ibuf [dreg:s6], $0x2FFFF;
	_ =	strace $0x9FFFFFFF  }
0xc1: {  	(tm) =	ssettm $0x7FFFFFFF  }
tec
execute0_lowered:
.L_overlay_start_1:
0x0: {  	(tag) =	ssettag $0x1  }
0x1: {  	s0 =	rddreg [dreg:$0x0];
	s1 =	srdreg.scid  }
0x2: {  	s3 =	simm.s32 $0x0;
	s4 =	stileid.u32;
	s9 =	simm.s32 $0x5  }
0x3: {  	s11 =	simm.s32 $0x1;
	s12 =	simm.s32 $0x20;
	s13 =	simm.s32 $0x4100  }
0x4: {  	s14 =	simm.s32 $0x4180;
	s15 =	simm.s32 $0x4120;
	s16 =	simm.s32 $0x5180  }
0x5: {  	s17 =	simm.s32 $0x4140;
	s18 =	simm.s32 $0x6180;
	s19 =	simm.s32 $0x4160  }
0x6: {  	s20 =	simm.s32 $0x7180;
	s21 =	simm.s32 $0x2;
	s22 =	simm.s32 $0x3  }
0x7: {  	s23 =	simm.s32 $0x4;
	s24 =	simm.s32 $0x3080;
	s25 =	simm.s32 $0x8180  }
0x8: {  	s1 =	sand.u32 $0x1, s1;
	[smem:$0x7FF] =	sst s3;
	s5 =	smul.u32 $0x14000, s4  }
0x9: {  	s3 =	sadd.s32 $0x16C00, s0;
	s6 =	sadd.s32 $0x2C00, s0;
	s2 =	smul.u32 $0x140000, s1  }
0xa: {  	s30 =	smul.u32 $0xFFFFFD80, s4;
	_ =	strace $0x8000004A;
	s26 =	ssub.s32 $0x2, s1  }
.Ltmp0:
0xb: {  	s7 =	sshrl.u32 s26, $0x1;
	s2 =	sadd.s32 s5, s2;
	(pc) =	sbr.rel .LBB2_1-.Ltmp0, $4  }
0xc: {  	v1 =	vlaneseq.u32;
	v2 =	vimm.f32 $0.0e+00;
	[dreg:$0x2] =	wrdreg s6;
	s29 =	ssub.s32 s26, s7;
	s2 =	sshrl.u32 s2, $0x3  }
0xd: {  	v3 =	vimm.s32 $0x0;
	v4 =	vor.u32 $0x10, v1;
	v5 =	vor.u32 $0x20, v1;
	s5 =	sadd.s32 $0xCC00, s0;
	s31 =	smax.u32 s29, $0x1;
	s0 =	sadd.s32 s2, s0  }
0xe: {  	s28 =	simm.s32 $0x0;
	v6 =	vor.u32 $0x30, v1;
	v7 =	vor.u32 $0x40, v1;
	v8 =	vor.u32 $0x50, v1;
	[dreg:$0x4] =	wrdreg s31;
	s0 =	sadd.s32 $0x3EC00, s0  }
0xf: {  	v9 =	vor.u32 $0x60, v1;
	v10 =	vor.u32 $0x70, v1;
	s6 =	smul.u32 $0x28000, s1;
	s1 =	simm.s32 $0x0;
	v0 =	vmov s30;
	[dreg:$0x3] =	wrdreg s0  }
.LBB2_14:
0x10: {  	s0 =	simm.s32 $0x0;
	s1 =	rddreg [dreg:$0x3]  }
0x11: {  	[hbm4b:s1+s0] =	stream.linear.scatter [tilespmem:s25], [sflag:$0x5], $0x14000, $0x38;
	[tilespmem:$0x1C580] =	vst v63  }
0x12: {  	_ =	swait.ge [sflag:s9], $0x14000  }
0x13: {  	s30 =	rddreg [dreg:$0x5]  }
0x14: {  	s31 =	rddreg [dreg:$0x4];
	s1 =	sadd.s32 $0x1, s30  }
0x15: {  	p0 =	sne.s32 s1, s31  }
.Ltmp1:
0x16: {  	_ = 	snop;
	(pc) =	sbr.rel @!p0 .LBB2_15-.Ltmp1, $3  }
0x17: {  	_ =	sdelay $0x1  }
0x18: {  	[sflag:s9] =	ssyncset.done $0x0  }
0x19: {  	[sflag:s9] =	ssyncadd.s32 $0xFFFEC000  }
.LBB2_1:
0x1a: {  	[dreg:$0x5] =	wrdreg s1;
	s0 =	simm.s32 $0x0;
	s1 =	simm.s32 $0x200  }
.LBB2_2:
0x1b: {  	p0 =	sne.s32 s1, $0x50E00;
	[tilespmem:s0+$0x81F0] =	vst v2  }
0x1c: {  	[tilespmem:s0+$0x8180] =	vst v2  }
0x1d: {  	[tilespmem:s0+$0x8190] =	vst v2  }
.Ltmp2:
0x1e: {  	[tilespmem:s0+$0x81A0] =	vst v2;
	(pc) =	sbr.rel @p0 .LBB2_2-.Ltmp2, $4  }
0x1f: {  	[tilespmem:s0+$0x81B0] =	vst v2  }
0x20: {  	[tilespmem:s0+$0x81C0] =	vst v2  }
0x21: {  	[tilespmem:s0+$0x81D0] =	vst v2  }
0x22: {  	[tilespmem:s0+$0x81E0] =	vst v2;
	s0 =	sshra.s32 s1, $0x2;
	s1 =	sadd.s32 $0x200, s1  }
0x23: {  	[tilespmem:s0+$0x81F0] =	vst v2  }
0x24: {  	[tilespmem:s0+$0x8180] =	vst v2  }
0x25: {  	[tilespmem:s0+$0x8190] =	vst v2  }
.Ltmp3:
0x26: {  	[tilespmem:s0+$0x81A0] =	vst v2;
	(pc) =	sbr.rel .LBB2_4-.Ltmp3, $4  }
0x27: {  	[tilespmem:s0+$0x81B0] =	vst v2  }
0x28: {  	[tilespmem:s0+$0x81C0] =	vst v2  }
0x29: {  	[tilespmem:s0+$0x81D0] =	vst v2  }
0x2a: {  	[tilespmem:s0+$0x81E0] =	vst v2;
	s29 =	simm.s32 $0x0  }
.LBB2_13:
0x2b: {  	s29 =	sadd.s32 $0x1, s29  }
0x2c: {  	p0 =	sne.s32 s29, $0x28  }
.Ltmp4:
0x2d: {  	_ = 	snop;
	(pc) =	sbr.rel @!p0 .LBB2_14-.Ltmp4, $1  }
0x2e: {  	_ =	sdelay $0x3  }
.LBB2_4:
0x2f: {  	s0 =	sshll.u32 s29, $0xC  }
0x30: {  	s0 =	sadd.s32 s6, s0  }
0x31: {  	s1 =	rddreg [dreg:$0x2];
	s0 =	sshrl.u32 s0, $0x3  }
0x32: {  	s1 =	sadd.s32 s1, s0  }
0x33: {  	[tilespmem:s28], [sflag:$0x5] =	stream.linear.gather [hbm4b:s1+s28], $0x1000, $0x38;
	[tilespmem:$0x1C580] =	vst v63  }
0x34: {  	_ =	swait.ge [sflag:s9], $0x1000  }
0x35: {  	[sflag:s9] =	ssyncset.done $0x0  }
0x36: {  	s30 =	simm.s32 $0x1000;
	s0 =	sadd.s32 s5, s0;
	[sflag:s9] =	ssyncadd.s32 $0xFFFFF000  }
0x37: {  	[tilespmem:s30], [sflag:$0x5] =	stream.linear.gather [hbm4b:s0+s28], $0x1000, $0x38;
	[tilespmem:$0x1C580] =	vst v63  }
0x38: {  	_ =	swait.ge [sflag:s9], $0x1000  }
0x39: {  	[sflag:s9] =	ssyncset.done $0x0  }
0x3a: {  	s31 =	simm.s32 $0x0;
	[sflag:s9] =	ssyncadd.s32 $0xFFFFF000  }
0x3b: {  	v11 =	vld [tilespmem:s31+$0x1000];
	_ =	sdelay $0x4  }
0x3c: {  	v11 =	vadd.s32 v0, v11  }
0x3d: {  	vm0 =	vlt.u32 v11, $0x280  }
0x3e: {  	v12 =	vsel vm0, $0x1, v3  }
0x3f: {  	(xrf0) =	vadd.scan.msk.s32 $0xffff, v12;
	_ =	sdelay $0x1  }
0x40: {  	v63 =	vld [tilespmem:s31+$0x0];
	_ =	sdelay $0x3  }
0x41: {  	v13, _, _ =	vpop (xrf0)  }
0x42: {  	[tilespmem:s28+$0x2000] =	vst.msk vm0, v63;
	(v2sf) =	vpush v13, $0xF  }
0x43: {  	s2 =	simm.s32 $0x80;
	s1 =	simm.s32 $0x0;
	s0 =	simm.s32 $0x10;
	[tilespmem:s28+$0x3080] =	vst.msk vm0, v11  }
.LBB2_5:
0x44: {  	p0 =	sne.s32 s2, $0x3FC0;
	v11 =	vld [tilespmem:s0+$0x1000];
	_ =	sdelay $0x4  }
0x45: {  	v11 =	vadd.s32 v0, v11  }
0x46: {  	vm0 =	vlt.u32 v11, $0x280  }
0x47: {  	v12 =	vsel vm0, $0x1, v3  }
0x48: {  	(xrf0) =	vadd.scan.msk.s32 $0xffff, v12;
	_ =	sdelay $0x1  }
0x49: {  	v12 =	vld [tilespmem:s0+$0x0];
	_ =	sdelay $0x1  }
.Ltmp5:
0x4a: {  	(pc) =	sbr.rel @p0 .LBB2_5-.Ltmp5, $4  }
0x4b: {  	s0 =	spop (v2sf)  }
0x4c: {  	v13, _, _ =	vpop (xrf0);
	s1 =	sadd.s32 s1, s0  }
0x4d: {  	[tilespmem:s1+$0x2000] =	vst.msk vm0, v12;
	(v2sf) =	vpush v13, $0xF  }
0x4e: {  	s0 =	sshra.s32 s2, $0x2;
	s2 =	sadd.s32 $0x40, s2;
	[tilespmem:s1+$0x3080] =	vst.msk vm0, v11  }
0x4f: {  	v11 =	vld [tilespmem:s0+$0x1000];
	_ =	sdelay $0x4  }
0x50: {  	v11 =	vadd.s32 v0, v11  }
0x51: {  	vm0 =	vlt.u32 v11, $0x280  }
0x52: {  	v12 =	vsel vm0, $0x1, v3  }
0x53: {  	(xrf0) =	vadd.scan.msk.s32 $0xffff, v12;
	_ =	sdelay $0x5  }
0x54: {  	v12, _, _ =	vpop (xrf0)  }
0x55: {  	(v2sf) =	vpush v12, $0xF;
	_ =	sdelay $0xd  }
0x56: {  	s2 =	spop (v2sf)  }
0x57: {  	s2 =	sadd.s32 s1, s2;
	s8 =	spop (v2sf)  }
0x58: {  	s1 =	sadd.s32 s2, s8  }
0x59: {  	s30 =	simm.s32 $0x1;
	s7 =	sadd.s32 $0x7F, s1;
	s26 =	sand.u32 $0xF, s1  }
0x5a: {  	s31 =	sshra.s32 s1, $0x1F;
	p5 =	slt.s32 s1, $0x1;
	s8 =	sand.u32 $0x7F, s7  }
0x5b: {  	p0 =	slt.s32 s7, $0x1;
	s10 =	sshra.s32 s7, $0x1F;
	p1 =	sne.s32 s8, $0x0  }
0x5c: {  	v63 =	vld [tilespmem:s0+$0x0];
	p6 =	sne.s32 s26, $0x0;
	s0 =	sshrl.u32 s31, $0x1C;
	p0 =	por !p0, !p1  }
0x5d: {  	s8 =	sshrl.u32 s10, $0x19;
	s0 =	sadd.s32 s0, s1;
	p0 =	por !p0, !p0  }
0x5e: {  	s7 =	sadd.s32 s8, s7;
	s30 =	simm.s32 @!p0 $0x0;
	p0 =	por !p5, !p6  }
0x5f: {  	s8 =	simm.s32 $0x1;
	s7 =	sshra.s32 s7, $0x7;
	p0 =	por !p0, !p0  }
0x60: {  	s0 =	sshra.s32 s0, $0x4;
	s30 =	ssub.s32 s7, s30;
	s8 =	simm.s32 @!p0 $0x0  }
0x61: {  	s7 =	ssub.s32 s0, s8;
	s0 =	sshll.u32 s30, $0x3  }
0x62: {  	p0 =	sge.s32 s7, s0  }
.Ltmp6:
0x63: {  	_ = 	snop;
	(pc) =	sbr.rel @p0 .LBB2_9-.Ltmp6, $3  }
0x64: {  	_ =	sdelay $0x1  }
0x65: {  	[tilespmem:s2+$0x2000] =	vst.msk vm0, v63  }
0x66: {  	[tilespmem:s2+$0x3080] =	vst.msk vm0, v11  }
0x67: {  	s2 =	sshll.u32 s7, $0x6  }
0x68: {  	s2 =	sshra.s32 s2, $0x2  }
0x69: {  	s8 =	sadd.s32 $0x2000, s2  }
0x6a: {  	v11 =	vmov s1;
	s1 =	sadd.s32 $0x3080, s2;
	v12 =	vld [tilespmem:s8+$0x0]  }
0x6b: {  	s2 =	sshll.u32 s7, $0x4;
	s7 =	sadd.s32 $0x1, s7;
	v13 =	vld [tilespmem:s1+$0x0]  }
0x6c: {  	p0 =	slt.s32 s7, s0  }
.Ltmp7:
0x6d: {  	v14 =	vor.u32 s2, v1;
	(pc) =	sbr.rel @!p0 .LBB2_9-.Ltmp7, $4  }
0x6e: {  	vm0 =	vlt.s32 v14, v11  }
0x6f: {  	v12 =	vnsel vm0, $0x2720, v12  }
0x70: {  	v63 =	vnsel vm0, $0x280, v13;
	[tilespmem:s8+$0x0] =	vst v12  }
0x71: {  	s31 =	sadd.s32 $0x10, s8;
	[tilespmem:s1+$0x0] =	vst v63  }
.LBB2_8:
0x72: {  	v12 =	vld [tilespmem:s31+$0x0];
	s1 =	sadd.s32 $0x10, s1  }
0x73: {  	s7 =	sadd.s32 $0x1, s7;
	v13 =	vld [tilespmem:s1+$0x0]  }
0x74: {  	s2 =	sadd.s32 $0x10, s2;
	p0 =	slt.s32 s7, s0  }
.Ltmp8:
0x75: {  	v14 =	vor.u32 s2, v1;
	(pc) =	sbr.rel @p0 .LBB2_8-.Ltmp8, $4  }
0x76: {  	vm0 =	vlt.s32 v14, v11  }
0x77: {  	v12 =	vnsel vm0, $0x2720, v12  }
0x78: {  	[tilespmem:s31+$0x0] =	vst v12;
	v12 =	vnsel vm0, $0x280, v13  }
0x79: {  	s31 =	sadd.s32 $0x10, s31;
	[tilespmem:s1+$0x0] =	vst v12  }
.LBB2_9:
0x7a: {  	p0 =	sgt.s32 s30, $0x0  }
.Ltmp9:
0x7b: {  	_ = 	snop;
	(pc) =	sbr.rel @!p0 .LBB2_13-.Ltmp9, $2  }
0x7c: {  	_ =	sdelay $0x2  }
0x7d: {  	s31 =	simm.s32 $0x0  }
.LBB2_10:
0x7e: {  	s0 =	sshll.u32 s31, $0x9  }
0x7f: {  	s0 =	sshra.s32 s0, $0x2  }
0x80: {  	v11 =	vld [tilespmem:s0+$0x2000];
	_ =	sdelay $0x4  }
0x81: {  	[tilespmem:$0x4100] =	vst v11  }
0x82: {  	v11 =	vld [tilespmem:s0+$0x2010];
	_ =	sdelay $0x4  }
0x83: {  	[tilespmem:$0x4110] =	vst v11  }
0x84: {  	v11 =	vld [tilespmem:s0+$0x2020];
	_ =	sdelay $0x4  }
0x85: {  	[tilespmem:$0x4120] =	vst v11  }
0x86: {  	v11 =	vld [tilespmem:s0+$0x2030];
	_ =	sdelay $0x4  }
0x87: {  	[tilespmem:$0x4130] =	vst v11  }
0x88: {  	v11 =	vld [tilespmem:s0+$0x2040];
	_ =	sdelay $0x4  }
0x89: {  	[tilespmem:$0x4140] =	vst v11  }
0x8a: {  	v11 =	vld [tilespmem:s0+$0x2050];
	_ =	sdelay $0x4  }
0x8b: {  	[tilespmem:$0x4150] =	vst v11  }
0x8c: {  	v11 =	vld [tilespmem:s0+$0x2060];
	_ =	sdelay $0x4  }
0x8d: {  	[tilespmem:$0x4160] =	vst v11  }
0x8e: {  	v11 =	vld [tilespmem:s0+$0x2070];
	_ =	sdelay $0x4  }
0x8f: {  	[tilespmem:$0x4170] =	vst v11  }
0x90: {  	[tilespmem:s14], [sflag:$0x1] =	stream.indirect.gather [hbm4b:s3+s12], $0x80, s13, s12, $0xb8;
	[tilespmem:$0x1C580] =	vst v63  }
0x91: {  	_ = 	snop  }
0x92: {  	[tilespmem:s16], [sflag:$0x2] =	stream.indirect.gather [hbm4b:s3+s12], $0x80, s15, s12, $0xb8;
	[tilespmem:$0x1C580] =	vst v63  }
0x93: {  	_ = 	snop  }
0x94: {  	[tilespmem:s18], [sflag:$0x3] =	stream.indirect.gather [hbm4b:s3+s12], $0x80, s17, s12, $0xb8;
	[tilespmem:$0x1C580] =	vst v63  }
0x95: {  	_ = 	snop  }
0x96: {  	[tilespmem:s20], [sflag:$0x4] =	stream.indirect.gather [hbm4b:s3+s12], $0x80, s19, s12, $0xb8;
	[tilespmem:$0x1C580] =	vst v63  }
0x97: {  	_ =	swait.ge [sflag:s11], $0x1000  }
0x98: {  	[sflag:s11] =	ssyncset.done $0x0  }
0x99: {  	[sflag:s11] =	ssyncadd.s32 $0xFFFFF000  }
0x9a: {  	s1 =	sshll.u32 s31, $0x7;
	_ =	swait.ge [sflag:s21], $0x1000  }
0x9b: {  	s26 =	sadd.s32 $0x0, s1;
	[sflag:s21] =	ssyncset.done $0x0  }
0x9c: {  	s2 =	sadd.s32 $0x1, s26;
	[sflag:s21] =	ssyncadd.s32 $0xFFFFF000  }
0x9d: {  	s7 =	sadd.s32 $0x3, s26;
	v11 =	vmov s2;
	_ =	swait.ge [sflag:s22], $0x1000  }
0x9e: {  	v13 =	vmov s26;
	v12 =	vmov s7;
	v11 =	vand.u32 $0xFFFFFFFD, v11;
	[sflag:s22] =	ssyncset.done $0x0  }
0x9f: {  	v13 =	vand.u32 $0xFFFFFFFC, v13;
	v11 =	vbroadcast v11, $0x0;
	[sflag:s22] =	ssyncadd.s32 $0xFFFFF000  }
0xa0: {  	v13 =	vbroadcast v13, $0x0;
	_ =	swait.ge [sflag:s23], $0x1000  }
0xa1: {  	s0 =	sadd.s32 $0x2, s26;
	[sflag:s23] =	ssyncset.done $0x0  }
0xa2: {  	v14 =	vmov s0;
	[sflag:s23] =	ssyncadd.s32 $0xFFFFF000  }
0xa3: {  	v14 =	vand.u32 $0xFFFFFFFE, v14;
	v12 =	vld.idx.msk [tilespmem:v12+s24+$0x0], $0xffff  }
0xa4: {  	v14 =	vbroadcast v14, $0x0  }
0xa5: {  	v11 =	vld.idx.msk [tilespmem:v11+s24+$0x0], $0xffff  }
0xa6: {  	v13 =	vld.idx.msk [tilespmem:v13+s24+$0x0], $0xffff;
	_ =	sdelay $0x1  }
0xa7: {  	s0 =	simm.s32 $0x4280;
	v12 =	vshll.u32 v12, $0x7  }
0xa8: {  	v15 =	vld [tilespmem:s0+$0x80];
	v16 =	vor.u32 v1, v12  }
0xa9: {  	v17 =	vld.idx.msk [tilespmem:v14+s24+$0x0], $0xffff;
	v11 =	vshll.u32 v11, $0x7  }
0xaa: {  	v18 =	vld [tilespmem:s0+$0xFFFFFF80];
	v14 =	vshll.u32 v13, $0x7;
	v19 =	vor.u32 v1, v11  }
0xab: {  	v20 =	vld [tilespmem:s0+$0xFFFFFF00];
	v21 =	vor.u32 v1, v14;
	_ =	sdelay $0x1  }
0xac: {  	[tilespmem:v16+s25+$0x0] =	vst.idx.add.f32.msk $0xffff, v15  }
0xad: {  	v13 =	vshll.u32 v17, $0x7;
	v15 =	vld [tilespmem:s0+$0x0]  }
0xae: {  	v16 =	vor.u32 v1, v13;
	[tilespmem:v19+s25+$0x0] =	vst.idx.add.f32.msk $0xffff, v18  }
0xaf: {  	[tilespmem:v21+s25+$0x0] =	vst.idx.add.f32.msk $0xffff, v20  }
0xb0: {  	v18 =	vor.u32 v4, v12;
	v17 =	vld [tilespmem:s0+$0x90]  }
0xb1: {  	v20 =	vor.u32 v4, v14;
	v21 =	vld [tilespmem:s0+$0xFFFFFF10]  }
0xb2: {  	v22 =	vor.u32 v4, v11;
	v19 =	vld [tilespmem:s0+$0xFFFFFF90]  }
0xb3: {  	[tilespmem:v16+s25+$0x0] =	vst.idx.add.f32.msk $0xffff, v15  }
0xb4: {  	v16 =	vld [tilespmem:s0+$0x10]  }
0xb5: {  	[tilespmem:v18+s25+$0x0] =	vst.idx.add.f32.msk $0xffff, v17  }
0xb6: {  	v15 =	vor.u32 v4, v13;
	[tilespmem:v20+s25+$0x0] =	vst.idx.add.f32.msk $0xffff, v21  }
0xb7: {  	[tilespmem:v22+s25+$0x0] =	vst.idx.add.f32.msk $0xffff, v19  }
0xb8: {  	v20 =	vor.u32 v5, v12;
	v17 =	vld [tilespmem:s0+$0xA0]  }
0xb9: {  	v60 =	vor.u32 v5, v11;
	v19 =	vld [tilespmem:s0+$0xFFFFFFA0]  }
0xba: {  	v18 =	vld [tilespmem:s0+$0xFFFFFF20]  }
0xbb: {  	[tilespmem:v15+s25+$0x0] =	vst.idx.add.f32.msk $0xffff, v16  }
0xbc: {  	v15 =	vor.u32 v5, v14;
	v16 =	vld [tilespmem:s0+$0x20]  }
0xbd: {  	[tilespmem:v20+s25+$0x0] =	vst.idx.add.f32.msk $0xffff, v17  }
0xbe: {  	v61 =	vor.u32 v5, v13;
	[tilespmem:v60+s25+$0x0] =	vst.idx.add.f32.msk $0xffff, v19  }
0xbf: {  	v17 =	vld [tilespmem:s0+$0xB0]  }
0xc0: {  	v23 =	vor.u32 v6, v11;
	v63 =	vld [tilespmem:s0+$0xFFFFFFB0]  }
0xc1: {  	[tilespmem:v15+s25+$0x0] =	vst.idx.add.f32.msk $0xffff, v18;
	v15 =	vor.u32 v6, v12  }
0xc2: {  	v20 =	vor.u32 v6, v14;
	v18 =	vld [tilespmem:s0+$0xFFFFFF30]  }
0xc3: {  	[tilespmem:v61+s25+$0x0] =	vst.idx.add.f32.msk $0xffff, v16  }
0xc4: {  	v19 =	vld [tilespmem:s0+$0x30]  }
0xc5: {  	v62 =	vor.u32 v6, v13;
	[tilespmem:v23+s25+$0x0] =	vst.idx.add.f32.msk $0xffff, v63  }
0xc6: {  	[tilespmem:v15+s25+$0x0] =	vst.idx.add.f32.msk $0xffff, v17  }
0xc7: {  	[tilespmem:v20+s25+$0x0] =	vst.idx.add.f32.msk $0xffff, v18  }
0xc8: {  	v15 =	vld [tilespmem:s0+$0xC0]  }
0xc9: {  	v18 =	vor.u32 v7, v14;
	v16 =	vld [tilespmem:s0+$0xFFFFFF40]  }
0xca: {  	s7 =	simm.s32 $0x4;
	s2 =	simm.s32 $0x4280;
	v17 =	vor.u32 v7, v12;
	[tilespmem:v62+s25+$0x0] =	vst.idx.add.f32.msk $0xffff, v19  }
.LBB2_11:
0xcb: {  	s8 =	smov.u32 s7  }
0xcc: {  	s26 =	sadd.s32 s1, s7;
	v19 =	vld [tilespmem:s0+$0x40];
	s2 =	sadd.s32 $0x200, s2;
	s8 =	sadd.s32 $0x4, s7  }
0xcd: {  	v22 =	vor.u32 v7, v13;
	v20 =	vmov s26;
	s10 =	sadd.s32 $0x1, s26;
	s4 =	sadd.s32 $0x2, s26;
	s26 =	sadd.s32 $0x3, s26;
	v21 =	vld [tilespmem:s2+$0xFFFFFF00]  }
0xce: {  	p0 =	slt.u32 s7, $0x7C;
	v20 =	vand.u32 $0xFFFFFFFC, v20;
	v23 =	vmov s10;
	v24 =	vmov s4;
	[tilespmem:v18+s25+$0x0] =	vst.idx.add.f32.msk $0xffff, v16  }
0xcf: {  	v16 =	vbroadcast v20, $0x0;
	v18 =	vand.u32 $0xFFFFFFFD, v23;
	v20 =	vand.u32 $0xFFFFFFFE, v24;
	[tilespmem:v17+s25+$0x0] =	vst.idx.add.f32.msk $0xffff, v15  }
0xd0: {  	v15 =	vbroadcast v18, $0x0;
	v17 =	vmov s26;
	v18 =	vld [tilespmem:s2+$0x80]  }
0xd1: {  	v20 =	vbroadcast v20, $0x0;
	v23 =	vld [tilespmem:s2+$0xFFFFFF80]  }
0xd2: {  	v24 =	vld [tilespmem:s0+$0xFFFFFF50]  }
0xd3: {  	v25 =	vor.u32 v8, v14;
	[tilespmem:v22+s25+$0x0] =	vst.idx.add.f32.msk $0xffff, v19  }
0xd4: {  	v19 =	vld [tilespmem:s0+$0x50]  }
0xd5: {  	v26 =	vor.u32 v7, v11;
	v22 =	vld [tilespmem:s0+$0xFFFFFFC0]  }
0xd6: {  	v27 =	vld [tilespmem:s0+$0xD0]  }
0xd7: {  	v17 =	vld.idx.msk [tilespmem:v17+s24+$0x0], $0xffff  }
0xd8: {  	[tilespmem:v25+s25+$0x0] =	vst.idx.add.f32.msk $0xffff, v24;
	v24 =	vor.u32 v8, v13  }
0xd9: {  	v25 =	vor.u32 v8, v12;
	v15 =	vld.idx.msk [tilespmem:v15+s24+$0x0], $0xffff  }
0xda: {  	[tilespmem:v26+s25+$0x0] =	vst.idx.add.f32.msk $0xffff, v22  }
0xdb: {  	v16 =	vld.idx.msk [tilespmem:v16+s24+$0x0], $0xffff  }
0xdc: {  	v22 =	vld [tilespmem:s0+$0xFFFFFF60]  }
0xdd: {  	v26 =	vor.u32 v9, v14;
	[tilespmem:v24+s25+$0x0] =	vst.idx.add.f32.msk $0xffff, v19  }
0xde: {  	[tilespmem:v25+s25+$0x0] =	vst.idx.add.f32.msk $0xffff, v27  }
0xdf: {  	v19 =	vld [tilespmem:s0+$0xE0]  }
0xe0: {  	v15 =	vshll.u32 v15, $0x7;
	v25 =	vor.u32 v9, v12;
	v24 =	vld [tilespmem:s0+$0xFFFFFFD0]  }
0xe1: {  	v28 =	vor.u32 v8, v11;
	v17 =	vshll.u32 v17, $0x7;
	v27 =	vor.u32 v1, v15;
	v20 =	vld.idx.msk [tilespmem:v20+s24+$0x0], $0xffff  }
0xe2: {  	v29 =	vor.u32 v1, v17;
	[tilespmem:v26+s25+$0x0] =	vst.idx.add.f32.msk $0xffff, v22  }
0xe3: {  	v26 =	vor.u32 v10, v14;
	v14 =	vshll.u32 v16, $0x7;
	v22 =	vld [tilespmem:s0+$0xFFFFFF70]  }
0xe4: {  	v31 =	vor.u32 v9, v13;
	v16 =	vor.u32 v1, v14;
	v30 =	vld [tilespmem:s0+$0x60]  }
0xe5: {  	[tilespmem:v25+s25+$0x0] =	vst.idx.add.f32.msk $0xffff, v19  }
0xe6: {  	[tilespmem:v28+s25+$0x0] =	vst.idx.add.f32.msk $0xffff, v24  }
0xe7: {  	v19 =	vshll.u32 v20, $0x7;
	v24 =	vor.u32 v9, v11;
	v20 =	vld [tilespmem:s0+$0xFFFFFFE0]  }
0xe8: {  	v25 =	vor.u32 v4, v17;
	[tilespmem:v26+s25+$0x0] =	vst.idx.add.f32.msk $0xffff, v22  }
0xe9: {  	[tilespmem:v31+s25+$0x0] =	vst.idx.add.f32.msk $0xffff, v30  }
0xea: {  	v22 =	vld [tilespmem:s0+$0x70]  }
0xeb: {  	v28 =	vor.u32 v1, v19;
	v26 =	vor.u32 v4, v15;
	v30 =	vld [tilespmem:s0+$0xF0]  }
0xec: {  	[tilespmem:v24+s25+$0x0] =	vst.idx.add.f32.msk $0xffff, v20;
	v20 =	vor.u32 v10, v12;
	v12 =	vmov v17  }
0xed: {  	[tilespmem:v29+s25+$0x0] =	vst.idx.add.f32.msk $0xffff, v18  }
0xee: {  	v17 =	vld [tilespmem:s2+$0x0]  }
0xef: {  	v18 =	vor.u32 v4, v14;
	v24 =	vld [tilespmem:s2+$0x90]  }
0xf0: {  	[tilespmem:v27+s25+$0x0] =	vst.idx.add.f32.msk $0xffff, v23  }
0xf1: {  	[tilespmem:v20+s25+$0x0] =	vst.idx.add.f32.msk $0xffff, v30  }
0xf2: {  	v20 =	vld [tilespmem:s2+$0xFFFFFF90]  }
0xf3: {  	[tilespmem:v16+s25+$0x0] =	vst.idx.add.f32.msk $0xffff, v21;
	v16 =	vor.u32 v4, v19;
	v21 =	vor.u32 v10, v13;
	v13 =	vmov v19  }
0xf4: {  	v19 =	vld [tilespmem:s0+$0xFFFFFFF0];
	s0 =	smov.u32 s2  }
0xf5: {  	[tilespmem:v28+s25+$0x0] =	vst.idx.add.f32.msk $0xffff, v17  }
0xf6: {  	v23 =	vor.u32 v10, v11;
	v11 =	vmov v15;
	v17 =	vld [tilespmem:s2+$0x10]  }
0xf7: {  	v15 =	vld [tilespmem:s2+$0xFFFFFF10]  }
0xf8: {  	[tilespmem:v21+s25+$0x0] =	vst.idx.add.f32.msk $0xffff, v22  }
0xf9: {  	[tilespmem:v25+s25+$0x0] =	vst.idx.add.f32.msk $0xffff, v24  }
0xfa: {  	v21 =	vld [tilespmem:s2+$0xA0]  }
0xfb: {  	[tilespmem:v23+s25+$0x0] =	vst.idx.add.f32.msk $0xffff, v19  }
0xfc: {  	[tilespmem:v18+s25+$0x0] =	vst.idx.add.f32.msk $0xffff, v15  }
0xfd: {  	v18 =	vor.u32 v5, v12;
	v15 =	vld [tilespmem:s2+$0xFFFFFF20]  }
0xfe: {  	[tilespmem:v16+s25+$0x0] =	vst.idx.add.f32.msk $0xffff, v17  }
0xff: {  	v16 =	vor.u32 v5, v14;
	[tilespmem:v26+s25+$0x0] =	vst.idx.add.f32.msk $0xffff, v20  }
0x100: {  	v17 =	vld [tilespmem:s2+$0x20]  }
0x101: {  	v20 =	vor.u32 v5, v11;
	v19 =	vld [tilespmem:s2+$0xFFFFFFA0]  }
0x102: {  	v22 =	vor.u32 v5, v13;
	[tilespmem:v18+s25+$0x0] =	vst.idx.add.f32.msk $0xffff, v21  }
0x103: {  	v18 =	vld [tilespmem:s2+$0xB0]  }
0x104: {  	[tilespmem:v16+s25+$0x0] =	vst.idx.add.f32.msk $0xffff, v15;
	v15 =	vor.u32 v6, v12  }
0x105: {  	v16 =	vld [tilespmem:s2+$0xFFFFFF30]  }
0x106: {  	v21 =	vor.u32 v6, v14;
	[tilespmem:v20+s25+$0x0] =	vst.idx.add.f32.msk $0xffff, v19  }
0x107: {  	[tilespmem:v22+s25+$0x0] =	vst.idx.add.f32.msk $0xffff, v17  }
0x108: {  	v17 =	vld [tilespmem:s2+$0x30]  }
0x109: {  	v19 =	vor.u32 v6, v13;
	[tilespmem:v15+s25+$0x0] =	vst.idx.add.f32.msk $0xffff, v18  }
0x10a: {  	v22 =	vor.u32 v6, v11;
	v20 =	vld [tilespmem:s2+$0xFFFFFFB0]  }
.Ltmp10:
0x10b: {  	[tilespmem:v21+s25+$0x0] =	vst.idx.add.f32.msk $0xffff, v16;
	(pc) =	sbr.rel @p0 .LBB2_11-.Ltmp10, $4  }
0x10c: {  	v16 =	vld [tilespmem:s2+$0xFFFFFF40]  }
0x10d: {  	v18 =	vor.u32 v7, v14;
	v15 =	vld [tilespmem:s2+$0xC0]  }
0x10e: {  	[tilespmem:v19+s25+$0x0] =	vst.idx.add.f32.msk $0xffff, v17;
	v17 =	vor.u32 v7, v12  }
0x10f: {  	s7 =	smov.u32 s8;
	[tilespmem:v22+s25+$0x0] =	vst.idx.add.f32.msk $0xffff, v20  }
0x110: {  	_ =	sdelay $0x1  }
0x111: {  	v19 =	vld [tilespmem:s0+$0x40]  }
0x112: {  	v20 =	vor.u32 v7, v13;
	v49 =	vld [tilespmem:s0+$0xFFFFFFC0]  }
0x113: {  	v50 =	vor.u32 v7, v11;
	[tilespmem:v18+s25+$0x0] =	vst.idx.add.f32.msk $0xffff, v16  }
0x114: {  	[tilespmem:v17+s25+$0x0] =	vst.idx.add.f32.msk $0xffff, v15  }
0x115: {  	v47 =	vld [tilespmem:s0+$0xFFFFFF50]  }
0x116: {  	v48 =	vor.u32 v8, v14;
	v21 =	vld [tilespmem:s0+$0xD0]  }
0x117: {  	[tilespmem:v20+s25+$0x0] =	vst.idx.add.f32.msk $0xffff, v19  }
0x118: {  	v22 =	vor.u32 v8, v12;
	[tilespmem:v50+s25+$0x0] =	vst.idx.add.f32.msk $0xffff, v49  }
0x119: {  	v19 =	vld [tilespmem:s0+$0x50]  }
0x11a: {  	v51 =	vor.u32 v8, v13;
	v17 =	vld [tilespmem:s0+$0xFFFFFFD0]  }
0x11b: {  	v53 =	vor.u32 v8, v11;
	[tilespmem:v48+s25+$0x0] =	vst.idx.add.f32.msk $0xffff, v47  }
0x11c: {  	v15 =	vld [tilespmem:s0+$0xFFFFFF60]  }
0x11d: {  	[tilespmem:v22+s25+$0x0] =	vst.idx.add.f32.msk $0xffff, v21  }
0x11e: {  	v52 =	vor.u32 v9, v14;
	v54 =	vld [tilespmem:s0+$0xE0]  }
0x11f: {  	[tilespmem:v51+s25+$0x0] =	vst.idx.add.f32.msk $0xffff, v19  }
0x120: {  	v55 =	vor.u32 v9, v12;
	[tilespmem:v53+s25+$0x0] =	vst.idx.add.f32.msk $0xffff, v17  }
0x121: {  	v56 =	vld [tilespmem:s0+$0x60]  }
0x122: {  	v57 =	vor.u32 v9, v13;
	v17 =	vld [tilespmem:s0+$0xFFFFFFE0]  }
0x123: {  	v59 =	vor.u32 v9, v11;
	[tilespmem:v52+s25+$0x0] =	vst.idx.add.f32.msk $0xffff, v15  }
0x124: {  	v58 =	vld [tilespmem:s0+$0xFFFFFF70]  }
0x125: {  	[tilespmem:v55+s25+$0x0] =	vst.idx.add.f32.msk $0xffff, v54  }
0x126: {  	v61 =	vld [tilespmem:s0+$0xF0]  }
0x127: {  	v60 =	vor.u32 v10, v14;
	[tilespmem:v57+s25+$0x0] =	vst.idx.add.f32.msk $0xffff, v56  }
0x128: {  	v62 =	vor.u32 v10, v12;
	[tilespmem:v59+s25+$0x0] =	vst.idx.add.f32.msk $0xffff, v17  }
0x129: {  	v63 =	vor.u32 v10, v13;
	s31 =	sadd.s32 $0x1, s31;
	v15 =	vld [tilespmem:s0+$0x70]  }
0x12a: {  	v11 =	vor.u32 v10, v11;
	p0 =	sne.s32 s31, s30;
	v17 =	vld [tilespmem:s0+$0xFFFFFFF0]  }
.Ltmp11:
0x12b: {  	_ = 	snop;
	(pc) =	sbr.rel @p0 .LBB2_10-.Ltmp11, $4  }
.Ltmp12:
0x12c: {  	[tilespmem:v60+s25+$0x0] =	vst.idx.add.f32.msk $0xffff, v58;
	(pc) =	sbr.rel @!p0 .LBB2_13-.Ltmp12, $4  }
0x12d: {  	[tilespmem:v62+s25+$0x0] =	vst.idx.add.f32.msk $0xffff, v61  }
0x12e: {  	[tilespmem:v63+s25+$0x0] =	vst.idx.add.f32.msk $0xffff, v15  }
0x12f: {  	[tilespmem:v11+s25+$0x0] =	vst.idx.add.f32.msk $0xffff, v17  }
0x130: {  	_ = 	snop  }
.LBB2_15:
0x131: {  	_ =	sfence.sel $0x180000  }
0x132: {  	[bflag:$0x0] =	sbarrier.arrive $0xFFFF  }
0x133: {  	_ =	strace $0x9000004A  }
0x134: {  	s0 =	stileid.u32;
	[bflag:$0x2] =	sbarrier.arrive $0xFFFF  }
0x135: {  	p0 =	sne.s32 s0, $0x0;
	s0 =	rddreg [dreg:$0x1]  }
0x136: {  	s0 =	sadd.s32 @!p0 $0x100000, s0  }
0x137: {  	[sflag:s0] =	ssyncadd.tile.s32 @!p0 $0x1;
	_ =	shalt  }
.Lfunc_end2:
_tile_overlayer_lowered:
.L_overlay_start_2:
0x138: {  	(tag) =	ssettag $0x2  }
0x139: {  	s0 =	rddreg [dreg:$0x0];
	s2 =	stileid.u32  }
0x13a: {  	s1 =	rddreg [dreg:$0x1];
	p0 =	sne.s32 s2, $0x0  }
0x13b: {  	s3 =	rddreg [dreg:$0x2];
	[bflag:$0x3] =	sbarrier.arrive $0xFFFF;
	s2 =	simm.s32 @!p0 $0x1C05  }
0x13c: {  	[timem:s3], [sflag:s2] =	dma.local @!p0 [hbm:s0], s1  }
0x13d: {  	s0 =	simm.s32 @!p0 $0x5  }
0x13e: {  	_ =	swait.ge @!p0 [sflag:s0], s1  }
0x13f: {  	s1 =	ssub.s32 @!p0 $0x0, s1;
	[sflag:s0] =	ssyncset.done @!p0 $0x0  }
0x140: {  	[sflag:s0] =	ssyncadd.s32 @!p0 s1  }
0x141: {  	[bflag:$0x3] =	sbarrier.arrive $0xFFFF  }
0x142: {  	_ =	shalt  }

// kernel: kernel.14.cloned.1.call-start
scs
__scs_entry_jumppad:
0x0: {  	(pc) =	sbr.rel $0x88, $3  }
0x1: {  	(tag) =	ssettag $0x0;
	lr =	simm.s32 $0x1  }
0x2: {  	[smem:$0x3F93] =	sst lr;
	_ =	strace $0xD0000000  }
0x3: {  	_ = 	snop  }
0x4: {  	_ = 	snop  }
0x5: {  	_ = 	snop  }
0x6: {  	_ = 	snop  }
0x7: {  	_ = 	snop  }
__scs_overlays_trampoline_lowered:
0x8: {  	[smem:$0x3FA2] =	sst s0  }
0x9: {  	[smem:$0x3FA3] =	sst s1  }
0xa: {  	[smem:$0x3FA4] =	sst s2  }
0xb: {  	[smem:$0x3FA5] =	sst s3  }
0xc: {  	[smem:$0x3FA6] =	sst s4  }
0xd: {  	[smem:$0x3FA7] =	sst s5  }
0xe: {  	[smem:$0x3FA8] =	sst s6  }
0xf: {  	[smem:$0x3FA9] =	sst s7  }
0x10: {  	[smem:$0x3FAA] =	sst s8  }
0x11: {  	[smem:$0x3FAB] =	sst s9;
	s0 =	simm.s32 @!p0 $0x0  }
0x12: {  	s1 =	sld [smem:$0x3F91];
	s0 =	simm.s32 @p0 $0x1  }
0x13: {  	[smem:$0x3FAC] =	sst s0;
	s0 =	simm.s32 @!p1 $0x0  }
0x14: {  	s2 =	sld [smem:$0x3F90];
	s0 =	simm.s32 @p1 $0x1  }
0x15: {  	[smem:$0x3FAD] =	sst s0;
	s0 =	simm.s32 @!p2 $0x0  }
0x16: {  	s3 =	sld [smem:$0x3FDB];
	s0 =	simm.s32 @p2 $0x1  }
0x17: {  	s4 =	simm.s32 $0x1BF5;
	[smem:$0x3FAF] =	sst s0  }
0x18: {  	s0 =	sld [smem:$0x3F92];
	_ =	swait.ge [sflag:s4], $0x0  }
0x19: {  	s7 =	sld [smem:$0x3F93]  }
0x1a: {  	s8 =	sadd.s32 $0xFFFFE003, lr  }
0x1b: {  	s9 =	sadd.s32 $0xFFFFFEF7, lr;
	s5 =	simm.s32 $0xFFFFFFFF;
	p2 =	slt.u32 s8, $0xFFFFF086  }
0x1c: {  	p1 =	slt.u32 s9, $0xF7A;
	s5 =	simm.s32 @!p2 $0x0  }
0x1d: {  	s5 =	simm.s32 @p1 $0x1;
	p0 =	seq.s32 s7, s2  }
0x1e: {  	s7 =	smul.u32 @!p0 $0xF7A, s2;
	p2 =	seq.s32 @!p0 s5, $0x0  }
0x1f: {  	s9 =	smul.u32 $0xF7A, s1;
	s8 =	simm.s32 @!p0 $0x1BF5;
	p2 =	por !p2, p0  }
0x20: {  	[sflag:s8] =	ssyncset.s32 @!p0 $0xFFFFF086;
	s6 =	sadd.s32 @!p0 s3, s7;
	s7 =	simm.s32 @!p0 $0x108  }
0x21: {  	s3 =	sadd.s32 s3, s9;
	s6 =	sadd.s32 @!p0 $0x88, s6;
	s7 =	simm.s32 @p2 $0x1082  }
0x22: {  	[simem:s7], [sflag:s8] =	dma.local @!p0 [hbm:s6], $0xF7A  }
0x23: {  	s9 =	sor.u32 $0xD0000000, s2;
	s6 =	simm.s32 $0x108;
	_ =	swait.ge @!p0 [sflag:s8], $0x0  }
0x24: {  	s3 =	sadd.s32 $0x88, s3;
	s6 =	simm.s32 @!p1 $0x1082;
	[sflag:s4] =	ssyncset.s32 $0xFFFFF086  }
0x25: {  	[simem:s6], [sflag:s4] =	dma.local [hbm:s3], $0xF7A  }
0x26: {  	[smem:$0x3F93] =	sst s1;
	(tag) =	ssettag s2;
	_ =	strace s9  }
0x27: {  	s1 =	sld [smem:$0x3FA3]  }
0x28: {  	s2 =	sld [smem:$0x3FA4]  }
0x29: {  	s4 =	sld [smem:$0x3FA6]  }
0x2a: {  	p0 =	seq.s32 s5, $0x0;
	s5 =	sld [smem:$0x3FA7]  }
0x2b: {  	s6 =	sld [smem:$0x3FA8]  }
0x2c: {  	s7 =	sld [smem:$0x3FA9]  }
0x2d: {  	s3 =	simm.s32 $0x108;
	s8 =	sld [smem:$0x3FAA]  }
0x2e: {  	s3 =	simm.s32 @!p0 $0x1082;
	s9 =	sld [smem:$0x3FAB]  }
0x2f: {  	lr =	sadd.s32 s0, s3;
	s0 =	sld [smem:$0x3FA2]  }
0x30: {  	s3 =	sld [smem:$0x3FA5]  }
0x31: {  	[smem:$0x3FAE] =	sst s10  }
0x32: {  	s10 =	sld [smem:$0x3FAC];
	_ =	sdelay $0x3  }
0x33: {  	p0 =	seq.s32 s10, $0x1;
	s10 =	sld [smem:$0x3FAE];
	_ =	sdelay $0x3  }
0x34: {  	[smem:$0x3FAE] =	sst s10  }
0x35: {  	s10 =	sld [smem:$0x3FAD];
	_ =	sdelay $0x3  }
0x36: {  	p1 =	seq.s32 s10, $0x1;
	s10 =	sld [smem:$0x3FAE];
	_ =	sdelay $0x3  }
0x37: {  	[smem:$0x3FAE] =	sst s10  }
0x38: {  	s10 =	sld [smem:$0x3FAF]  }
0x39: {  	_ = 	snop;
	(pc) =	sbr.ind lr, $3  }
0x3a: {  	_ = 	snop  }
0x3b: {  	_ = 	snop  }
0x3c: {  	p2 =	seq.s32 s10, $0x1;
	s10 =	sld [smem:$0x3FAE]  }
0x3d: {  	_ =	shalt  }
0x3e: {  	_ =	shalt  }
0x3f: {  	_ =	shalt  }
0x40: {  	_ =	shalt  }
0x41: {  	_ =	shalt  }
0x42: {  	_ =	shalt  }
0x43: {  	_ =	shalt  }
0x44: {  	_ =	shalt  }
0x45: {  	_ =	shalt  }
0x46: {  	_ =	shalt  }
0x47: {  	_ =	shalt  }
0x48: {  	_ =	shalt  }
0x49: {  	_ =	shalt  }
0x4a: {  	_ =	shalt  }
0x4b: {  	_ =	shalt  }
0x4c: {  	_ =	shalt  }
0x4d: {  	_ =	shalt  }
0x4e: {  	_ =	shalt  }
0x4f: {  	_ =	shalt  }
0x50: {  	_ =	shalt  }
0x51: {  	_ =	shalt  }
0x52: {  	_ =	shalt  }
0x53: {  	_ =	shalt  }
0x54: {  	_ =	shalt  }
0x55: {  	_ =	shalt  }
0x56: {  	_ =	shalt  }
0x57: {  	_ =	shalt  }
0x58: {  	_ =	shalt  }
0x59: {  	_ =	shalt  }
0x5a: {  	_ =	shalt  }
0x5b: {  	_ =	shalt  }
0x5c: {  	_ =	shalt  }
0x5d: {  	_ =	shalt  }
0x5e: {  	_ =	shalt  }
0x5f: {  	_ =	shalt  }
0x60: {  	_ =	shalt  }
0x61: {  	_ =	shalt  }
0x62: {  	_ =	shalt  }
0x63: {  	_ =	shalt  }
0x64: {  	_ =	shalt  }
0x65: {  	_ =	shalt  }
0x66: {  	_ =	shalt  }
0x67: {  	_ =	shalt  }
0x68: {  	_ =	shalt  }
0x69: {  	_ =	shalt  }
0x6a: {  	_ =	shalt  }
0x6b: {  	_ =	shalt  }
0x6c: {  	_ =	shalt  }
0x6d: {  	_ =	shalt  }
0x6e: {  	_ =	shalt  }
0x6f: {  	_ =	shalt  }
0x70: {  	_ =	shalt  }
0x71: {  	_ =	shalt  }
0x72: {  	_ =	shalt  }
0x73: {  	_ =	shalt  }
0x74: {  	_ =	shalt  }
0x75: {  	_ =	shalt  }
0x76: {  	_ =	shalt  }
0x77: {  	_ =	shalt  }
0x78: {  	_ =	shalt  }
0x79: {  	_ =	shalt  }
0x7a: {  	_ =	shalt  }
0x7b: {  	_ =	shalt  }
0x7c: {  	_ =	shalt  }
0x7d: {  	_ =	shalt  }
0x7e: {  	_ =	shalt  }
0x7f: {  	_ =	shalt  }
0x80: {  	_ =	shalt  }
0x81: {  	_ =	shalt  }
0x82: {  	_ =	shalt  }
0x83: {  	_ =	shalt  }
0x84: {  	_ =	shalt  }
0x85: {  	_ =	shalt  }
0x86: {  	_ =	shalt  }
0x87: {  	_ =	shalt  }
.Lfunc_end0:
.L_simem_size_0:
called_computation.2_lowered:
.L_overlay_start_0:
0x88: {  	s2 =	sld [smem:$0x3FD9]  }
0x89: {  	s3 =	sld [smem:$0x3FFE];
	_ =	sdelay $0x1  }
0x8a: {  	s1 =	srdreg.scid  }
0x8b: {  	s0 =	sand.u32 $0x1, s1  }
0x8c: {  	s16 =	sshll.u32 s0, $0xA;
	s2 =	sadd.s32 s3, s2  }
0x8d: {  	s2 =	sadd.s32 s2, s16  }
0x8e: {  	[smem:$0x3FBA] =	sst s2  }
0x8f: {  	_ = 	snop  }
0x90: {  	(tm) =	ssettm $0x1  }
0x91: {  	s17 =	sld [smem:$0x3FFB];
	_ =	sdelay $0x3  }
0x92: {  	_ =	strace s17  }
0x93: {  	s2 =	sld [smem:$0x3FFC];
	_ =	sdelay $0x3  }
0x94: {  	_ =	strace s2  }
0x95: {  	s2 =	sld [smem:$0x3FFD];
	_ =	sdelay $0x3  }
0x96: {  	_ =	strace s2  }
0x97: {  	_ =	strace $0x8FFFFFFF  }
0x98: {  	s18 =	sld [smem:$0x3FDB];
	_ =	sdelay $0x1  }
0x99: {  	s19 =	simm.s32 $_scs_section_size  }
0x9a: {  	s4 =	simm.s32 $_size__tile_overlayer_lowered;
	s5 =	simm.s32 $_tile_overlayer_lowered  }
0x9b: {  	s22 =	simm.s32 $0x1BFF;
	s21 =	sshll.u32 s5, $0x1;
	s2 =	sadd.s32 s19, s18  }
0x9c: {  	s6 =	simm.s32 $0x0;
	s20 =	sshll.u32 s4, $0x1;
	s4 =	sadd.s32 s21, s2  }
0x9d: {  	[timem:s6], [sflag:s22] =	dma.local [hbm:s4], s20  }
0x9e: {  	_ =	swait.ge [sflag:s22], s20  }
0x9f: {  	s3 =	ssub.s32 $0x0, s20;
	[sflag:s22] =	ssyncset.done $0x0  }
0xa0: {  	[sflag:s22] =	ssyncadd.s32 s3;
	_ =	sdelay $0x1  }
0xa1: {  	s23 =	simm.s32 $0x1B8B  }
0xa2: {  	_ =	swait.ge [sflag:s23], $0x1  }
0xa3: {  	[sflag:s23] =	ssyncset.done $0x0  }
0xa4: {  	s25 =	simm.s32 $0x1B8E;
	s24 =	sld [smem:$0x3FFE];
	[sflag:s23] =	ssyncadd.s32 $0xFFFFFFFF  }
0xa5: {  	s26 =	simm.s32 $execute0_lowered;
	[smem:$0x3FD2] =	sst s25  }
0xa6: {  	s4 =	sshll.u32 s26, $0x1;
	_ =	strace $0x8000004C;
	[dreg:$0x1] =	wrdreg $0xFFFFFFFF  }
0xa7: {  	s28 =	simm.s32 $_size_execute0_lowered;
	s2 =	sadd.s32 s2, s4;
	[dreg:$0x0] =	wrdreg $0x0  }
0xa8: {  	s4 =	sshll.u32 s28, $0x1;
	[dreg:$0x2] =	wrdreg s2  }
0xa9: {  	[dreg:$0x3] =	wrdreg s4  }
0xaa: {  	[dreg:$0x4] =	wrdreg $0xC0  }
0xab: {  	_ =	task [dreg:s6], $0x5FFFF  }
0xac: {  	[dreg:$0x1] =	wrdreg $0xFFFFFFFF  }
0xad: {  	[dreg:$0x0] =	wrdreg $0x60  }
0xae: {  	[dreg:$0x2] =	wrdreg s24  }
0xaf: {  	[dreg:$0x3] =	wrdreg $0x9  }
0xb0: {  	_ =	task.clear_ibuf [dreg:s6], $0x4FFFF;
	_ =	strace $0x9000004C  }
0xb1: {  	s29 =	simm.s32 $0x9;
	_ =	strace $0x8000004E  }
0xb2: {  	_ =	swait.ge [sflag:s29], $0x1  }
0xb3: {  	[sflag:s29] =	ssyncadd.s32 $0xFFFFFFFF  }
0xb4: {  	_ =	strace $0x9000004E  }
0xb5: {  	_ =	sfence  }
0xb6: {  	s30 =	sld [smem:$0x0];
	_ =	sdelay $0x2  }
0xb7: {  	s31 =	sshll.u32 s1, $0xD;
	s1 =	sshrl.u32 s1, $0x2  }
0xb8: {  	s3 =	sand.u32 $0x4000, s31;
	s1 =	sadd.s32 s1, s30  }
0xb9: {  	s0 =	sor.u32 s3, s0;
	s1 =	sshll.u32 s1, $0x11  }
0xba: {  	s0 =	sor.u32 s1, s0  }
0xbb: {  	s0 =	sadd.s32 $0x8F2B, s0  }
0xbc: {  	[sflag:s0] =	ssyncadd.remote.s32 $0x1  }
0xbd: {  	_ =	sfence.sel $0xFFFF  }
0xbe: {  	[dreg:$0x0] =	wrdreg $0xFFFFFFFF;
	(pc) =	sbr.abs _section_cstart, $3  }
0xbf: {  	[dreg:$0x1] =	wrdreg $0xFFFFFFFF  }
0xc0: {  	_ =	task.clear_ibuf [dreg:s6], $0x2FFFF;
	_ =	strace $0x9FFFFFFF  }
0xc1: {  	(tm) =	ssettm $0x7FFFFFFF  }
tec
execute0_lowered:
.L_overlay_start_1:
0x0: {  	(tag) =	ssettag $0x1  }
0x1: {  	s0 =	rddreg [dreg:$0x0];
	s1 =	srdreg.scid  }
0x2: {  	s3 =	simm.s32 $0x0;
	s4 =	stileid.u32;
	s9 =	simm.s32 $0x5  }
0x3: {  	s11 =	simm.s32 $0x1;
	s12 =	simm.s32 $0x20;
	s13 =	simm.s32 $0x4100  }
0x4: {  	s14 =	simm.s32 $0x4180;
	s15 =	simm.s32 $0x4120;
	s16 =	simm.s32 $0x5180  }
0x5: {  	s17 =	simm.s32 $0x4140;
	s18 =	simm.s32 $0x6180;
	s19 =	simm.s32 $0x4160  }
0x6: {  	s20 =	simm.s32 $0x7180;
	s21 =	simm.s32 $0x2;
	s22 =	simm.s32 $0x3  }
0x7: {  	s23 =	simm.s32 $0x4;
	s24 =	simm.s32 $0x3080;
	s25 =	simm.s32 $0x8180  }
0x8: {  	s1 =	sand.u32 $0x1, s1;
	[smem:$0x7FF] =	sst s3;
	s5 =	smul.u32 $0x14000, s4  }
0x9: {  	s3 =	sadd.s32 $0x16C00, s0;
	s6 =	sadd.s32 $0x2C00, s0;
	s2 =	smul.u32 $0x140000, s1  }
0xa: {  	s30 =	smul.u32 $0xFFFFFD80, s4;
	_ =	strace $0x8000004D;
	s26 =	ssub.s32 $0x2, s1  }
.Ltmp0:
0xb: {  	s7 =	sshrl.u32 s26, $0x1;
	s2 =	sadd.s32 s5, s2;
	(pc) =	sbr.rel .LBB2_1-.Ltmp0, $4  }
0xc: {  	v1 =	vlaneseq.u32;
	v2 =	vimm.f32 $0.0e+00;
	[dreg:$0x2] =	wrdreg s6;
	s29 =	ssub.s32 s26, s7;
	s2 =	sshrl.u32 s2, $0x3  }
0xd: {  	v3 =	vimm.s32 $0x0;
	v4 =	vor.u32 $0x10, v1;
	v5 =	vor.u32 $0x20, v1;
	s5 =	sadd.s32 $0xCC00, s0;
	s31 =	smax.u32 s29, $0x1;
	s0 =	sadd.s32 s2, s0  }
0xe: {  	s28 =	simm.s32 $0x0;
	v6 =	vor.u32 $0x30, v1;
	v7 =	vor.u32 $0x40, v1;
	v8 =	vor.u32 $0x50, v1;
	[dreg:$0x4] =	wrdreg s31;
	s0 =	sadd.s32 $0x3EC00, s0  }
0xf: {  	v9 =	vor.u32 $0x60, v1;
	v10 =	vor.u32 $0x70, v1;
	s6 =	smul.u32 $0x28000, s1;
	s1 =	simm.s32 $0x0;
	v0 =	vmov s30;
	[dreg:$0x3] =	wrdreg s0  }
.LBB2_14:
0x10: {  	s0 =	simm.s32 $0x0;
	s1 =	rddreg [dreg:$0x3]  }
0x11: {  	[hbm4b:s1+s0] =	stream.linear.scatter [tilespmem:s25], [sflag:$0x5], $0x14000, $0x38;
	[tilespmem:$0x1C580] =	vst v63  }
0x12: {  	_ =	swait.ge [sflag:s9], $0x14000  }
0x13: {  	s30 =	rddreg [dreg:$0x5]  }
0x14: {  	s31 =	rddreg [dreg:$0x4];
	s1 =	sadd.s32 $0x1, s30  }
0x15: {  	p0 =	sne.s32 s1, s31  }
.Ltmp1:
0x16: {  	_ = 	snop;
	(pc) =	sbr.rel @!p0 .LBB2_15-.Ltmp1, $3  }
0x17: {  	_ =	sdelay $0x1  }
0x18: {  	[sflag:s9] =	ssyncset.done $0x0  }
0x19: {  	[sflag:s9] =	ssyncadd.s32 $0xFFFEC000  }
.LBB2_1:
0x1a: {  	[dreg:$0x5] =	wrdreg s1;
	s0 =	simm.s32 $0x0;
	s1 =	simm.s32 $0x200  }
.LBB2_2:
0x1b: {  	p0 =	sne.s32 s1, $0x50E00;
	[tilespmem:s0+$0x81F0] =	vst v2  }
0x1c: {  	[tilespmem:s0+$0x8180] =	vst v2  }
0x1d: {  	[tilespmem:s0+$0x8190] =	vst v2  }
.Ltmp2:
0x1e: {  	[tilespmem:s0+$0x81A0] =	vst v2;
	(pc) =	sbr.rel @p0 .LBB2_2-.Ltmp2, $4  }
0x1f: {  	[tilespmem:s0+$0x81B0] =	vst v2  }
0x20: {  	[tilespmem:s0+$0x81C0] =	vst v2  }
0x21: {  	[tilespmem:s0+$0x81D0] =	vst v2  }
0x22: {  	[tilespmem:s0+$0x81E0] =	vst v2;
	s0 =	sshra.s32 s1, $0x2;
	s1 =	sadd.s32 $0x200, s1  }
0x23: {  	[tilespmem:s0+$0x81F0] =	vst v2  }
0x24: {  	[tilespmem:s0+$0x8180] =	vst v2  }
0x25: {  	[tilespmem:s0+$0x8190] =	vst v2  }
.Ltmp3:
0x26: {  	[tilespmem:s0+$0x81A0] =	vst v2;
	(pc) =	sbr.rel .LBB2_4-.Ltmp3, $4  }
0x27: {  	[tilespmem:s0+$0x81B0] =	vst v2  }
0x28: {  	[tilespmem:s0+$0x81C0] =	vst v2  }
0x29: {  	[tilespmem:s0+$0x81D0] =	vst v2  }
0x2a: {  	[tilespmem:s0+$0x81E0] =	vst v2;
	s29 =	simm.s32 $0x0  }
.LBB2_13:
0x2b: {  	s29 =	sadd.s32 $0x1, s29  }
0x2c: {  	p0 =	sne.s32 s29, $0x28  }
.Ltmp4:
0x2d: {  	_ = 	snop;
	(pc) =	sbr.rel @!p0 .LBB2_14-.Ltmp4, $1  }
0x2e: {  	_ =	sdelay $0x3  }
.LBB2_4:
0x2f: {  	s0 =	sshll.u32 s29, $0xC  }
0x30: {  	s0 =	sadd.s32 s6, s0  }
0x31: {  	s1 =	rddreg [dreg:$0x2];
	s0 =	sshrl.u32 s0, $0x3  }
0x32: {  	s1 =	sadd.s32 s1, s0  }
0x33: {  	[tilespmem:s28], [sflag:$0x5] =	stream.linear.gather [hbm4b:s1+s28], $0x1000, $0x38;
	[tilespmem:$0x1C580] =	vst v63  }
0x34: {  	_ =	swait.ge [sflag:s9], $0x1000  }
0x35: {  	[sflag:s9] =	ssyncset.done $0x0  }
0x36: {  	s30 =	simm.s32 $0x1000;
	s0 =	sadd.s32 s5, s0;
	[sflag:s9] =	ssyncadd.s32 $0xFFFFF000  }
0x37: {  	[tilespmem:s30], [sflag:$0x5] =	stream.linear.gather [hbm4b:s0+s28], $0x1000, $0x38;
	[tilespmem:$0x1C580] =	vst v63  }
0x38: {  	_ =	swait.ge [sflag:s9], $0x1000  }
0x39: {  	[sflag:s9] =	ssyncset.done $0x0  }
0x3a: {  	s31 =	simm.s32 $0x0;
	[sflag:s9] =	ssyncadd.s32 $0xFFFFF000  }
0x3b: {  	v11 =	vld [tilespmem:s31+$0x1000];
	_ =	sdelay $0x4  }
0x3c: {  	v11 =	vadd.s32 v0, v11  }
0x3d: {  	vm0 =	vlt.u32 v11, $0x280  }
0x3e: {  	v12 =	vsel vm0, $0x1, v3  }
0x3f: {  	(xrf0) =	vadd.scan.msk.s32 $0xffff, v12;
	_ =	sdelay $0x1  }
0x40: {  	v63 =	vld [tilespmem:s31+$0x0];
	_ =	sdelay $0x3  }
0x41: {  	v13, _, _ =	vpop (xrf0)  }
0x42: {  	[tilespmem:s28+$0x2000] =	vst.msk vm0, v63;
	(v2sf) =	vpush v13, $0xF  }
0x43: {  	s2 =	simm.s32 $0x80;
	s1 =	simm.s32 $0x0;
	s0 =	simm.s32 $0x10;
	[tilespmem:s28+$0x3080] =	vst.msk vm0, v11  }
.LBB2_5:
0x44: {  	p0 =	sne.s32 s2, $0x3FC0;
	v11 =	vld [tilespmem:s0+$0x1000];
	_ =	sdelay $0x4  }
0x45: {  	v11 =	vadd.s32 v0, v11  }
0x46: {  	vm0 =	vlt.u32 v11, $0x280  }
0x47: {  	v12 =	vsel vm0, $0x1, v3  }
0x48: {  	(xrf0) =	vadd.scan.msk.s32 $0xffff, v12;
	_ =	sdelay $0x1  }
0x49: {  	v12 =	vld [tilespmem:s0+$0x0];
	_ =	sdelay $0x1  }
.Ltmp5:
0x4a: {  	(pc) =	sbr.rel @p0 .LBB2_5-.Ltmp5, $4  }
0x4b: {  	s0 =	spop (v2sf)  }
0x4c: {  	v13, _, _ =	vpop (xrf0);
	s1 =	sadd.s32 s1, s0  }
0x4d: {  	[tilespmem:s1+$0x2000] =	vst.msk vm0, v12;
	(v2sf) =	vpush v13, $0xF  }
0x4e: {  	s0 =	sshra.s32 s2, $0x2;
	s2 =	sadd.s32 $0x40, s2;
	[tilespmem:s1+$0x3080] =	vst.msk vm0, v11  }
0x4f: {  	v11 =	vld [tilespmem:s0+$0x1000];
	_ =	sdelay $0x4  }
0x50: {  	v11 =	vadd.s32 v0, v11  }
0x51: {  	vm0 =	vlt.u32 v11, $0x280  }
0x52: {  	v12 =	vsel vm0, $0x1, v3  }
0x53: {  	(xrf0) =	vadd.scan.msk.s32 $0xffff, v12;
	_ =	sdelay $0x5  }
0x54: {  	v12, _, _ =	vpop (xrf0)  }
0x55: {  	(v2sf) =	vpush v12, $0xF;
	_ =	sdelay $0xd  }
0x56: {  	s2 =	spop (v2sf)  }
0x57: {  	s2 =	sadd.s32 s1, s2;
	s8 =	spop (v2sf)  }
0x58: {  	s1 =	sadd.s32 s2, s8  }
0x59: {  	s30 =	simm.s32 $0x1;
	s7 =	sadd.s32 $0x7F, s1;
	s26 =	sand.u32 $0xF, s1  }
0x5a: {  	s31 =	sshra.s32 s1, $0x1F;
	p5 =	slt.s32 s1, $0x1;
	s8 =	sand.u32 $0x7F, s7  }
0x5b: {  	p0 =	slt.s32 s7, $0x1;
	s10 =	sshra.s32 s7, $0x1F;
	p1 =	sne.s32 s8, $0x0  }
0x5c: {  	v63 =	vld [tilespmem:s0+$0x0];
	p6 =	sne.s32 s26, $0x0;
	s0 =	sshrl.u32 s31, $0x1C;
	p0 =	por !p0, !p1  }
0x5d: {  	s8 =	sshrl.u32 s10, $0x19;
	s0 =	sadd.s32 s0, s1;
	p0 =	por !p0, !p0  }
0x5e: {  	s7 =	sadd.s32 s8, s7;
	s30 =	simm.s32 @!p0 $0x0;
	p0 =	por !p5, !p6  }
0x5f: {  	s8 =	simm.s32 $0x1;
	s7 =	sshra.s32 s7, $0x7;
	p0 =	por !p0, !p0  }
0x60: {  	s0 =	sshra.s32 s0, $0x4;
	s30 =	ssub.s32 s7, s30;
	s8 =	simm.s32 @!p0 $0x0  }
0x61: {  	s7 =	ssub.s32 s0, s8;
	s0 =	sshll.u32 s30, $0x3  }
0x62: {  	p0 =	sge.s32 s7, s0  }
.Ltmp6:
0x63: {  	_ = 	snop;
	(pc) =	sbr.rel @p0 .LBB2_9-.Ltmp6, $3  }
0x64: {  	_ =	sdelay $0x1  }
0x65: {  	[tilespmem:s2+$0x2000] =	vst.msk vm0, v63  }
0x66: {  	[tilespmem:s2+$0x3080] =	vst.msk vm0, v11  }
0x67: {  	s2 =	sshll.u32 s7, $0x6  }
0x68: {  	s2 =	sshra.s32 s2, $0x2  }
0x69: {  	s8 =	sadd.s32 $0x2000, s2  }
0x6a: {  	v11 =	vmov s1;
	s1 =	sadd.s32 $0x3080, s2;
	v12 =	vld [tilespmem:s8+$0x0]  }
0x6b: {  	s2 =	sshll.u32 s7, $0x4;
	s7 =	sadd.s32 $0x1, s7;
	v13 =	vld [tilespmem:s1+$0x0]  }
0x6c: {  	p0 =	slt.s32 s7, s0  }
.Ltmp7:
0x6d: {  	v14 =	vor.u32 s2, v1;
	(pc) =	sbr.rel @!p0 .LBB2_9-.Ltmp7, $4  }
0x6e: {  	vm0 =	vlt.s32 v14, v11  }
0x6f: {  	v12 =	vnsel vm0, $0x2720, v12  }
0x70: {  	v63 =	vnsel vm0, $0x280, v13;
	[tilespmem:s8+$0x0] =	vst v12  }
0x71: {  	s31 =	sadd.s32 $0x10, s8;
	[tilespmem:s1+$0x0] =	vst v63  }
.LBB2_8:
0x72: {  	v12 =	vld [tilespmem:s31+$0x0];
	s1 =	sadd.s32 $0x10, s1  }
0x73: {  	s7 =	sadd.s32 $0x1, s7;
	v13 =	vld [tilespmem:s1+$0x0]  }
0x74: {  	s2 =	sadd.s32 $0x10, s2;
	p0 =	slt.s32 s7, s0  }
.Ltmp8:
0x75: {  	v14 =	vor.u32 s2, v1;
	(pc) =	sbr.rel @p0 .LBB2_8-.Ltmp8, $4  }
0x76: {  	vm0 =	vlt.s32 v14, v11  }
0x77: {  	v12 =	vnsel vm0, $0x2720, v12  }
0x78: {  	[tilespmem:s31+$0x0] =	vst v12;
	v12 =	vnsel vm0, $0x280, v13  }
0x79: {  	s31 =	sadd.s32 $0x10, s31;
	[tilespmem:s1+$0x0] =	vst v12  }
.LBB2_9:
0x7a: {  	p0 =	sgt.s32 s30, $0x0  }
.Ltmp9:
0x7b: {  	_ = 	snop;
	(pc) =	sbr.rel @!p0 .LBB2_13-.Ltmp9, $2  }
0x7c: {  	_ =	sdelay $0x2  }
0x7d: {  	s31 =	simm.s32 $0x0  }
.LBB2_10:
0x7e: {  	s0 =	sshll.u32 s31, $0x9  }
0x7f: {  	s0 =	sshra.s32 s0, $0x2  }
0x80: {  	v11 =	vld [tilespmem:s0+$0x2000];
	_ =	sdelay $0x4  }
0x81: {  	[tilespmem:$0x4100] =	vst v11  }
0x82: {  	v11 =	vld [tilespmem:s0+$0x2010];
	_ =	sdelay $0x4  }
0x83: {  	[tilespmem:$0x4110] =	vst v11  }
0x84: {  	v11 =	vld [tilespmem:s0+$0x2020];
	_ =	sdelay $0x4  }
0x85: {  	[tilespmem:$0x4120] =	vst v11  }
0x86: {  	v11 =	vld [tilespmem:s0+$0x2030];
	_ =	sdelay $0x4  }
0x87: {  	[tilespmem:$0x4130] =	vst v11  }
0x88: {  	v11 =	vld [tilespmem:s0+$0x2040];
	_ =	sdelay $0x4  }
0x89: {  	[tilespmem:$0x4140] =	vst v11  }
0x8a: {  	v11 =	vld [tilespmem:s0+$0x2050];
	_ =	sdelay $0x4  }
0x8b: {  	[tilespmem:$0x4150] =	vst v11  }
0x8c: {  	v11 =	vld [tilespmem:s0+$0x2060];
	_ =	sdelay $0x4  }
0x8d: {  	[tilespmem:$0x4160] =	vst v11  }
0x8e: {  	v11 =	vld [tilespmem:s0+$0x2070];
	_ =	sdelay $0x4  }
0x8f: {  	[tilespmem:$0x4170] =	vst v11  }
0x90: {  	[tilespmem:s14], [sflag:$0x1] =	stream.indirect.gather [hbm4b:s3+s12], $0x80, s13, s12, $0xb8;
	[tilespmem:$0x1C580] =	vst v63  }
0x91: {  	_ = 	snop  }
0x92: {  	[tilespmem:s16], [sflag:$0x2] =	stream.indirect.gather [hbm4b:s3+s12], $0x80, s15, s12, $0xb8;
	[tilespmem:$0x1C580] =	vst v63  }
0x93: {  	_ = 	snop  }
0x94: {  	[tilespmem:s18], [sflag:$0x3] =	stream.indirect.gather [hbm4b:s3+s12], $0x80, s17, s12, $0xb8;
	[tilespmem:$0x1C580] =	vst v63  }
0x95: {  	_ = 	snop  }
0x96: {  	[tilespmem:s20], [sflag:$0x4] =	stream.indirect.gather [hbm4b:s3+s12], $0x80, s19, s12, $0xb8;
	[tilespmem:$0x1C580] =	vst v63  }
0x97: {  	_ =	swait.ge [sflag:s11], $0x1000  }
0x98: {  	[sflag:s11] =	ssyncset.done $0x0  }
0x99: {  	[sflag:s11] =	ssyncadd.s32 $0xFFFFF000  }
0x9a: {  	s1 =	sshll.u32 s31, $0x7;
	_ =	swait.ge [sflag:s21], $0x1000  }
0x9b: {  	s26 =	sadd.s32 $0x0, s1;
	[sflag:s21] =	ssyncset.done $0x0  }
0x9c: {  	s2 =	sadd.s32 $0x1, s26;
	[sflag:s21] =	ssyncadd.s32 $0xFFFFF000  }
0x9d: {  	s7 =	sadd.s32 $0x3, s26;
	v11 =	vmov s2;
	_ =	swait.ge [sflag:s22], $0x1000  }
0x9e: {  	v13 =	vmov s26;
	v12 =	vmov s7;
	v11 =	vand.u32 $0xFFFFFFFD, v11;
	[sflag:s22] =	ssyncset.done $0x0  }
0x9f: {  	v13 =	vand.u32 $0xFFFFFFFC, v13;
	v11 =	vbroadcast v11, $0x0;
	[sflag:s22] =	ssyncadd.s32 $0xFFFFF000  }
0xa0: {  	v13 =	vbroadcast v13, $0x0;
	_ =	swait.ge [sflag:s23], $0x1000  }
0xa1: {  	s0 =	sadd.s32 $0x2, s26;
	[sflag:s23] =	ssyncset.done $0x0  }
0xa2: {  	v14 =	vmov s0;
	[sflag:s23] =	ssyncadd.s32 $0xFFFFF000  }
0xa3: {  	v14 =	vand.u32 $0xFFFFFFFE, v14;
	v12 =	vld.idx.msk [tilespmem:v12+s24+$0x0], $0xffff  }
0xa4: {  	v14 =	vbroadcast v14, $0x0  }
0xa5: {  	v11 =	vld.idx.msk [tilespmem:v11+s24+$0x0], $0xffff  }
0xa6: {  	v13 =	vld.idx.msk [tilespmem:v13+s24+$0x0], $0xffff;
	_ =	sdelay $0x1  }
0xa7: {  	s0 =	simm.s32 $0x4280;
	v12 =	vshll.u32 v12, $0x7  }
0xa8: {  	v15 =	vld [tilespmem:s0+$0x80];
	v16 =	vor.u32 v1, v12  }
0xa9: {  	v17 =	vld.idx.msk [tilespmem:v14+s24+$0x0], $0xffff;
	v11 =	vshll.u32 v11, $0x7  }
0xaa: {  	v18 =	vld [tilespmem:s0+$0xFFFFFF80];
	v14 =	vshll.u32 v13, $0x7;
	v19 =	vor.u32 v1, v11  }
0xab: {  	v20 =	vld [tilespmem:s0+$0xFFFFFF00];
	v21 =	vor.u32 v1, v14;
	_ =	sdelay $0x1  }
0xac: {  	[tilespmem:v16+s25+$0x0] =	vst.idx.add.f32.msk $0xffff, v15  }
0xad: {  	v13 =	vshll.u32 v17, $0x7;
	v15 =	vld [tilespmem:s0+$0x0]  }
0xae: {  	v16 =	vor.u32 v1, v13;
	[tilespmem:v19+s25+$0x0] =	vst.idx.add.f32.msk $0xffff, v18  }
0xaf: {  	[tilespmem:v21+s25+$0x0] =	vst.idx.add.f32.msk $0xffff, v20  }
0xb0: {  	v18 =	vor.u32 v4, v12;
	v17 =	vld [tilespmem:s0+$0x90]  }
0xb1: {  	v20 =	vor.u32 v4, v14;
	v21 =	vld [tilespmem:s0+$0xFFFFFF10]  }
0xb2: {  	v22 =	vor.u32 v4, v11;
	v19 =	vld [tilespmem:s0+$0xFFFFFF90]  }
0xb3: {  	[tilespmem:v16+s25+$0x0] =	vst.idx.add.f32.msk $0xffff, v15  }
0xb4: {  	v16 =	vld [tilespmem:s0+$0x10]  }
0xb5: {  	[tilespmem:v18+s25+$0x0] =	vst.idx.add.f32.msk $0xffff, v17  }
0xb6: {  	v15 =	vor.u32 v4, v13;
	[tilespmem:v20+s25+$0x0] =	vst.idx.add.f32.msk $0xffff, v21  }
0xb7: {  	[tilespmem:v22+s25+$0x0] =	vst.idx.add.f32.msk $0xffff, v19  }
0xb8: {  	v20 =	vor.u32 v5, v12;
	v17 =	vld [tilespmem:s0+$0xA0]  }
0xb9: {  	v60 =	vor.u32 v5, v11;
	v19 =	vld [tilespmem:s0+$0xFFFFFFA0]  }
0xba: {  	v18 =	vld [tilespmem:s0+$0xFFFFFF20]  }
0xbb: {  	[tilespmem:v15+s25+$0x0] =	vst.idx.add.f32.msk $0xffff, v16  }
0xbc: {  	v15 =	vor.u32 v5, v14;
	v16 =	vld [tilespmem:s0+$0x20]  }
0xbd: {  	[tilespmem:v20+s25+$0x0] =	vst.idx.add.f32.msk $0xffff, v17  }
0xbe: {  	v61 =	vor.u32 v5, v13;
	[tilespmem:v60+s25+$0x0] =	vst.idx.add.f32.msk $0xffff, v19  }
0xbf: {  	v17 =	vld [tilespmem:s0+$0xB0]  }
0xc0: {  	v23 =	vor.u32 v6, v11;
	v63 =	vld [tilespmem:s0+$0xFFFFFFB0]  }
0xc1: {  	[tilespmem:v15+s25+$0x0] =	vst.idx.add.f32.msk $0xffff, v18;
	v15 =	vor.u32 v6, v12  }
0xc2: {  	v20 =	vor.u32 v6, v14;
	v18 =	vld [tilespmem:s0+$0xFFFFFF30]  }
0xc3: {  	[tilespmem:v61+s25+$0x0] =	vst.idx.add.f32.msk $0xffff, v16  }
0xc4: {  	v19 =	vld [tilespmem:s0+$0x30]  }
0xc5: {  	v62 =	vor.u32 v6, v13;
	[tilespmem:v23+s25+$0x0] =	vst.idx.add.f32.msk $0xffff, v63  }
0xc6: {  	[tilespmem:v15+s25+$0x0] =	vst.idx.add.f32.msk $0xffff, v17  }
0xc7: {  	[tilespmem:v20+s25+$0x0] =	vst.idx.add.f32.msk $0xffff, v18  }
0xc8: {  	v15 =	vld [tilespmem:s0+$0xC0]  }
0xc9: {  	v18 =	vor.u32 v7, v14;
	v16 =	vld [tilespmem:s0+$0xFFFFFF40]  }
0xca: {  	s7 =	simm.s32 $0x4;
	s2 =	simm.s32 $0x4280;
	v17 =	vor.u32 v7, v12;
	[tilespmem:v62+s25+$0x0] =	vst.idx.add.f32.msk $0xffff, v19  }
.LBB2_11:
0xcb: {  	s8 =	smov.u32 s7  }
0xcc: {  	s26 =	sadd.s32 s1, s7;
	v19 =	vld [tilespmem:s0+$0x40];
	s2 =	sadd.s32 $0x200, s2;
	s8 =	sadd.s32 $0x4, s7  }
0xcd: {  	v22 =	vor.u32 v7, v13;
	v20 =	vmov s26;
	s10 =	sadd.s32 $0x1, s26;
	s4 =	sadd.s32 $0x2, s26;
	s26 =	sadd.s32 $0x3, s26;
	v21 =	vld [tilespmem:s2+$0xFFFFFF00]  }
0xce: {  	p0 =	slt.u32 s7, $0x7C;
	v20 =	vand.u32 $0xFFFFFFFC, v20;
	v23 =	vmov s10;
	v24 =	vmov s4;
	[tilespmem:v18+s25+$0x0] =	vst.idx.add.f32.msk $0xffff, v16  }
0xcf: {  	v16 =	vbroadcast v20, $0x0;
	v18 =	vand.u32 $0xFFFFFFFD, v23;
	v20 =	vand.u32 $0xFFFFFFFE, v24;
	[tilespmem:v17+s25+$0x0] =	vst.idx.add.f32.msk $0xffff, v15  }
0xd0: {  	v15 =	vbroadcast v18, $0x0;
	v17 =	vmov s26;
	v18 =	vld [tilespmem:s2+$0x80]  }
0xd1: {  	v20 =	vbroadcast v20, $0x0;
	v23 =	vld [tilespmem:s2+$0xFFFFFF80]  }
0xd2: {  	v24 =	vld [tilespmem:s0+$0xFFFFFF50]  }
0xd3: {  	v25 =	vor.u32 v8, v14;
	[tilespmem:v22+s25+$0x0] =	vst.idx.add.f32.msk $0xffff, v19  }
0xd4: {  	v19 =	vld [tilespmem:s0+$0x50]  }
0xd5: {  	v26 =	vor.u32 v7, v11;
	v22 =	vld [tilespmem:s0+$0xFFFFFFC0]  }
0xd6: {  	v27 =	vld [tilespmem:s0+$0xD0]  }
0xd7: {  	v17 =	vld.idx.msk [tilespmem:v17+s24+$0x0], $0xffff  }
0xd8: {  	[tilespmem:v25+s25+$0x0] =	vst.idx.add.f32.msk $0xffff, v24;
	v24 =	vor.u32 v8, v13  }
0xd9: {  	v25 =	vor.u32 v8, v12;
	v15 =	vld.idx.msk [tilespmem:v15+s24+$0x0], $0xffff  }
0xda: {  	[tilespmem:v26+s25+$0x0] =	vst.idx.add.f32.msk $0xffff, v22  }
0xdb: {  	v16 =	vld.idx.msk [tilespmem:v16+s24+$0x0], $0xffff  }
0xdc: {  	v22 =	vld [tilespmem:s0+$0xFFFFFF60]  }
0xdd: {  	v26 =	vor.u32 v9, v14;
	[tilespmem:v24+s25+$0x0] =	vst.idx.add.f32.msk $0xffff, v19  }
0xde: {  	[tilespmem:v25+s25+$0x0] =	vst.idx.add.f32.msk $0xffff, v27  }
0xdf: {  	v19 =	vld [tilespmem:s0+$0xE0]  }
0xe0: {  	v15 =	vshll.u32 v15, $0x7;
	v25 =	vor.u32 v9, v12;
	v24 =	vld [tilespmem:s0+$0xFFFFFFD0]  }
0xe1: {  	v28 =	vor.u32 v8, v11;
	v17 =	vshll.u32 v17, $0x7;
	v27 =	vor.u32 v1, v15;
	v20 =	vld.idx.msk [tilespmem:v20+s24+$0x0], $0xffff  }
0xe2: {  	v29 =	vor.u32 v1, v17;
	[tilespmem:v26+s25+$0x0] =	vst.idx.add.f32.msk $0xffff, v22  }
0xe3: {  	v26 =	vor.u32 v10, v14;
	v14 =	vshll.u32 v16, $0x7;
	v22 =	vld [tilespmem:s0+$0xFFFFFF70]  }
0xe4: {  	v31 =	vor.u32 v9, v13;
	v16 =	vor.u32 v1, v14;
	v30 =	vld [tilespmem:s0+$0x60]  }
0xe5: {  	[tilespmem:v25+s25+$0x0] =	vst.idx.add.f32.msk $0xffff, v19  }
0xe6: {  	[tilespmem:v28+s25+$0x0] =	vst.idx.add.f32.msk $0xffff, v24  }
0xe7: {  	v19 =	vshll.u32 v20, $0x7;
	v24 =	vor.u32 v9, v11;
	v20 =	vld [tilespmem:s0+$0xFFFFFFE0]  }
0xe8: {  	v25 =	vor.u32 v4, v17;
	[tilespmem:v26+s25+$0x0] =	vst.idx.add.f32.msk $0xffff, v22  }
0xe9: {  	[tilespmem:v31+s25+$0x0] =	vst.idx.add.f32.msk $0xffff, v30  }
0xea: {  	v22 =	vld [tilespmem:s0+$0x70]  }
0xeb: {  	v28 =	vor.u32 v1, v19;
	v26 =	vor.u32 v4, v15;
	v30 =	vld [tilespmem:s0+$0xF0]  }
0xec: {  	[tilespmem:v24+s25+$0x0] =	vst.idx.add.f32.msk $0xffff, v20;
	v20 =	vor.u32 v10, v12;
	v12 =	vmov v17  }
0xed: {  	[tilespmem:v29+s25+$0x0] =	vst.idx.add.f32.msk $0xffff, v18  }
0xee: {  	v17 =	vld [tilespmem:s2+$0x0]  }
0xef: {  	v18 =	vor.u32 v4, v14;
	v24 =	vld [tilespmem:s2+$0x90]  }
0xf0: {  	[tilespmem:v27+s25+$0x0] =	vst.idx.add.f32.msk $0xffff, v23  }
0xf1: {  	[tilespmem:v20+s25+$0x0] =	vst.idx.add.f32.msk $0xffff, v30  }
0xf2: {  	v20 =	vld [tilespmem:s2+$0xFFFFFF90]  }
0xf3: {  	[tilespmem:v16+s25+$0x0] =	vst.idx.add.f32.msk $0xffff, v21;
	v16 =	vor.u32 v4, v19;
	v21 =	vor.u32 v10, v13;
	v13 =	vmov v19  }
0xf4: {  	v19 =	vld [tilespmem:s0+$0xFFFFFFF0];
	s0 =	smov.u32 s2  }
0xf5: {  	[tilespmem:v28+s25+$0x0] =	vst.idx.add.f32.msk $0xffff, v17  }
0xf6: {  	v23 =	vor.u32 v10, v11;
	v11 =	vmov v15;
	v17 =	vld [tilespmem:s2+$0x10]  }
0xf7: {  	v15 =	vld [tilespmem:s2+$0xFFFFFF10]  }
0xf8: {  	[tilespmem:v21+s25+$0x0] =	vst.idx.add.f32.msk $0xffff, v22  }
0xf9: {  	[tilespmem:v25+s25+$0x0] =	vst.idx.add.f32.msk $0xffff, v24  }
0xfa: {  	v21 =	vld [tilespmem:s2+$0xA0]  }
0xfb: {  	[tilespmem:v23+s25+$0x0] =	vst.idx.add.f32.msk $0xffff, v19  }
0xfc: {  	[tilespmem:v18+s25+$0x0] =	vst.idx.add.f32.msk $0xffff, v15  }
0xfd: {  	v18 =	vor.u32 v5, v12;
	v15 =	vld [tilespmem:s2+$0xFFFFFF20]  }
0xfe: {  	[tilespmem:v16+s25+$0x0] =	vst.idx.add.f32.msk $0xffff, v17  }
0xff: {  	v16 =	vor.u32 v5, v14;
	[tilespmem:v26+s25+$0x0] =	vst.idx.add.f32.msk $0xffff, v20  }
0x100: {  	v17 =	vld [tilespmem:s2+$0x20]  }
0x101: {  	v20 =	vor.u32 v5, v11;
	v19 =	vld [tilespmem:s2+$0xFFFFFFA0]  }
0x102: {  	v22 =	vor.u32 v5, v13;
	[tilespmem:v18+s25+$0x0] =	vst.idx.add.f32.msk $0xffff, v21  }
0x103: {  	v18 =	vld [tilespmem:s2+$0xB0]  }
0x104: {  	[tilespmem:v16+s25+$0x0] =	vst.idx.add.f32.msk $0xffff, v15;
	v15 =	vor.u32 v6, v12  }
0x105: {  	v16 =	vld [tilespmem:s2+$0xFFFFFF30]  }
0x106: {  	v21 =	vor.u32 v6, v14;
	[tilespmem:v20+s25+$0x0] =	vst.idx.add.f32.msk $0xffff, v19  }
0x107: {  	[tilespmem:v22+s25+$0x0] =	vst.idx.add.f32.msk $0xffff, v17  }
0x108: {  	v17 =	vld [tilespmem:s2+$0x30]  }
0x109: {  	v19 =	vor.u32 v6, v13;
	[tilespmem:v15+s25+$0x0] =	vst.idx.add.f32.msk $0xffff, v18  }
0x10a: {  	v22 =	vor.u32 v6, v11;
	v20 =	vld [tilespmem:s2+$0xFFFFFFB0]  }
.Ltmp10:
0x10b: {  	[tilespmem:v21+s25+$0x0] =	vst.idx.add.f32.msk $0xffff, v16;
	(pc) =	sbr.rel @p0 .LBB2_11-.Ltmp10, $4  }
0x10c: {  	v16 =	vld [tilespmem:s2+$0xFFFFFF40]  }
0x10d: {  	v18 =	vor.u32 v7, v14;
	v15 =	vld [tilespmem:s2+$0xC0]  }
0x10e: {  	[tilespmem:v19+s25+$0x0] =	vst.idx.add.f32.msk $0xffff, v17;
	v17 =	vor.u32 v7, v12  }
0x10f: {  	s7 =	smov.u32 s8;
	[tilespmem:v22+s25+$0x0] =	vst.idx.add.f32.msk $0xffff, v20  }
0x110: {  	_ =	sdelay $0x1  }
0x111: {  	v19 =	vld [tilespmem:s0+$0x40]  }
0x112: {  	v20 =	vor.u32 v7, v13;
	v49 =	vld [tilespmem:s0+$0xFFFFFFC0]  }
0x113: {  	v50 =	vor.u32 v7, v11;
	[tilespmem:v18+s25+$0x0] =	vst.idx.add.f32.msk $0xffff, v16  }
0x114: {  	[tilespmem:v17+s25+$0x0] =	vst.idx.add.f32.msk $0xffff, v15  }
0x115: {  	v47 =	vld [tilespmem:s0+$0xFFFFFF50]  }
0x116: {  	v48 =	vor.u32 v8, v14;
	v21 =	vld [tilespmem:s0+$0xD0]  }
0x117: {  	[tilespmem:v20+s25+$0x0] =	vst.idx.add.f32.msk $0xffff, v19  }
0x118: {  	v22 =	vor.u32 v8, v12;
	[tilespmem:v50+s25+$0x0] =	vst.idx.add.f32.msk $0xffff, v49  }
0x119: {  	v19 =	vld [tilespmem:s0+$0x50]  }
0x11a: {  	v51 =	vor.u32 v8, v13;
	v17 =	vld [tilespmem:s0+$0xFFFFFFD0]  }
0x11b: {  	v53 =	vor.u32 v8, v11;
	[tilespmem:v48+s25+$0x0] =	vst.idx.add.f32.msk $0xffff, v47  }
0x11c: {  	v15 =	vld [tilespmem:s0+$0xFFFFFF60]  }
0x11d: {  	[tilespmem:v22+s25+$0x0] =	vst.idx.add.f32.msk $0xffff, v21  }
0x11e: {  	v52 =	vor.u32 v9, v14;
	v54 =	vld [tilespmem:s0+$0xE0]  }
0x11f: {  	[tilespmem:v51+s25+$0x0] =	vst.idx.add.f32.msk $0xffff, v19  }
0x120: {  	v55 =	vor.u32 v9, v12;
	[tilespmem:v53+s25+$0x0] =	vst.idx.add.f32.msk $0xffff, v17  }
0x121: {  	v56 =	vld [tilespmem:s0+$0x60]  }
0x122: {  	v57 =	vor.u32 v9, v13;
	v17 =	vld [tilespmem:s0+$0xFFFFFFE0]  }
0x123: {  	v59 =	vor.u32 v9, v11;
	[tilespmem:v52+s25+$0x0] =	vst.idx.add.f32.msk $0xffff, v15  }
0x124: {  	v58 =	vld [tilespmem:s0+$0xFFFFFF70]  }
0x125: {  	[tilespmem:v55+s25+$0x0] =	vst.idx.add.f32.msk $0xffff, v54  }
0x126: {  	v61 =	vld [tilespmem:s0+$0xF0]  }
0x127: {  	v60 =	vor.u32 v10, v14;
	[tilespmem:v57+s25+$0x0] =	vst.idx.add.f32.msk $0xffff, v56  }
0x128: {  	v62 =	vor.u32 v10, v12;
	[tilespmem:v59+s25+$0x0] =	vst.idx.add.f32.msk $0xffff, v17  }
0x129: {  	v63 =	vor.u32 v10, v13;
	s31 =	sadd.s32 $0x1, s31;
	v15 =	vld [tilespmem:s0+$0x70]  }
0x12a: {  	v11 =	vor.u32 v10, v11;
	p0 =	sne.s32 s31, s30;
	v17 =	vld [tilespmem:s0+$0xFFFFFFF0]  }
.Ltmp11:
0x12b: {  	_ = 	snop;
	(pc) =	sbr.rel @p0 .LBB2_10-.Ltmp11, $4  }
.Ltmp12:
0x12c: {  	[tilespmem:v60+s25+$0x0] =	vst.idx.add.f32.msk $0xffff, v58;
	(pc) =	sbr.rel @!p0 .LBB2_13-.Ltmp12, $4  }
0x12d: {  	[tilespmem:v62+s25+$0x0] =	vst.idx.add.f32.msk $0xffff, v61  }
0x12e: {  	[tilespmem:v63+s25+$0x0] =	vst.idx.add.f32.msk $0xffff, v15  }
0x12f: {  	[tilespmem:v11+s25+$0x0] =	vst.idx.add.f32.msk $0xffff, v17  }
0x130: {  	_ = 	snop  }
.LBB2_15:
0x131: {  	_ =	sfence.sel $0x180000  }
0x132: {  	[bflag:$0x0] =	sbarrier.arrive $0xFFFF  }
0x133: {  	_ =	strace $0x9000004D  }
0x134: {  	s0 =	stileid.u32;
	[bflag:$0x2] =	sbarrier.arrive $0xFFFF  }
0x135: {  	p0 =	sne.s32 s0, $0x0;
	s0 =	rddreg [dreg:$0x1]  }
0x136: {  	s0 =	sadd.s32 @!p0 $0x100000, s0  }
0x137: {  	[sflag:s0] =	ssyncadd.tile.s32 @!p0 $0x1;
	_ =	shalt  }
.Lfunc_end2:
_tile_overlayer_lowered:
.L_overlay_start_2:
0x138: {  	(tag) =	ssettag $0x2  }
0x139: {  	s0 =	rddreg [dreg:$0x0];
	s2 =	stileid.u32  }
0x13a: {  	s1 =	rddreg [dreg:$0x1];
	p0 =	sne.s32 s2, $0x0  }
0x13b: {  	s3 =	rddreg [dreg:$0x2];
	[bflag:$0x3] =	sbarrier.arrive $0xFFFF;
	s2 =	simm.s32 @!p0 $0x1C05  }
0x13c: {  	[timem:s3], [sflag:s2] =	dma.local @!p0 [hbm:s0], s1  }
0x13d: {  	s0 =	simm.s32 @!p0 $0x5  }
0x13e: {  	_ =	swait.ge @!p0 [sflag:s0], s1  }
0x13f: {  	s1 =	ssub.s32 @!p0 $0x0, s1;
	[sflag:s0] =	ssyncset.done @!p0 $0x0  }
0x140: {  	[sflag:s0] =	ssyncadd.s32 @!p0 s1  }
0x141: {  	[bflag:$0x3] =	sbarrier.arrive $0xFFFF  }
0x142: {  	_ =	shalt  }

// kernel: kernel.8.cloned.1.call-start
scs
__scs_entry_jumppad:
0x0: {  	(pc) =	sbr.rel $0x88, $3  }
0x1: {  	(tag) =	ssettag $0x0;
	lr =	simm.s32 $0x1  }
0x2: {  	[smem:$0x3F93] =	sst lr;
	_ =	strace $0xD0000000  }
0x3: {  	_ = 	snop  }
0x4: {  	_ = 	snop  }
0x5: {  	_ = 	snop  }
0x6: {  	_ = 	snop  }
0x7: {  	_ = 	snop  }
__scs_overlays_trampoline_lowered:
0x8: {  	[smem:$0x3FA2] =	sst s0  }
0x9: {  	[smem:$0x3FA3] =	sst s1  }
0xa: {  	[smem:$0x3FA4] =	sst s2  }
0xb: {  	[smem:$0x3FA5] =	sst s3  }
0xc: {  	[smem:$0x3FA6] =	sst s4  }
0xd: {  	[smem:$0x3FA7] =	sst s5  }
0xe: {  	[smem:$0x3FA8] =	sst s6  }
0xf: {  	[smem:$0x3FA9] =	sst s7  }
0x10: {  	[smem:$0x3FAA] =	sst s8  }
0x11: {  	[smem:$0x3FAB] =	sst s9;
	s0 =	simm.s32 @!p0 $0x0  }
0x12: {  	s1 =	sld [smem:$0x3F91];
	s0 =	simm.s32 @p0 $0x1  }
0x13: {  	[smem:$0x3FAC] =	sst s0;
	s0 =	simm.s32 @!p1 $0x0  }
0x14: {  	s2 =	sld [smem:$0x3F90];
	s0 =	simm.s32 @p1 $0x1  }
0x15: {  	[smem:$0x3FAD] =	sst s0;
	s0 =	simm.s32 @!p2 $0x0  }
0x16: {  	s3 =	sld [smem:$0x3FDB];
	s0 =	simm.s32 @p2 $0x1  }
0x17: {  	s4 =	simm.s32 $0x1BF5;
	[smem:$0x3FAF] =	sst s0  }
0x18: {  	s0 =	sld [smem:$0x3F92];
	_ =	swait.ge [sflag:s4], $0x0  }
0x19: {  	s7 =	sld [smem:$0x3F93]  }
0x1a: {  	s8 =	sadd.s32 $0xFFFFE003, lr  }
0x1b: {  	s9 =	sadd.s32 $0xFFFFFEF7, lr;
	s5 =	simm.s32 $0xFFFFFFFF;
	p2 =	slt.u32 s8, $0xFFFFF086  }
0x1c: {  	p1 =	slt.u32 s9, $0xF7A;
	s5 =	simm.s32 @!p2 $0x0  }
0x1d: {  	s5 =	simm.s32 @p1 $0x1;
	p0 =	seq.s32 s7, s2  }
0x1e: {  	s7 =	smul.u32 @!p0 $0xF7A, s2;
	p2 =	seq.s32 @!p0 s5, $0x0  }
0x1f: {  	s9 =	smul.u32 $0xF7A, s1;
	s8 =	simm.s32 @!p0 $0x1BF5;
	p2 =	por !p2, p0  }
0x20: {  	[sflag:s8] =	ssyncset.s32 @!p0 $0xFFFFF086;
	s6 =	sadd.s32 @!p0 s3, s7;
	s7 =	simm.s32 @!p0 $0x108  }
0x21: {  	s3 =	sadd.s32 s3, s9;
	s6 =	sadd.s32 @!p0 $0x88, s6;
	s7 =	simm.s32 @p2 $0x1082  }
0x22: {  	[simem:s7], [sflag:s8] =	dma.local @!p0 [hbm:s6], $0xF7A  }
0x23: {  	s9 =	sor.u32 $0xD0000000, s2;
	s6 =	simm.s32 $0x108;
	_ =	swait.ge @!p0 [sflag:s8], $0x0  }
0x24: {  	s3 =	sadd.s32 $0x88, s3;
	s6 =	simm.s32 @!p1 $0x1082;
	[sflag:s4] =	ssyncset.s32 $0xFFFFF086  }
0x25: {  	[simem:s6], [sflag:s4] =	dma.local [hbm:s3], $0xF7A  }
0x26: {  	[smem:$0x3F93] =	sst s1;
	(tag) =	ssettag s2;
	_ =	strace s9  }
0x27: {  	s1 =	sld [smem:$0x3FA3]  }
0x28: {  	s2 =	sld [smem:$0x3FA4]  }
0x29: {  	s4 =	sld [smem:$0x3FA6]  }
0x2a: {  	p0 =	seq.s32 s5, $0x0;
	s5 =	sld [smem:$0x3FA7]  }
0x2b: {  	s6 =	sld [smem:$0x3FA8]  }
0x2c: {  	s7 =	sld [smem:$0x3FA9]  }
0x2d: {  	s3 =	simm.s32 $0x108;
	s8 =	sld [smem:$0x3FAA]  }
0x2e: {  	s3 =	simm.s32 @!p0 $0x1082;
	s9 =	sld [smem:$0x3FAB]  }
0x2f: {  	lr =	sadd.s32 s0, s3;
	s0 =	sld [smem:$0x3FA2]  }
0x30: {  	s3 =	sld [smem:$0x3FA5]  }
0x31: {  	[smem:$0x3FAE] =	sst s10  }
0x32: {  	s10 =	sld [smem:$0x3FAC];
	_ =	sdelay $0x3  }
0x33: {  	p0 =	seq.s32 s10, $0x1;
	s10 =	sld [smem:$0x3FAE];
	_ =	sdelay $0x3  }
0x34: {  	[smem:$0x3FAE] =	sst s10  }
0x35: {  	s10 =	sld [smem:$0x3FAD];
	_ =	sdelay $0x3  }
0x36: {  	p1 =	seq.s32 s10, $0x1;
	s10 =	sld [smem:$0x3FAE];
	_ =	sdelay $0x3  }
0x37: {  	[smem:$0x3FAE] =	sst s10  }
0x38: {  	s10 =	sld [smem:$0x3FAF]  }
0x39: {  	_ = 	snop;
	(pc) =	sbr.ind lr, $3  }
0x3a: {  	_ = 	snop  }
0x3b: {  	_ = 	snop  }
0x3c: {  	p2 =	seq.s32 s10, $0x1;
	s10 =	sld [smem:$0x3FAE]  }
0x3d: {  	_ =	shalt  }
0x3e: {  	_ =	shalt  }
0x3f: {  	_ =	shalt  }
0x40: {  	_ =	shalt  }
0x41: {  	_ =	shalt  }
0x42: {  	_ =	shalt  }
0x43: {  	_ =	shalt  }
0x44: {  	_ =	shalt  }
0x45: {  	_ =	shalt  }
0x46: {  	_ =	shalt  }
0x47: {  	_ =	shalt  }
0x48: {  	_ =	shalt  }
0x49: {  	_ =	shalt  }
0x4a: {  	_ =	shalt  }
0x4b: {  	_ =	shalt  }
0x4c: {  	_ =	shalt  }
0x4d: {  	_ =	shalt  }
0x4e: {  	_ =	shalt  }
0x4f: {  	_ =	shalt  }
0x50: {  	_ =	shalt  }
0x51: {  	_ =	shalt  }
0x52: {  	_ =	shalt  }
0x53: {  	_ =	shalt  }
0x54: {  	_ =	shalt  }
0x55: {  	_ =	shalt  }
0x56: {  	_ =	shalt  }
0x57: {  	_ =	shalt  }
0x58: {  	_ =	shalt  }
0x59: {  	_ =	shalt  }
0x5a: {  	_ =	shalt  }
0x5b: {  	_ =	shalt  }
0x5c: {  	_ =	shalt  }
0x5d: {  	_ =	shalt  }
0x5e: {  	_ =	shalt  }
0x5f: {  	_ =	shalt  }
0x60: {  	_ =	shalt  }
0x61: {  	_ =	shalt  }
0x62: {  	_ =	shalt  }
0x63: {  	_ =	shalt  }
0x64: {  	_ =	shalt  }
0x65: {  	_ =	shalt  }
0x66: {  	_ =	shalt  }
0x67: {  	_ =	shalt  }
0x68: {  	_ =	shalt  }
0x69: {  	_ =	shalt  }
0x6a: {  	_ =	shalt  }
0x6b: {  	_ =	shalt  }
0x6c: {  	_ =	shalt  }
0x6d: {  	_ =	shalt  }
0x6e: {  	_ =	shalt  }
0x6f: {  	_ =	shalt  }
0x70: {  	_ =	shalt  }
0x71: {  	_ =	shalt  }
0x72: {  	_ =	shalt  }
0x73: {  	_ =	shalt  }
0x74: {  	_ =	shalt  }
0x75: {  	_ =	shalt  }
0x76: {  	_ =	shalt  }
0x77: {  	_ =	shalt  }
0x78: {  	_ =	shalt  }
0x79: {  	_ =	shalt  }
0x7a: {  	_ =	shalt  }
0x7b: {  	_ =	shalt  }
0x7c: {  	_ =	shalt  }
0x7d: {  	_ =	shalt  }
0x7e: {  	_ =	shalt  }
0x7f: {  	_ =	shalt  }
0x80: {  	_ =	shalt  }
0x81: {  	_ =	shalt  }
0x82: {  	_ =	shalt  }
0x83: {  	_ =	shalt  }
0x84: {  	_ =	shalt  }
0x85: {  	_ =	shalt  }
0x86: {  	_ =	shalt  }
0x87: {  	_ =	shalt  }
.Lfunc_end0:
.L_simem_size_0:
called_computation_lowered:
.L_overlay_start_0:
0x88: {  	s2 =	sld [smem:$0x3FD9]  }
0x89: {  	s3 =	sld [smem:$0x3FFE];
	_ =	sdelay $0x1  }
0x8a: {  	s1 =	srdreg.scid  }
0x8b: {  	s0 =	sand.u32 $0x1, s1  }
0x8c: {  	s16 =	sshll.u32 s0, $0xA;
	s2 =	sadd.s32 s3, s2  }
0x8d: {  	s2 =	sadd.s32 s2, s16  }
0x8e: {  	[smem:$0x3FBA] =	sst s2  }
0x8f: {  	_ = 	snop  }
0x90: {  	(tm) =	ssettm $0x1  }
0x91: {  	s17 =	sld [smem:$0x3FFB];
	_ =	sdelay $0x3  }
0x92: {  	_ =	strace s17  }
0x93: {  	s2 =	sld [smem:$0x3FFC];
	_ =	sdelay $0x3  }
0x94: {  	_ =	strace s2  }
0x95: {  	s2 =	sld [smem:$0x3FFD];
	_ =	sdelay $0x3  }
0x96: {  	_ =	strace s2  }
0x97: {  	_ =	strace $0x8FFFFFFF  }
0x98: {  	s18 =	sld [smem:$0x3FDB];
	_ =	sdelay $0x1  }
0x99: {  	s19 =	simm.s32 $_scs_section_size  }
0x9a: {  	s4 =	simm.s32 $_size__tile_overlayer_lowered;
	s5 =	simm.s32 $_tile_overlayer_lowered  }
0x9b: {  	s22 =	simm.s32 $0x1BFF;
	s21 =	sshll.u32 s5, $0x1;
	s2 =	sadd.s32 s19, s18  }
0x9c: {  	s6 =	simm.s32 $0x0;
	s20 =	sshll.u32 s4, $0x1;
	s4 =	sadd.s32 s21, s2  }
0x9d: {  	[timem:s6], [sflag:s22] =	dma.local [hbm:s4], s20  }
0x9e: {  	_ =	swait.ge [sflag:s22], s20  }
0x9f: {  	s3 =	ssub.s32 $0x0, s20;
	[sflag:s22] =	ssyncset.done $0x0  }
0xa0: {  	[sflag:s22] =	ssyncadd.s32 s3;
	_ =	sdelay $0x1  }
0xa1: {  	s23 =	simm.s32 $0x1B8B  }
0xa2: {  	_ =	swait.ge [sflag:s23], $0x1  }
0xa3: {  	[sflag:s23] =	ssyncset.done $0x0  }
0xa4: {  	s25 =	simm.s32 $0x1B8E;
	s24 =	sld [smem:$0x3FFE];
	[sflag:s23] =	ssyncadd.s32 $0xFFFFFFFF  }
0xa5: {  	s26 =	simm.s32 $execute0_lowered;
	[smem:$0x3FD2] =	sst s25  }
0xa6: {  	s4 =	sshll.u32 s26, $0x1;
	_ =	strace $0x80000046;
	[dreg:$0x1] =	wrdreg $0xFFFFFFFF  }
0xa7: {  	s28 =	simm.s32 $_size_execute0_lowered;
	s2 =	sadd.s32 s2, s4;
	[dreg:$0x0] =	wrdreg $0x0  }
0xa8: {  	s4 =	sshll.u32 s28, $0x1;
	[dreg:$0x2] =	wrdreg s2  }
0xa9: {  	[dreg:$0x3] =	wrdreg s4  }
0xaa: {  	[dreg:$0x4] =	wrdreg $0xC0  }
0xab: {  	_ =	task [dreg:s6], $0x5FFFF  }
0xac: {  	[dreg:$0x1] =	wrdreg $0xFFFFFFFF  }
0xad: {  	[dreg:$0x0] =	wrdreg $0x60  }
0xae: {  	[dreg:$0x2] =	wrdreg s24  }
0xaf: {  	[dreg:$0x3] =	wrdreg $0x9  }
0xb0: {  	_ =	task.clear_ibuf [dreg:s6], $0x4FFFF;
	_ =	strace $0x90000046  }
0xb1: {  	s29 =	simm.s32 $0x9;
	_ =	strace $0x80000048  }
0xb2: {  	_ =	swait.ge [sflag:s29], $0x1  }
0xb3: {  	[sflag:s29] =	ssyncadd.s32 $0xFFFFFFFF  }
0xb4: {  	_ =	strace $0x90000048  }
0xb5: {  	_ =	sfence  }
0xb6: {  	s30 =	sld [smem:$0x0];
	_ =	sdelay $0x2  }
0xb7: {  	s31 =	sshll.u32 s1, $0xD;
	s1 =	sshrl.u32 s1, $0x2  }
0xb8: {  	s3 =	sand.u32 $0x4000, s31;
	s1 =	sadd.s32 s1, s30  }
0xb9: {  	s0 =	sor.u32 s3, s0;
	s1 =	sshll.u32 s1, $0x11  }
0xba: {  	s0 =	sor.u32 s1, s0  }
0xbb: {  	s0 =	sadd.s32 $0x8F2B, s0  }
0xbc: {  	[sflag:s0] =	ssyncadd.remote.s32 $0x1  }
0xbd: {  	_ =	sfence.sel $0xFFFF  }
0xbe: {  	[dreg:$0x0] =	wrdreg $0xFFFFFFFF;
	(pc) =	sbr.abs _section_cstart, $3  }
0xbf: {  	[dreg:$0x1] =	wrdreg $0xFFFFFFFF  }
0xc0: {  	_ =	task.clear_ibuf [dreg:s6], $0x2FFFF;
	_ =	strace $0x9FFFFFFF  }
0xc1: {  	(tm) =	ssettm $0x7FFFFFFF  }
tec
execute0_lowered:
.L_overlay_start_1:
0x0: {  	(tag) =	ssettag $0x1  }
0x1: {  	s0 =	srdreg.scid  }
0x2: {  	s5 =	rddreg [dreg:$0x0];
	s1 =	stileid.u32;
	s2 =	simm.s32 $0x0  }
0x3: {  	s9 =	simm.s32 $0x1;
	s10 =	simm.s32 $0x800;
	s11 =	simm.s32 $0x1000  }
0x4: {  	s12 =	simm.s32 $0x3800;
	s13 =	simm.s32 $0x80;
	s4 =	sand.u32 $0x1, s0  }
0x5: {  	s14 =	simm.s32 $0x100;
	s15 =	simm.s32 $0x0;
	s3 =	sshll.u32 s4, $0x4  }
0x6: {  	s0 =	rddreg [dreg:$0x1];
	s8 =	ssub.s32 $0x2, s4;
	s6 =	sor.u32 s1, s3  }
0x7: {  	[smem:$0x7FF] =	sst s2;
	s31 =	sshrl.u32 s8, $0x1;
	s7 =	smul.u32 $0xA00, s6  }
0x8: {  	_ =	strace $0x80000047;
	s4 =	sadd.s32 $0xCC00, s5;
	s8 =	ssub.s32 s8, s31  }
0x9: {  	s3 =	sadd.s32 $0x2C00, s5;
	s8 =	smax.u32 s8, $0x1;
	s7 =	sadd.s32 s7, s5  }
0xa: {  	v0 =	vimm.f32 $0.0e+00;
	v1 =	vimm.f32 $1.000000000e+00;
	s5 =	smul.u32 $0x2800, s6;
	s6 =	sadd.s32 $0x16C00, s7;
	s7 =	sadd.s32 $0x16C10, s7  }
.LBB2_1:
0xb: {  	s16 =	simm.s32 $0x0  }
.LBB2_2:
0xc: {  	p0 =	sne.s32 s16, $0x9FC0  }
.Ltmp0:
0xd: {  	_ = 	snop;
	(pc) =	sbr.rel @p0 .LBB2_2-.Ltmp0, $4  }
0xe: {  	_ = 	snop  }
0xf: {  	s17 =	sshra.s32 s16, $0x2  }
0x10: {  	[tilespmem:s17+$0x1000] =	vst v0  }
0x11: {  	s16 =	sadd.s32 $0x40, s16;
	[tilespmem:s17+$0x3800] =	vst v0  }
0x12: {  	s16 =	simm.s32 $0x0  }
.LBB2_4:
0x13: {  	s17 =	sshll.u32 s16, $0xB  }
0x14: {  	s17 =	sadd.s32 s5, s17  }
0x15: {  	s17 =	sshrl.u32 s17, $0x3  }
0x16: {  	s18 =	sadd.s32 s3, s17  }
0x17: {  	[tilespmem:s2], [sflag:$0x1] =	stream.linear.gather [hbm4b:s18+s2], $0x800, $0x38;
	[tilespmem:$0x6000] =	vst v63  }
0x18: {  	_ =	swait.ge [sflag:s9], $0x800  }
0x19: {  	[sflag:s9] =	ssyncset.done $0x0  }
0x1a: {  	s17 =	sadd.s32 s4, s17;
	[sflag:s9] =	ssyncadd.s32 $0xFFFFF800  }
0x1b: {  	[tilespmem:s10], [sflag:$0x1] =	stream.linear.gather [hbm4b:s17+s2], $0x800, $0x38;
	[tilespmem:$0x6000] =	vst v63  }
0x1c: {  	_ =	swait.ge [sflag:s9], $0x800  }
0x1d: {  	[sflag:s9] =	ssyncset.done $0x0  }
0x1e: {  	s31 =	simm.s32 $0x20;
	[sflag:s9] =	ssyncadd.s32 $0xFFFFF800  }
0x1f: {  	v3 =	vld [tilespmem:s31+$0x10]  }
0x20: {  	v5 =	vld [tilespmem:s31+$0xFFFFFFF0]  }
0x21: {  	v7 =	vld [tilespmem:s31+$0x0]  }
0x22: {  	s17 =	simm.s32 $0x820;
	v9 =	vld [tilespmem:s31+$0xFFFFFFE0]  }
0x23: {  	v4 =	vld [tilespmem:s17+$0x10]  }
0x24: {  	v6 =	vld [tilespmem:s17+$0xFFFFFFF0]  }
0x25: {  	v8 =	vld [tilespmem:s17+$0x0]  }
0x26: {  	v2 =	vld [tilespmem:s17+$0xFFFFFFE0]  }
0x27: {  	[tilespmem:v3+s11+$0x0] =	vst.idx.add.f32.msk $0xffff, v1  }
0x28: {  	[tilespmem:v5+s11+$0x0] =	vst.idx.add.f32.msk $0xffff, v1  }
0x29: {  	[tilespmem:v7+s11+$0x0] =	vst.idx.add.f32.msk $0xffff, v1  }
0x2a: {  	[tilespmem:v9+s11+$0x0] =	vst.idx.add.f32.msk $0xffff, v1  }
0x2b: {  	[tilespmem:v4+s12+$0x0] =	vst.idx.add.f32.msk $0xffff, v1  }
0x2c: {  	[tilespmem:v6+s12+$0x0] =	vst.idx.add.f32.msk $0xffff, v1  }
0x2d: {  	s19 =	simm.s32 $0x60;
	s18 =	simm.s32 $0x0;
	[tilespmem:v8+s12+$0x0] =	vst.idx.add.f32.msk $0xffff, v1  }
.LBB2_5:
0x2e: {  	v3 =	vld [tilespmem:s19+$0x10];
	s17 =	sadd.s32 $0x40, s17  }
0x2f: {  	s18 =	sadd.s32 $0x4, s18;
	v4 =	vld [tilespmem:s17+$0x10]  }
0x30: {  	p0 =	slt.u32 s18, $0x7C;
	v5 =	vld [tilespmem:s17+$0xFFFFFFE0]  }
0x31: {  	v6 =	vld [tilespmem:s19+$0xFFFFFFF0]  }
0x32: {  	v7 =	vld [tilespmem:s17+$0xFFFFFFF0]  }
0x33: {  	v8 =	vld [tilespmem:s19+$0x0]  }
0x34: {  	v9 =	vld [tilespmem:s17+$0x0]  }
0x35: {  	v10 =	vld [tilespmem:s19+$0xFFFFFFE0]  }
0x36: {  	[tilespmem:v3+s11+$0x0] =	vst.idx.add.f32.msk $0xffff, v1  }
0x37: {  	[tilespmem:v4+s12+$0x0] =	vst.idx.add.f32.msk $0xffff, v1  }
0x38: {  	[tilespmem:v2+s12+$0x0] =	vst.idx.add.f32.msk $0xffff, v1;
	v2 =	vmov v5  }
.Ltmp1:
0x39: {  	[tilespmem:v6+s11+$0x0] =	vst.idx.add.f32.msk $0xffff, v1;
	(pc) =	sbr.rel @p0 .LBB2_5-.Ltmp1, $4  }
0x3a: {  	[tilespmem:v7+s12+$0x0] =	vst.idx.add.f32.msk $0xffff, v1  }
0x3b: {  	[tilespmem:v8+s11+$0x0] =	vst.idx.add.f32.msk $0xffff, v1  }
0x3c: {  	[tilespmem:v9+s12+$0x0] =	vst.idx.add.f32.msk $0xffff, v1  }
0x3d: {  	s19 =	sadd.s32 $0x40, s19;
	[tilespmem:v10+s11+$0x0] =	vst.idx.add.f32.msk $0xffff, v1  }
0x3e: {  	s16 =	sadd.s32 $0x1, s16  }
0x3f: {  	p0 =	sne.s32 s16, $0x5  }
.Ltmp2:
0x40: {  	_ = 	snop;
	(pc) =	sbr.rel @p0 .LBB2_4-.Ltmp2, $2  }
0x41: {  	_ =	sdelay $0x2  }
0x42: {  	[tilespmem:v2+s12+$0x0] =	vst.idx.add.f32.msk $0xffff, v1  }
0x43: {  	[hbm4b:s6+s13] =	stream.strided.scatter [tilespmem:s11], [sflag:$0x1], $0x2800, s14, s13, $0x38;
	[tilespmem:$0x6000] =	vst v63  }
0x44: {  	s15 =	sadd.s32 $0x1, s15;
	_ =	swait.ge [sflag:s9], $0x2800  }
0x45: {  	p0 =	sne.s32 s15, s8;
	[sflag:s9] =	ssyncset.done $0x0  }
.Ltmp3:
0x46: {  	[sflag:s9] =	ssyncadd.s32 $0xFFFFD800;
	(pc) =	sbr.rel @p0 .LBB2_1-.Ltmp3, $4  }
0x47: {  	[hbm4b:s7+s13] =	stream.strided.scatter [tilespmem:s12], [sflag:$0x1], $0x2800, s14, s13, $0x38;
	[tilespmem:$0x6000] =	vst v63  }
0x48: {  	_ =	swait.ge [sflag:s9], $0x2800  }
0x49: {  	[sflag:s9] =	ssyncset.done $0x0  }
0x4a: {  	[sflag:s9] =	ssyncadd.s32 $0xFFFFD800  }
0x4b: {  	_ =	sfence.sel $0x180000  }
0x4c: {  	[bflag:$0x0] =	sbarrier.arrive $0xFFFF  }
0x4d: {  	p0 =	sne.s32 s1, $0x0;
	_ =	strace $0x90000047  }
0x4e: {  	s0 =	sadd.s32 @!p0 $0x100000, s0;
	[bflag:$0x2] =	sbarrier.arrive $0xFFFF  }
0x4f: {  	[sflag:s0] =	ssyncadd.tile.s32 @!p0 $0x1;
	_ =	shalt  }
.Lfunc_end2:
_tile_overlayer_lowered:
.L_overlay_start_2:
0x50: {  	(tag) =	ssettag $0x2  }
0x51: {  	s0 =	rddreg [dreg:$0x0];
	s2 =	stileid.u32  }
0x52: {  	s1 =	rddreg [dreg:$0x1];
	p0 =	sne.s32 s2, $0x0  }
0x53: {  	s3 =	rddreg [dreg:$0x2];
	[bflag:$0x3] =	sbarrier.arrive $0xFFFF;
	s2 =	simm.s32 @!p0 $0x1C01  }
0x54: {  	[timem:s3], [sflag:s2] =	dma.local @!p0 [hbm:s0], s1  }
0x55: {  	s0 =	simm.s32 @!p0 $0x1  }
0x56: {  	_ =	swait.ge @!p0 [sflag:s0], s1  }
0x57: {  	s1 =	ssub.s32 @!p0 $0x0, s1;
	[sflag:s0] =	ssyncset.done @!p0 $0x0  }
0x58: {  	[sflag:s0] =	ssyncadd.s32 @!p0 s1  }
0x59: {  	[bflag:$0x3] =	sbarrier.arrive $0xFFFF  }
0x5a: {  	_ =	shalt  }

</sc_bundles>
